<compile_context>
chip_gen: v7x
topology: tpu7x:2x2x1
jax: 0.10.2.dev20260603
libtpu: 0.0.44.dev20260713+nightly
codegen_flags: <defaults>
</compile_context>

<pallas_src>
import functools

import jax
import jax.numpy as jnp
from jax import lax
from jax.experimental import pallas as pl
from jax.experimental.pallas import tpu as pltpu
from jax.experimental.pallas import tpu_sc as plsc

B = 16384
F = 64
NC = 2
NS = 16
NW = NC * NS
BPW = B // NW
BLK = 128
NBUF = 4
PF = NBUF - 1
NBUFI = 6
PFI = NBUFI - 1

_mesh = plsc.VectorSubcoreMesh(core_axis_name="c", subcore_axis_name="s")


@functools.partial(
    pl.kernel,
    mesh=_mesh,
    out_type=jax.ShapeDtypeStruct((NW, BPW), jnp.float32),
    scratch_types=[
        pltpu.VMEM((2, BPW), jnp.int32),
        pltpu.SMEM((BPW,), jnp.int32),
        pltpu.SMEM((BPW,), jnp.int32),
        pltpu.VMEM((NBUF, F, BLK), jnp.float32),
        pltpu.VMEM((NBUFI, F, BLK), jnp.float32),
        pltpu.VMEM((F, BPW), jnp.float32),
        pltpu.VMEM((BPW,), jnp.float32),
        pltpu.SemaphoreType.DMA,
        pltpu.SemaphoreType.DMA,
    ],
    compiler_params=pltpu.CompilerParams(needs_layout_passes=False),
)
def _cf_kernel(user_hbm, item_hbm, utT_hbm, itT_hbm, out_hbm,
               idxstage_v, uidx_s, iidx_s, ublk_v, iblk_v,
               prodT_v, out_v, usem, isem):
    wid = lax.axis_index("s") * NC + lax.axis_index("c")

    pltpu.sync_copy(user_hbm.at[wid], idxstage_v.at[0])
    pltpu.sync_copy(item_hbm.at[wid], idxstage_v.at[1])

    def smem_fill(g, carry):
        u16 = idxstage_v[0, pl.ds(g * 16, 16)]
        i16 = idxstage_v[1, pl.ds(g * 16, 16)]
        for l in range(16):
            uidx_s[g * 16 + l] = u16[l]
            iidx_s[g * 16 + l] = i16[l]
        return carry

    lax.fori_loop(0, BPW // 16, smem_fill, 0)

    lane = lax.iota(jnp.int32, 16)

    def ublock_new(k):
        kc = jnp.minimum(k, BPW - 1)
        blk = uidx_s[kc] >> 7
        prev = uidx_s[jnp.maximum(kc - 1, 0)] >> 7
        return (kc == 0) | (blk != prev)

    def fire_user(k, slot):
        u = uidx_s[jnp.minimum(k, BPW - 1)]
        pltpu.async_copy(
            utT_hbm.at[:, pl.ds((u >> 7) * BLK, BLK)],
            ublk_v.at[slot], usem)

    def fire_item(k, slot):
        iv = iidx_s[jnp.minimum(k, BPW - 1)]
        pltpu.async_copy(
            itT_hbm.at[:, pl.ds((iv >> 7) * BLK, BLK)],
            iblk_v.at[slot], isem)

    nf = jnp.int32(0)
    for k0 in range(PF):
        cond = ublock_new(jnp.int32(k0))
        slot = nf & (NBUF - 1)
        pl.when(cond)(lambda k0=k0, slot=slot: fire_user(k0, slot))
        nf = nf + cond.astype(jnp.int32)
    for k0 in range(PFI):
        fire_item(k0, k0 % NBUFI)

    def ring_body(t, carry):
        nf, cus = carry
        for p in range(NBUF):
            k = t * NBUF + p
            cond_f = (k + PF < BPW) & ublock_new(k + PF)
            fslot = nf & (NBUF - 1)
            pl.when(cond_f)(
                lambda k=k, fslot=fslot: fire_user(k + PF, fslot))
            nf = nf + cond_f.astype(jnp.int32)
            islot_f = lax.rem(jnp.int32(k + PFI), jnp.int32(NBUFI))
            pl.when(k + PFI < BPW)(
                lambda k=k, islot_f=islot_f: fire_item(k + PFI, islot_f))

            cond_w = ublock_new(k)

            @pl.when(cond_w)
            def _():
                pltpu.make_async_copy(
                    utT_hbm.at[:, pl.ds(0, BLK)], ublk_v.at[0], usem).wait()

            cus = cus + cond_w.astype(jnp.int32)
            uslot = jnp.full((16,), (cus - 1) & (NBUF - 1), jnp.int32)
            pltpu.make_async_copy(
                itT_hbm.at[:, pl.ds(0, BLK)], iblk_v.at[0], isem).wait()
            islot = jnp.full(
                (16,), lax.rem(jnp.int32(k), jnp.int32(NBUFI)), jnp.int32)

            cu = jnp.full((16,), uidx_s[k] & 127, jnp.int32)
            ci = jnp.full((16,), iidx_s[k] & 127, jnp.int32)
            kk = jnp.full((16,), k, jnp.int32)
            for s in range(4):
                fvec = s * 16 + lane
                uval = plsc.load_gather(ublk_v, [uslot, fvec, cu])
                ival = plsc.load_gather(iblk_v, [islot, fvec, ci])
                plsc.store_scatter(prodT_v, [fvec, kk], uval * ival)
        return nf, cus

    lax.fori_loop(0, BPW // NBUF, ring_body, (nf, jnp.int32(0)))

    def group_body(g, carry):
        acc = jnp.zeros((16,), jnp.float32)
        for f in range(F):
            acc = acc + prodT_v[f, pl.ds(g * 16, 16)]
        out_v[pl.ds(g * 16, 16)] = 1.0 / (1.0 + jnp.exp(-acc))
        return carry

    lax.fori_loop(0, BPW // 16, group_body, 0)

    pltpu.sync_copy(out_v, out_hbm.at[wid])


def kernel(user, item, user_table, item_table):
    perm = jnp.argsort(user)
    inv = jnp.argsort(perm)
    us = user[perm].astype(jnp.int32).reshape(NW, BPW)
    its = item[perm].astype(jnp.int32).reshape(NW, BPW)
    outs = _cf_kernel(us, its, user_table.T, item_table.T)
    return outs.reshape(B)[inv]

# --- scband reference (transcript-rebuilt; emitter-appended) ---
"""Pipeline reference for scband-collaborative-filtering-14499809591402 (READ-ONLY COPY).

The authoritative reference and input builder live on the scoring server;
editing this copy changes nothing except your own understanding.
"""

import jax, jax.numpy as jnp
import numpy as np

N_USERS = 1000000
N_ITEMS = 1000000
N_FACTORS = 64
BATCH = 16384


def setup_inputs(seed: int = 0) -> dict:
    key = jax.random.key(seed)
    k1, k2, k3, k4 = jax.random.split(key, 4)
    user = jax.random.randint(k1, (BATCH,), 0, N_USERS, dtype=jnp.int64 if jax.config.jax_enable_x64 else jnp.int32)
    item = jax.random.randint(k2, (BATCH,), 0, N_ITEMS, dtype=jnp.int64 if jax.config.jax_enable_x64 else jnp.int32)
    # nn.Embedding default init: N(0, 1)
    user_table = jax.random.normal(k3, (N_USERS, N_FACTORS), dtype=jnp.float32)
    item_table = jax.random.normal(k4, (N_ITEMS, N_FACTORS), dtype=jnp.float32)
    return {"user": user, "item": item, "user_table": user_table, "item_table": item_table}


def reference(user, item, user_table, item_table):
    u = jnp.take(user_table, user, axis=0)   # [B, F] gather
    i = jnp.take(item_table, item, axis=0)   # [B, F] gather
    dot = jnp.sum(u * i, axis=1)             # [B]
    return jax.nn.sigmoid(dot)

if __name__ == "__main__":
    import jax
    _d = setup_inputs()
    print(jax.jit(kernel)(*tuple(_d.values())))

</pallas_src>

<mosaic_0001>
#map = affine_map<(d0, d1) -> (0, 0)>
module attributes {stable_mosaic.version = 14 : i64} {
  func.func @_cf_kernel(%arg0: i32, %arg1: i32, %arg2: memref<32x512xi32, #tpu.memory_space<hbm>>, %arg3: memref<32x512xi32, #tpu.memory_space<hbm>>, %arg4: memref<64x1000000xf32, #tpu.memory_space<hbm>>, %arg5: memref<64x1000000xf32, #tpu.memory_space<hbm>>, %arg6: memref<32x512xf32, #tpu.memory_space<hbm>>, %arg7: memref<2x512xi32, #tpu.memory_space<vmem>>, %arg8: memref<512xi32, #tpu.memory_space<smem>>, %arg9: memref<512xi32, #tpu.memory_space<smem>>, %arg10: memref<4x64x128xf32, #tpu.memory_space<vmem>>, %arg11: memref<6x64x128xf32, #tpu.memory_space<vmem>>, %arg12: memref<64x512xf32, #tpu.memory_space<vmem>>, %arg13: memref<512xf32, #tpu.memory_space<vmem>>, %arg14: memref<!tpu.dma_semaphore, #tpu.memory_space<semaphore_mem>>, %arg15: memref<!tpu.dma_semaphore, #tpu.memory_space<semaphore_mem>>) attributes {dimension_semantics = [#tpu.dimension_semantics<core_parallel>, #tpu.dimension_semantics<subcore_parallel>], iteration_bounds = array<i64: 2, 16>, scalar_prefetch = 0 : i64, scratch_operands = 9 : i64, tpu.core_type = #tpu.core_type<sc_vector_subcore>, window_params = [{transform_indices = #map}, {transform_indices = #map}, {transform_indices = #map}, {transform_indices = #map}, {transform_indices = #map}]} {
    %mul3A = arith.constant 2 : i32
    %mul3A_0 = arith.muli %arg1, %mul3A : i32
    %add3A = arith.addi %mul3A_0, %arg0 : i32
    %run_scoped3A = arith.constant 0 : i32
    "tpu.region"() ({
      %run_scoped3A_198 = tpu.sem_alloc : memref<!tpu.dma_semaphore, #tpu.memory_space<semaphore_mem>>
      %dma_start3A_199 = arith.constant 0 : i32
      %dma_start3A_200 = tpu.memref_slice %arg7[%run_scoped3A, %dma_start3A_199] : memref<2x512xi32, #tpu.memory_space<vmem>> -> memref<1x512xi32, #tpu.memory_space<vmem>>
      %dma_start3A_201 = tpu.memref_squeeze %dma_start3A_200 : memref<1x512xi32, #tpu.memory_space<vmem>> -> memref<512xi32, #tpu.memory_space<vmem>>
      %dma_start3A_202 = arith.constant 0 : i32
      %dma_start3A_203 = tpu.memref_slice %arg2[%add3A, %dma_start3A_202] : memref<32x512xi32, #tpu.memory_space<hbm>> -> memref<1x512xi32, #tpu.memory_space<hbm>>
      %dma_start3A_204 = tpu.memref_squeeze %dma_start3A_203 : memref<1x512xi32, #tpu.memory_space<hbm>> -> memref<512xi32, #tpu.memory_space<hbm>>
      %dma_start3A_205 = arith.constant 0 : i32
      %dma_start3A_206 = tpu.memref_slice %arg7[%run_scoped3A, %dma_start3A_205] : memref<2x512xi32, #tpu.memory_space<vmem>> -> memref<1x512xi32, #tpu.memory_space<vmem>>
      %dma_start3A_207 = tpu.memref_squeeze %dma_start3A_206 : memref<1x512xi32, #tpu.memory_space<vmem>> -> memref<512xi32, #tpu.memory_space<vmem>>
      %dma_start3A_208 = arith.constant 0 : i32
      %dma_start3A_209 = tpu.memref_slice %arg2[%add3A, %dma_start3A_208] : memref<32x512xi32, #tpu.memory_space<hbm>> -> memref<1x512xi32, #tpu.memory_space<hbm>>
      %dma_start3A_210 = tpu.memref_squeeze %dma_start3A_209 : memref<1x512xi32, #tpu.memory_space<hbm>> -> memref<512xi32, #tpu.memory_space<hbm>>
      tpu.enqueue_dma source(%dma_start3A_210 : memref<512xi32, #tpu.memory_space<hbm>>) target(%dma_start3A_207 : memref<512xi32, #tpu.memory_space<vmem>>) target_semaphore(%run_scoped3A_198 : memref<!tpu.dma_semaphore, #tpu.memory_space<semaphore_mem>>)
      %dma_wait3A = arith.constant 0 : i32
      %dma_wait3A_211 = tpu.memref_slice %arg7[%run_scoped3A, %dma_wait3A] : memref<2x512xi32, #tpu.memory_space<vmem>> -> memref<1x512xi32, #tpu.memory_space<vmem>>
      %dma_wait3A_212 = tpu.memref_squeeze %dma_wait3A_211 : memref<1x512xi32, #tpu.memory_space<vmem>> -> memref<512xi32, #tpu.memory_space<vmem>>
      %dma_wait3A_213 = arith.constant 0 : i32
      %dma_wait3A_214 = tpu.memref_slice %arg2[%add3A, %dma_wait3A_213] : memref<32x512xi32, #tpu.memory_space<hbm>> -> memref<1x512xi32, #tpu.memory_space<hbm>>
      %dma_wait3A_215 = tpu.memref_squeeze %dma_wait3A_214 : memref<1x512xi32, #tpu.memory_space<hbm>> -> memref<512xi32, #tpu.memory_space<hbm>>
      %dma_wait3A_216 = arith.constant 0 : i32
      %dma_wait3A_217 = tpu.memref_slice %arg7[%run_scoped3A, %dma_wait3A_216] : memref<2x512xi32, #tpu.memory_space<vmem>> -> memref<1x512xi32, #tpu.memory_space<vmem>>
      %dma_wait3A_218 = tpu.memref_squeeze %dma_wait3A_217 : memref<1x512xi32, #tpu.memory_space<vmem>> -> memref<512xi32, #tpu.memory_space<vmem>>
      %dma_wait3A_219 = arith.constant 0 : i32
      %dma_wait3A_220 = tpu.memref_slice %arg2[%add3A, %dma_wait3A_219] : memref<32x512xi32, #tpu.memory_space<hbm>> -> memref<1x512xi32, #tpu.memory_space<hbm>>
      %dma_wait3A_221 = tpu.memref_squeeze %dma_wait3A_220 : memref<1x512xi32, #tpu.memory_space<hbm>> -> memref<512xi32, #tpu.memory_space<hbm>>
      tpu.wait_dma2 semaphore(%run_scoped3A_198 : memref<!tpu.dma_semaphore, #tpu.memory_space<semaphore_mem>>) src(%dma_wait3A_221 : memref<512xi32, #tpu.memory_space<hbm>>) dst(%dma_wait3A_218 : memref<512xi32, #tpu.memory_space<vmem>>)
      tpu.yield
    }) : () -> ()
    %run_scoped3A_1 = arith.constant 1 : i32
    "tpu.region"() ({
      %run_scoped3A_198 = tpu.sem_alloc : memref<!tpu.dma_semaphore, #tpu.memory_space<semaphore_mem>>
      %dma_start3A_199 = arith.constant 0 : i32
      %dma_start3A_200 = tpu.memref_slice %arg7[%run_scoped3A_1, %dma_start3A_199] : memref<2x512xi32, #tpu.memory_space<vmem>> -> memref<1x512xi32, #tpu.memory_space<vmem>>
      %dma_start3A_201 = tpu.memref_squeeze %dma_start3A_200 : memref<1x512xi32, #tpu.memory_space<vmem>> -> memref<512xi32, #tpu.memory_space<vmem>>
      %dma_start3A_202 = arith.constant 0 : i32
      %dma_start3A_203 = tpu.memref_slice %arg3[%add3A, %dma_start3A_202] : memref<32x512xi32, #tpu.memory_space<hbm>> -> memref<1x512xi32, #tpu.memory_space<hbm>>
      %dma_start3A_204 = tpu.memref_squeeze %dma_start3A_203 : memref<1x512xi32, #tpu.memory_space<hbm>> -> memref<512xi32, #tpu.memory_space<hbm>>
      %dma_start3A_205 = arith.constant 0 : i32
      %dma_start3A_206 = tpu.memref_slice %arg7[%run_scoped3A_1, %dma_start3A_205] : memref<2x512xi32, #tpu.memory_space<vmem>> -> memref<1x512xi32, #tpu.memory_space<vmem>>
      %dma_start3A_207 = tpu.memref_squeeze %dma_start3A_206 : memref<1x512xi32, #tpu.memory_space<vmem>> -> memref<512xi32, #tpu.memory_space<vmem>>
      %dma_start3A_208 = arith.constant 0 : i32
      %dma_start3A_209 = tpu.memref_slice %arg3[%add3A, %dma_start3A_208] : memref<32x512xi32, #tpu.memory_space<hbm>> -> memref<1x512xi32, #tpu.memory_space<hbm>>
      %dma_start3A_210 = tpu.memref_squeeze %dma_start3A_209 : memref<1x512xi32, #tpu.memory_space<hbm>> -> memref<512xi32, #tpu.memory_space<hbm>>
      tpu.enqueue_dma source(%dma_start3A_210 : memref<512xi32, #tpu.memory_space<hbm>>) target(%dma_start3A_207 : memref<512xi32, #tpu.memory_space<vmem>>) target_semaphore(%run_scoped3A_198 : memref<!tpu.dma_semaphore, #tpu.memory_space<semaphore_mem>>)
      %dma_wait3A = arith.constant 0 : i32
      %dma_wait3A_211 = tpu.memref_slice %arg7[%run_scoped3A_1, %dma_wait3A] : memref<2x512xi32, #tpu.memory_space<vmem>> -> memref<1x512xi32, #tpu.memory_space<vmem>>
      %dma_wait3A_212 = tpu.memref_squeeze %dma_wait3A_211 : memref<1x512xi32, #tpu.memory_space<vmem>> -> memref<512xi32, #tpu.memory_space<vmem>>
      %dma_wait3A_213 = arith.constant 0 : i32
      %dma_wait3A_214 = tpu.memref_slice %arg3[%add3A, %dma_wait3A_213] : memref<32x512xi32, #tpu.memory_space<hbm>> -> memref<1x512xi32, #tpu.memory_space<hbm>>
      %dma_wait3A_215 = tpu.memref_squeeze %dma_wait3A_214 : memref<1x512xi32, #tpu.memory_space<hbm>> -> memref<512xi32, #tpu.memory_space<hbm>>
      %dma_wait3A_216 = arith.constant 0 : i32
      %dma_wait3A_217 = tpu.memref_slice %arg7[%run_scoped3A_1, %dma_wait3A_216] : memref<2x512xi32, #tpu.memory_space<vmem>> -> memref<1x512xi32, #tpu.memory_space<vmem>>
      %dma_wait3A_218 = tpu.memref_squeeze %dma_wait3A_217 : memref<1x512xi32, #tpu.memory_space<vmem>> -> memref<512xi32, #tpu.memory_space<vmem>>
      %dma_wait3A_219 = arith.constant 0 : i32
      %dma_wait3A_220 = tpu.memref_slice %arg3[%add3A, %dma_wait3A_219] : memref<32x512xi32, #tpu.memory_space<hbm>> -> memref<1x512xi32, #tpu.memory_space<hbm>>
      %dma_wait3A_221 = tpu.memref_squeeze %dma_wait3A_220 : memref<1x512xi32, #tpu.memory_space<hbm>> -> memref<512xi32, #tpu.memory_space<hbm>>
      tpu.wait_dma2 semaphore(%run_scoped3A_198 : memref<!tpu.dma_semaphore, #tpu.memory_space<semaphore_mem>>) src(%dma_wait3A_221 : memref<512xi32, #tpu.memory_space<hbm>>) dst(%dma_wait3A_218 : memref<512xi32, #tpu.memory_space<vmem>>)
      tpu.yield
    }) : () -> ()
    %scan3A = arith.constant 0 : i32
    %scan3A_2 = arith.constant 0 : i32
    %scan3A_3 = arith.constant 32 : i32
    %scan3A_4 = arith.addi %scan3A_2, %scan3A_3 : i32
    %scan3A_5 = arith.constant 1 : i32
    scf.for %scan3A_198 = %scan3A_2 to %scan3A_4 step %scan3A_5  : i32 {
      %mul3A_199 = arith.constant 16 : i32
      %mul3A_200 = arith.muli %scan3A_198, %mul3A_199 : i32
      %get3A_201 = arith.constant 0 : i32
      %get3A_202 = arith.index_cast %get3A_201 : i32 to index
      %get3A_203 = arith.index_cast %mul3A_200 : i32 to index
      %get3A_204 = tpu.vector_load %arg7[%get3A_202, %get3A_203] {strides = array<i32>} : memref<2x512xi32, #tpu.memory_space<vmem>>, vector<16xi32>,
      %mul3A_205 = arith.constant 16 : i32
      %mul3A_206 = arith.muli %scan3A_198, %mul3A_205 : i32
      %get3A_207 = arith.constant 1 : i32
      %get3A_208 = arith.index_cast %get3A_207 : i32 to index
      %get3A_209 = arith.index_cast %mul3A_206 : i32 to index
      %get3A_210 = tpu.vector_load %arg7[%get3A_208, %get3A_209] {strides = array<i32>} : memref<2x512xi32, #tpu.memory_space<vmem>>, vector<16xi32>,
      %slice3A = vector.extract_strided_slice %get3A_204 {offsets = [0], sizes = [1], strides = [1]} : vector<16xi32> to vector<1xi32>
      %squeeze3A = vector.extract %slice3A[0] : i32 from vector<1xi32>
      %mul3A_211 = arith.constant 16 : i32
      %mul3A_212 = arith.muli %scan3A_198, %mul3A_211 : i32
      %add3A_213 = arith.constant 0 : i32
      %add3A_214 = arith.addi %mul3A_212, %add3A_213 : i32
      %swap3A = arith.index_cast %add3A_214 : i32 to index
      %swap3A_215 = memref.load %arg8[%swap3A] : memref<512xi32, #tpu.memory_space<smem>>
      memref.store %squeeze3A, %arg8[%swap3A] : memref<512xi32, #tpu.memory_space<smem>>
      %slice3A_216 = vector.extract_strided_slice %get3A_210 {offsets = [0], sizes = [1], strides = [1]} : vector<16xi32> to vector<1xi32>
      %squeeze3A_217 = vector.extract %slice3A_216[0] : i32 from vector<1xi32>
      %mul3A_218 = arith.constant 16 : i32
      %mul3A_219 = arith.muli %scan3A_198, %mul3A_218 : i32
      %add3A_220 = arith.constant 0 : i32
      %add3A_221 = arith.addi %mul3A_219, %add3A_220 : i32
      %swap3A_222 = arith.index_cast %add3A_221 : i32 to index
      %swap3A_223 = memref.load %arg9[%swap3A_222] : memref<512xi32, #tpu.memory_space<smem>>
      memref.store %squeeze3A_217, %arg9[%swap3A_222] : memref<512xi32, #tpu.memory_space<smem>>
      %slice3A_224 = vector.extract_strided_slice %get3A_204 {offsets = [1], sizes = [1], strides = [1]} : vector<16xi32> to vector<1xi32>
      %squeeze3A_225 = vector.extract %slice3A_224[0] : i32 from vector<1xi32>
      %mul3A_226 = arith.constant 16 : i32
      %mul3A_227 = arith.muli %scan3A_198, %mul3A_226 : i32
      %add3A_228 = arith.constant 1 : i32
      %add3A_229 = arith.addi %mul3A_227, %add3A_228 : i32
      %swap3A_230 = arith.index_cast %add3A_229 : i32 to index
      %swap3A_231 = memref.load %arg8[%swap3A_230] : memref<512xi32, #tpu.memory_space<smem>>
      memref.store %squeeze3A_225, %arg8[%swap3A_230] : memref<512xi32, #tpu.memory_space<smem>>
      %slice3A_232 = vector.extract_strided_slice %get3A_210 {offsets = [1], sizes = [1], strides = [1]} : vector<16xi32> to vector<1xi32>
      %squeeze3A_233 = vector.extract %slice3A_232[0] : i32 from vector<1xi32>
      %mul3A_234 = arith.constant 16 : i32
      %mul3A_235 = arith.muli %scan3A_198, %mul3A_234 : i32
      %add3A_236 = arith.constant 1 : i32
      %add3A_237 = arith.addi %mul3A_235, %add3A_236 : i32
      %swap3A_238 = arith.index_cast %add3A_237 : i32 to index
      %swap3A_239 = memref.load %arg9[%swap3A_238] : memref<512xi32, #tpu.memory_space<smem>>
      memref.store %squeeze3A_233, %arg9[%swap3A_238] : memref<512xi32, #tpu.memory_space<smem>>
      %slice3A_240 = vector.extract_strided_slice %get3A_204 {offsets = [2], sizes = [1], strides = [1]} : vector<16xi32> to vector<1xi32>
      %squeeze3A_241 = vector.extract %slice3A_240[0] : i32 from vector<1xi32>
      %mul3A_242 = arith.constant 16 : i32
      %mul3A_243 = arith.muli %scan3A_198, %mul3A_242 : i32
      %add3A_244 = arith.constant 2 : i32
      %add3A_245 = arith.addi %mul3A_243, %add3A_244 : i32
      %swap3A_246 = arith.index_cast %add3A_245 : i32 to index
      %swap3A_247 = memref.load %arg8[%swap3A_246] : memref<512xi32, #tpu.memory_space<smem>>
      memref.store %squeeze3A_241, %arg8[%swap3A_246] : memref<512xi32, #tpu.memory_space<smem>>
      %slice3A_248 = vector.extract_strided_slice %get3A_210 {offsets = [2], sizes = [1], strides = [1]} : vector<16xi32> to vector<1xi32>
      %squeeze3A_249 = vector.extract %slice3A_248[0] : i32 from vector<1xi32>
      %mul3A_250 = arith.constant 16 : i32
      %mul3A_251 = arith.muli %scan3A_198, %mul3A_250 : i32
      %add3A_252 = arith.constant 2 : i32
      %add3A_253 = arith.addi %mul3A_251, %add3A_252 : i32
      %swap3A_254 = arith.index_cast %add3A_253 : i32 to index
      %swap3A_255 = memref.load %arg9[%swap3A_254] : memref<512xi32, #tpu.memory_space<smem>>
      memref.store %squeeze3A_249, %arg9[%swap3A_254] : memref<512xi32, #tpu.memory_space<smem>>
      %slice3A_256 = vector.extract_strided_slice %get3A_204 {offsets = [3], sizes = [1], strides = [1]} : vector<16xi32> to vector<1xi32>
      %squeeze3A_257 = vector.extract %slice3A_256[0] : i32 from vector<1xi32>
      %mul3A_258 = arith.constant 16 : i32
      %mul3A_259 = arith.muli %scan3A_198, %mul3A_258 : i32
      %add3A_260 = arith.constant 3 : i32
      %add3A_261 = arith.addi %mul3A_259, %add3A_260 : i32
      %swap3A_262 = arith.index_cast %add3A_261 : i32 to index
      %swap3A_263 = memref.load %arg8[%swap3A_262] : memref<512xi32, #tpu.memory_space<smem>>
      memref.store %squeeze3A_257, %arg8[%swap3A_262] : memref<512xi32, #tpu.memory_space<smem>>
      %slice3A_264 = vector.extract_strided_slice %get3A_210 {offsets = [3], sizes = [1], strides = [1]} : vector<16xi32> to vector<1xi32>
      %squeeze3A_265 = vector.extract %slice3A_264[0] : i32 from vector<1xi32>
      %mul3A_266 = arith.constant 16 : i32
      %mul3A_267 = arith.muli %scan3A_198, %mul3A_266 : i32
      %add3A_268 = arith.constant 3 : i32
      %add3A_269 = arith.addi %mul3A_267, %add3A_268 : i32
      %swap3A_270 = arith.index_cast %add3A_269 : i32 to index
      %swap3A_271 = memref.load %arg9[%swap3A_270] : memref<512xi32, #tpu.memory_space<smem>>
      memref.store %squeeze3A_265, %arg9[%swap3A_270] : memref<512xi32, #tpu.memory_space<smem>>
      %slice3A_272 = vector.extract_strided_slice %get3A_204 {offsets = [4], sizes = [1], strides = [1]} : vector<16xi32> to vector<1xi32>
      %squeeze3A_273 = vector.extract %slice3A_272[0] : i32 from vector<1xi32>
      %mul3A_274 = arith.constant 16 : i32
      %mul3A_275 = arith.muli %scan3A_198, %mul3A_274 : i32
      %add3A_276 = arith.constant 4 : i32
      %add3A_277 = arith.addi %mul3A_275, %add3A_276 : i32
      %swap3A_278 = arith.index_cast %add3A_277 : i32 to index
      %swap3A_279 = memref.load %arg8[%swap3A_278] : memref<512xi32, #tpu.memory_space<smem>>
      memref.store %squeeze3A_273, %arg8[%swap3A_278] : memref<512xi32, #tpu.memory_space<smem>>
      %slice3A_280 = vector.extract_strided_slice %get3A_210 {offsets = [4], sizes = [1], strides = [1]} : vector<16xi32> to vector<1xi32>
      %squeeze3A_281 = vector.extract %slice3A_280[0] : i32 from vector<1xi32>
      %mul3A_282 = arith.constant 16 : i32
      %mul3A_283 = arith.muli %scan3A_198, %mul3A_282 : i32
      %add3A_284 = arith.constant 4 : i32
      %add3A_285 = arith.addi %mul3A_283, %add3A_284 : i32
      %swap3A_286 = arith.index_cast %add3A_285 : i32 to index
      %swap3A_287 = memref.load %arg9[%swap3A_286] : memref<512xi32, #tpu.memory_space<smem>>
      memref.store %squeeze3A_281, %arg9[%swap3A_286] : memref<512xi32, #tpu.memory_space<smem>>
      %slice3A_288 = vector.extract_strided_slice %get3A_204 {offsets = [5], sizes = [1], strides = [1]} : vector<16xi32> to vector<1xi32>
      %squeeze3A_289 = vector.extract %slice3A_288[0] : i32 from vector<1xi32>
      %mul3A_290 = arith.constant 16 : i32
      %mul3A_291 = arith.muli %scan3A_198, %mul3A_290 : i32
      %add3A_292 = arith.constant 5 : i32
      %add3A_293 = arith.addi %mul3A_291, %add3A_292 : i32
      %swap3A_294 = arith.index_cast %add3A_293 : i32 to index
      %swap3A_295 = memref.load %arg8[%swap3A_294] : memref<512xi32, #tpu.memory_space<smem>>
      memref.store %squeeze3A_289, %arg8[%swap3A_294] : memref<512xi32, #tpu.memory_space<smem>>
      %slice3A_296 = vector.extract_strided_slice %get3A_210 {offsets = [5], sizes = [1], strides = [1]} : vector<16xi32> to vector<1xi32>
      %squeeze3A_297 = vector.extract %slice3A_296[0] : i32 from vector<1xi32>
      %mul3A_298 = arith.constant 16 : i32
      %mul3A_299 = arith.muli %scan3A_198, %mul3A_298 : i32
      %add3A_300 = arith.constant 5 : i32
      %add3A_301 = arith.addi %mul3A_299, %add3A_300 : i32
      %swap3A_302 = arith.index_cast %add3A_301 : i32 to index
      %swap3A_303 = memref.load %arg9[%swap3A_302] : memref<512xi32, #tpu.memory_space<smem>>
      memref.store %squeeze3A_297, %arg9[%swap3A_302] : memref<512xi32, #tpu.memory_space<smem>>
      %slice3A_304 = vector.extract_strided_slice %get3A_204 {offsets = [6], sizes = [1], strides = [1]} : vector<16xi32> to vector<1xi32>
      %squeeze3A_305 = vector.extract %slice3A_304[0] : i32 from vector<1xi32>
      %mul3A_306 = arith.constant 16 : i32
      %mul3A_307 = arith.muli %scan3A_198, %mul3A_306 : i32
      %add3A_308 = arith.constant 6 : i32
      %add3A_309 = arith.addi %mul3A_307, %add3A_308 : i32
      %swap3A_310 = arith.index_cast %add3A_309 : i32 to index
      %swap3A_311 = memref.load %arg8[%swap3A_310] : memref<512xi32, #tpu.memory_space<smem>>
      memref.store %squeeze3A_305, %arg8[%swap3A_310] : memref<512xi32, #tpu.memory_space<smem>>
      %slice3A_312 = vector.extract_strided_slice %get3A_210 {offsets = [6], sizes = [1], strides = [1]} : vector<16xi32> to vector<1xi32>
      %squeeze3A_313 = vector.extract %slice3A_312[0] : i32 from vector<1xi32>
      %mul3A_314 = arith.constant 16 : i32
      %mul3A_315 = arith.muli %scan3A_198, %mul3A_314 : i32
      %add3A_316 = arith.constant 6 : i32
      %add3A_317 = arith.addi %mul3A_315, %add3A_316 : i32
      %swap3A_318 = arith.index_cast %add3A_317 : i32 to index
      %swap3A_319 = memref.load %arg9[%swap3A_318] : memref<512xi32, #tpu.memory_space<smem>>
      memref.store %squeeze3A_313, %arg9[%swap3A_318] : memref<512xi32, #tpu.memory_space<smem>>
      %slice3A_320 = vector.extract_strided_slice %get3A_204 {offsets = [7], sizes = [1], strides = [1]} : vector<16xi32> to vector<1xi32>
      %squeeze3A_321 = vector.extract %slice3A_320[0] : i32 from vector<1xi32>
      %mul3A_322 = arith.constant 16 : i32
      %mul3A_323 = arith.muli %scan3A_198, %mul3A_322 : i32
      %add3A_324 = arith.constant 7 : i32
      %add3A_325 = arith.addi %mul3A_323, %add3A_324 : i32
      %swap3A_326 = arith.index_cast %add3A_325 : i32 to index
      %swap3A_327 = memref.load %arg8[%swap3A_326] : memref<512xi32, #tpu.memory_space<smem>>
      memref.store %squeeze3A_321, %arg8[%swap3A_326] : memref<512xi32, #tpu.memory_space<smem>>
      %slice3A_328 = vector.extract_strided_slice %get3A_210 {offsets = [7], sizes = [1], strides = [1]} : vector<16xi32> to vector<1xi32>
      %squeeze3A_329 = vector.extract %slice3A_328[0] : i32 from vector<1xi32>
      %mul3A_330 = arith.constant 16 : i32
      %mul3A_331 = arith.muli %scan3A_198, %mul3A_330 : i32
      %add3A_332 = arith.constant 7 : i32
      %add3A_333 = arith.addi %mul3A_331, %add3A_332 : i32
      %swap3A_334 = arith.index_cast %add3A_333 : i32 to index
      %swap3A_335 = memref.load %arg9[%swap3A_334] : memref<512xi32, #tpu.memory_space<smem>>
      memref.store %squeeze3A_329, %arg9[%swap3A_334] : memref<512xi32, #tpu.memory_space<smem>>
      %slice3A_336 = vector.extract_strided_slice %get3A_204 {offsets = [8], sizes = [1], strides = [1]} : vector<16xi32> to vector<1xi32>
      %squeeze3A_337 = vector.extract %slice3A_336[0] : i32 from vector<1xi32>
      %mul3A_338 = arith.constant 16 : i32
      %mul3A_339 = arith.muli %scan3A_198, %mul3A_338 : i32
      %add3A_340 = arith.constant 8 : i32
      %add3A_341 = arith.addi %mul3A_339, %add3A_340 : i32
      %swap3A_342 = arith.index_cast %add3A_341 : i32 to index
      %swap3A_343 = memref.load %arg8[%swap3A_342] : memref<512xi32, #tpu.memory_space<smem>>
      memref.store %squeeze3A_337, %arg8[%swap3A_342] : memref<512xi32, #tpu.memory_space<smem>>
      %slice3A_344 = vector.extract_strided_slice %get3A_210 {offsets = [8], sizes = [1], strides = [1]} : vector<16xi32> to vector<1xi32>
      %squeeze3A_345 = vector.extract %slice3A_344[0] : i32 from vector<1xi32>
      %mul3A_346 = arith.constant 16 : i32
      %mul3A_347 = arith.muli %scan3A_198, %mul3A_346 : i32
      %add3A_348 = arith.constant 8 : i32
      %add3A_349 = arith.addi %mul3A_347, %add3A_348 : i32
      %swap3A_350 = arith.index_cast %add3A_349 : i32 to index
      %swap3A_351 = memref.load %arg9[%swap3A_350] : memref<512xi32, #tpu.memory_space<smem>>
      memref.store %squeeze3A_345, %arg9[%swap3A_350] : memref<512xi32, #tpu.memory_space<smem>>
      %slice3A_352 = vector.extract_strided_slice %get3A_204 {offsets = [9], sizes = [1], strides = [1]} : vector<16xi32> to vector<1xi32>
      %squeeze3A_353 = vector.extract %slice3A_352[0] : i32 from vector<1xi32>
      %mul3A_354 = arith.constant 16 : i32
      %mul3A_355 = arith.muli %scan3A_198, %mul3A_354 : i32
      %add3A_356 = arith.constant 9 : i32
      %add3A_357 = arith.addi %mul3A_355, %add3A_356 : i32
      %swap3A_358 = arith.index_cast %add3A_357 : i32 to index
      %swap3A_359 = memref.load %arg8[%swap3A_358] : memref<512xi32, #tpu.memory_space<smem>>
      memref.store %squeeze3A_353, %arg8[%swap3A_358] : memref<512xi32, #tpu.memory_space<smem>>
      %slice3A_360 = vector.extract_strided_slice %get3A_210 {offsets = [9], sizes = [1], strides = [1]} : vector<16xi32> to vector<1xi32>
      %squeeze3A_361 = vector.extract %slice3A_360[0] : i32 from vector<1xi32>
      %mul3A_362 = arith.constant 16 : i32
      %mul3A_363 = arith.muli %scan3A_198, %mul3A_362 : i32
      %add3A_364 = arith.constant 9 : i32
      %add3A_365 = arith.addi %mul3A_363, %add3A_364 : i32
      %swap3A_366 = arith.index_cast %add3A_365 : i32 to index
      %swap3A_367 = memref.load %arg9[%swap3A_366] : memref<512xi32, #tpu.memory_space<smem>>
      memref.store %squeeze3A_361, %arg9[%swap3A_366] : memref<512xi32, #tpu.memory_space<smem>>
      %slice3A_368 = vector.extract_strided_slice %get3A_204 {offsets = [10], sizes = [1], strides = [1]} : vector<16xi32> to vector<1xi32>
      %squeeze3A_369 = vector.extract %slice3A_368[0] : i32 from vector<1xi32>
      %mul3A_370 = arith.constant 16 : i32
      %mul3A_371 = arith.muli %scan3A_198, %mul3A_370 : i32
      %add3A_372 = arith.constant 10 : i32
      %add3A_373 = arith.addi %mul3A_371, %add3A_372 : i32
      %swap3A_374 = arith.index_cast %add3A_373 : i32 to index
      %swap3A_375 = memref.load %arg8[%swap3A_374] : memref<512xi32, #tpu.memory_space<smem>>
      memref.store %squeeze3A_369, %arg8[%swap3A_374] : memref<512xi32, #tpu.memory_space<smem>>
      %slice3A_376 = vector.extract_strided_slice %get3A_210 {offsets = [10], sizes = [1], strides = [1]} : vector<16xi32> to vector<1xi32>
      %squeeze3A_377 = vector.extract %slice3A_376[0] : i32 from vector<1xi32>
      %mul3A_378 = arith.constant 16 : i32
      %mul3A_379 = arith.muli %scan3A_198, %mul3A_378 : i32
      %add3A_380 = arith.constant 10 : i32
      %add3A_381 = arith.addi %mul3A_379, %add3A_380 : i32
      %swap3A_382 = arith.index_cast %add3A_381 : i32 to index
      %swap3A_383 = memref.load %arg9[%swap3A_382] : memref<512xi32, #tpu.memory_space<smem>>
      memref.store %squeeze3A_377, %arg9[%swap3A_382] : memref<512xi32, #tpu.memory_space<smem>>
      %slice3A_384 = vector.extract_strided_slice %get3A_204 {offsets = [11], sizes = [1], strides = [1]} : vector<16xi32> to vector<1xi32>
      %squeeze3A_385 = vector.extract %slice3A_384[0] : i32 from vector<1xi32>
      %mul3A_386 = arith.constant 16 : i32
      %mul3A_387 = arith.muli %scan3A_198, %mul3A_386 : i32
      %add3A_388 = arith.constant 11 : i32
      %add3A_389 = arith.addi %mul3A_387, %add3A_388 : i32
      %swap3A_390 = arith.index_cast %add3A_389 : i32 to index
      %swap3A_391 = memref.load %arg8[%swap3A_390] : memref<512xi32, #tpu.memory_space<smem>>
      memref.store %squeeze3A_385, %arg8[%swap3A_390] : memref<512xi32, #tpu.memory_space<smem>>
      %slice3A_392 = vector.extract_strided_slice %get3A_210 {offsets = [11], sizes = [1], strides = [1]} : vector<16xi32> to vector<1xi32>
      %squeeze3A_393 = vector.extract %slice3A_392[0] : i32 from vector<1xi32>
      %mul3A_394 = arith.constant 16 : i32
      %mul3A_395 = arith.muli %scan3A_198, %mul3A_394 : i32
      %add3A_396 = arith.constant 11 : i32
      %add3A_397 = arith.addi %mul3A_395, %add3A_396 : i32
      %swap3A_398 = arith.index_cast %add3A_397 : i32 to index
      %swap3A_399 = memref.load %arg9[%swap3A_398] : memref<512xi32, #tpu.memory_space<smem>>
      memref.store %squeeze3A_393, %arg9[%swap3A_398] : memref<512xi32, #tpu.memory_space<smem>>
      %slice3A_400 = vector.extract_strided_slice %get3A_204 {offsets = [12], sizes = [1], strides = [1]} : vector<16xi32> to vector<1xi32>
      %squeeze3A_401 = vector.extract %slice3A_400[0] : i32 from vector<1xi32>
      %mul3A_402 = arith.constant 16 : i32
      %mul3A_403 = arith.muli %scan3A_198, %mul3A_402 : i32
      %add3A_404 = arith.constant 12 : i32
      %add3A_405 = arith.addi %mul3A_403, %add3A_404 : i32
      %swap3A_406 = arith.index_cast %add3A_405 : i32 to index
      %swap3A_407 = memref.load %arg8[%swap3A_406] : memref<512xi32, #tpu.memory_space<smem>>
      memref.store %squeeze3A_401, %arg8[%swap3A_406] : memref<512xi32, #tpu.memory_space<smem>>
      %slice3A_408 = vector.extract_strided_slice %get3A_210 {offsets = [12], sizes = [1], strides = [1]} : vector<16xi32> to vector<1xi32>
      %squeeze3A_409 = vector.extract %slice3A_408[0] : i32 from vector<1xi32>
      %mul3A_410 = arith.constant 16 : i32
      %mul3A_411 = arith.muli %scan3A_198, %mul3A_410 : i32
      %add3A_412 = arith.constant 12 : i32
      %add3A_413 = arith.addi %mul3A_411, %add3A_412 : i32
      %swap3A_414 = arith.index_cast %add3A_413 : i32 to index
      %swap3A_415 = memref.load %arg9[%swap3A_414] : memref<512xi32, #tpu.memory_space<smem>>
      memref.store %squeeze3A_409, %arg9[%swap3A_414] : memref<512xi32, #tpu.memory_space<smem>>
      %slice3A_416 = vector.extract_strided_slice %get3A_204 {offsets = [13], sizes = [1], strides = [1]} : vector<16xi32> to vector<1xi32>
      %squeeze3A_417 = vector.extract %slice3A_416[0] : i32 from vector<1xi32>
      %mul3A_418 = arith.constant 16 : i32
      %mul3A_419 = arith.muli %scan3A_198, %mul3A_418 : i32
      %add3A_420 = arith.constant 13 : i32
      %add3A_421 = arith.addi %mul3A_419, %add3A_420 : i32
      %swap3A_422 = arith.index_cast %add3A_421 : i32 to index
      %swap3A_423 = memref.load %arg8[%swap3A_422] : memref<512xi32, #tpu.memory_space<smem>>
      memref.store %squeeze3A_417, %arg8[%swap3A_422] : memref<512xi32, #tpu.memory_space<smem>>
      %slice3A_424 = vector.extract_strided_slice %get3A_210 {offsets = [13], sizes = [1], strides = [1]} : vector<16xi32> to vector<1xi32>
      %squeeze3A_425 = vector.extract %slice3A_424[0] : i32 from vector<1xi32>
      %mul3A_426 = arith.constant 16 : i32
      %mul3A_427 = arith.muli %scan3A_198, %mul3A_426 : i32
      %add3A_428 = arith.constant 13 : i32
      %add3A_429 = arith.addi %mul3A_427, %add3A_428 : i32
      %swap3A_430 = arith.index_cast %add3A_429 : i32 to index
      %swap3A_431 = memref.load %arg9[%swap3A_430] : memref<512xi32, #tpu.memory_space<smem>>
      memref.store %squeeze3A_425, %arg9[%swap3A_430] : memref<512xi32, #tpu.memory_space<smem>>
      %slice3A_432 = vector.extract_strided_slice %get3A_204 {offsets = [14], sizes = [1], strides = [1]} : vector<16xi32> to vector<1xi32>
      %squeeze3A_433 = vector.extract %slice3A_432[0] : i32 from vector<1xi32>
      %mul3A_434 = arith.constant 16 : i32
      %mul3A_435 = arith.muli %scan3A_198, %mul3A_434 : i32
      %add3A_436 = arith.constant 14 : i32
      %add3A_437 = arith.addi %mul3A_435, %add3A_436 : i32
      %swap3A_438 = arith.index_cast %add3A_437 : i32 to index
      %swap3A_439 = memref.load %arg8[%swap3A_438] : memref<512xi32, #tpu.memory_space<smem>>
      memref.store %squeeze3A_433, %arg8[%swap3A_438] : memref<512xi32, #tpu.memory_space<smem>>
      %slice3A_440 = vector.extract_strided_slice %get3A_210 {offsets = [14], sizes = [1], strides = [1]} : vector<16xi32> to vector<1xi32>
      %squeeze3A_441 = vector.extract %slice3A_440[0] : i32 from vector<1xi32>
      %mul3A_442 = arith.constant 16 : i32
      %mul3A_443 = arith.muli %scan3A_198, %mul3A_442 : i32
      %add3A_444 = arith.constant 14 : i32
      %add3A_445 = arith.addi %mul3A_443, %add3A_444 : i32
      %swap3A_446 = arith.index_cast %add3A_445 : i32 to index
      %swap3A_447 = memref.load %arg9[%swap3A_446] : memref<512xi32, #tpu.memory_space<smem>>
      memref.store %squeeze3A_441, %arg9[%swap3A_446] : memref<512xi32, #tpu.memory_space<smem>>
      %slice3A_448 = vector.extract_strided_slice %get3A_204 {offsets = [15], sizes = [1], strides = [1]} : vector<16xi32> to vector<1xi32>
      %squeeze3A_449 = vector.extract %slice3A_448[0] : i32 from vector<1xi32>
      %mul3A_450 = arith.constant 16 : i32
      %mul3A_451 = arith.muli %scan3A_198, %mul3A_450 : i32
      %add3A_452 = arith.constant 15 : i32
      %add3A_453 = arith.addi %mul3A_451, %add3A_452 : i32
      %swap3A_454 = arith.index_cast %add3A_453 : i32 to index
      %swap3A_455 = memref.load %arg8[%swap3A_454] : memref<512xi32, #tpu.memory_space<smem>>
      memref.store %squeeze3A_449, %arg8[%swap3A_454] : memref<512xi32, #tpu.memory_space<smem>>
      %slice3A_456 = vector.extract_strided_slice %get3A_210 {offsets = [15], sizes = [1], strides = [1]} : vector<16xi32> to vector<1xi32>
      %squeeze3A_457 = vector.extract %slice3A_456[0] : i32 from vector<1xi32>
      %mul3A_458 = arith.constant 16 : i32
      %mul3A_459 = arith.muli %scan3A_198, %mul3A_458 : i32
      %add3A_460 = arith.constant 15 : i32
      %add3A_461 = arith.addi %mul3A_459, %add3A_460 : i32
      %swap3A_462 = arith.index_cast %add3A_461 : i32 to index
      %swap3A_463 = memref.load %arg9[%swap3A_462] : memref<512xi32, #tpu.memory_space<smem>>
      memref.store %squeeze3A_457, %arg9[%swap3A_462] : memref<512xi32, #tpu.memory_space<smem>>
    }
    %scan3A_6 = arith.constant 32 : i32
    %iota3A = tpu.iota {dimensions = array<i32: 0>} : vector<16xi32>
    %min3A = arith.constant 0 : i32
    %min3A_7 = arith.constant 511 : i32
    %min3A_8 = arith.minsi %min3A, %min3A_7 : i32
    %get3A = arith.index_cast %min3A_8 : i32 to index
    %get3A_9 = memref.load %arg8[%get3A] : memref<512xi32, #tpu.memory_space<smem>>
    %shift_right_arithmetic3A = arith.constant 7 : i32
    %shift_right_arithmetic3A_10 = arith.shrsi %get3A_9, %shift_right_arithmetic3A : i32
    %sub3A = arith.constant 1 : i32
    %sub3A_11 = arith.subi %min3A_8, %sub3A : i32
    %max3A = arith.constant 0 : i32
    %max3A_12 = arith.maxsi %sub3A_11, %max3A : i32
    %get3A_13 = arith.index_cast %max3A_12 : i32 to index
    %get3A_14 = memref.load %arg8[%get3A_13] : memref<512xi32, #tpu.memory_space<smem>>
    %shift_right_arithmetic3A_15 = arith.constant 7 : i32
    %shift_right_arithmetic3A_16 = arith.shrsi %get3A_14, %shift_right_arithmetic3A_15 : i32
    %eq3A = arith.constant 0 : i32
    %eq3A_17 = arith.cmpi eq, %min3A_8, %eq3A : i32
    %ne3A = arith.cmpi ne, %shift_right_arithmetic3A_10, %shift_right_arithmetic3A_16 : i32
    %or3A = arith.ori %eq3A_17, %ne3A : i1
    %and3A = arith.constant 0 : i32
    %and3A_18 = arith.constant 3 : i32
    %and3A_19 = arith.andi %and3A, %and3A_18 : i32
    %convert_element_type3A = arith.extui %or3A : i1 to i32
    %cond3A = arith.constant 0 : i32
    %cond3A_20 = arith.cmpi ne, %convert_element_type3A, %cond3A : i32
    scf.if %cond3A_20 {
      %min3A_198 = arith.constant 0 : i32
      %min3A_199 = arith.constant 511 : i32
      %min3A_200 = arith.minsi %min3A_198, %min3A_199 : i32
      %get3A_201 = arith.index_cast %min3A_200 : i32 to index
      %get3A_202 = memref.load %arg8[%get3A_201] : memref<512xi32, #tpu.memory_space<smem>>
      %shift_right_arithmetic3A_203 = arith.constant 7 : i32
      %shift_right_arithmetic3A_204 = arith.shrsi %get3A_202, %shift_right_arithmetic3A_203 : i32
      %mul3A_205 = arith.constant 128 : i32
      %mul3A_206 = arith.muli %shift_right_arithmetic3A_204, %mul3A_205 : i32
      %dma_start3A_207 = arith.constant 0 : i32
      %dma_start3A_208 = arith.constant 0 : i32
      %dma_start3A_209 = tpu.memref_slice %arg10[%and3A_19, %dma_start3A_207, %dma_start3A_208] : memref<4x64x128xf32, #tpu.memory_space<vmem>> -> memref<1x64x128xf32, #tpu.memory_space<vmem>>
      %dma_start3A_210 = tpu.memref_squeeze %dma_start3A_209 : memref<1x64x128xf32, #tpu.memory_space<vmem>> -> memref<64x128xf32, #tpu.memory_space<vmem>>
      %dma_start3A_211 = arith.constant 0 : i32
      %dma_start3A_212 = tpu.memref_slice %arg4[%dma_start3A_211, %mul3A_206] : memref<64x1000000xf32, #tpu.memory_space<hbm>> -> memref<64x128xf32, #tpu.memory_space<hbm>>
      %dma_start3A_213 = arith.constant 0 : i32
      %dma_start3A_214 = arith.constant 0 : i32
      %dma_start3A_215 = tpu.memref_slice %arg10[%and3A_19, %dma_start3A_213, %dma_start3A_214] : memref<4x64x128xf32, #tpu.memory_space<vmem>> -> memref<1x64x128xf32, #tpu.memory_space<vmem>>
      %dma_start3A_216 = tpu.memref_squeeze %dma_start3A_215 : memref<1x64x128xf32, #tpu.memory_space<vmem>> -> memref<64x128xf32, #tpu.memory_space<vmem>>
      %dma_start3A_217 = arith.constant 0 : i32
      %dma_start3A_218 = tpu.memref_slice %arg4[%dma_start3A_217, %mul3A_206] : memref<64x1000000xf32, #tpu.memory_space<hbm>> -> memref<64x128xf32, #tpu.memory_space<hbm>>
      tpu.enqueue_dma source(%dma_start3A_218 : memref<64x128xf32, #tpu.memory_space<hbm>>) target(%dma_start3A_216 : memref<64x128xf32, #tpu.memory_space<vmem>>) target_semaphore(%arg14 : memref<!tpu.dma_semaphore, #tpu.memory_space<semaphore_mem>>)
    } else {
    }
    %convert_element_type3A_21 = arith.extui %or3A : i1 to i32
    %add3A_22 = arith.constant 0 : i32
    %add3A_23 = arith.addi %add3A_22, %convert_element_type3A_21 : i32
    %min3A_24 = arith.constant 1 : i32
    %min3A_25 = arith.constant 511 : i32
    %min3A_26 = arith.minsi %min3A_24, %min3A_25 : i32
    %get3A_27 = arith.index_cast %min3A_26 : i32 to index
    %get3A_28 = memref.load %arg8[%get3A_27] : memref<512xi32, #tpu.memory_space<smem>>
    %shift_right_arithmetic3A_29 = arith.constant 7 : i32
    %shift_right_arithmetic3A_30 = arith.shrsi %get3A_28, %shift_right_arithmetic3A_29 : i32
    %sub3A_31 = arith.constant 1 : i32
    %sub3A_32 = arith.subi %min3A_26, %sub3A_31 : i32
    %max3A_33 = arith.constant 0 : i32
    %max3A_34 = arith.maxsi %sub3A_32, %max3A_33 : i32
    %get3A_35 = arith.index_cast %max3A_34 : i32 to index
    %get3A_36 = memref.load %arg8[%get3A_35] : memref<512xi32, #tpu.memory_space<smem>>
    %shift_right_arithmetic3A_37 = arith.constant 7 : i32
    %shift_right_arithmetic3A_38 = arith.shrsi %get3A_36, %shift_right_arithmetic3A_37 : i32
    %eq3A_39 = arith.constant 0 : i32
    %eq3A_40 = arith.cmpi eq, %min3A_26, %eq3A_39 : i32
    %ne3A_41 = arith.cmpi ne, %shift_right_arithmetic3A_30, %shift_right_arithmetic3A_38 : i32
    %or3A_42 = arith.ori %eq3A_40, %ne3A_41 : i1
    %and3A_43 = arith.constant 3 : i32
    %and3A_44 = arith.andi %add3A_23, %and3A_43 : i32
    %convert_element_type3A_45 = arith.extui %or3A_42 : i1 to i32
    %cond3A_46 = arith.constant 0 : i32
    %cond3A_47 = arith.cmpi ne, %convert_element_type3A_45, %cond3A_46 : i32
    scf.if %cond3A_47 {
      %min3A_198 = arith.constant 1 : i32
      %min3A_199 = arith.constant 511 : i32
      %min3A_200 = arith.minsi %min3A_198, %min3A_199 : i32
      %get3A_201 = arith.index_cast %min3A_200 : i32 to index
      %get3A_202 = memref.load %arg8[%get3A_201] : memref<512xi32, #tpu.memory_space<smem>>
      %shift_right_arithmetic3A_203 = arith.constant 7 : i32
      %shift_right_arithmetic3A_204 = arith.shrsi %get3A_202, %shift_right_arithmetic3A_203 : i32
      %mul3A_205 = arith.constant 128 : i32
      %mul3A_206 = arith.muli %shift_right_arithmetic3A_204, %mul3A_205 : i32
      %dma_start3A_207 = arith.constant 0 : i32
      %dma_start3A_208 = arith.constant 0 : i32
      %dma_start3A_209 = tpu.memref_slice %arg10[%and3A_44, %dma_start3A_207, %dma_start3A_208] : memref<4x64x128xf32, #tpu.memory_space<vmem>> -> memref<1x64x128xf32, #tpu.memory_space<vmem>>
      %dma_start3A_210 = tpu.memref_squeeze %dma_start3A_209 : memref<1x64x128xf32, #tpu.memory_space<vmem>> -> memref<64x128xf32, #tpu.memory_space<vmem>>
      %dma_start3A_211 = arith.constant 0 : i32
      %dma_start3A_212 = tpu.memref_slice %arg4[%dma_start3A_211, %mul3A_206] : memref<64x1000000xf32, #tpu.memory_space<hbm>> -> memref<64x128xf32, #tpu.memory_space<hbm>>
      %dma_start3A_213 = arith.constant 0 : i32
      %dma_start3A_214 = arith.constant 0 : i32
      %dma_start3A_215 = tpu.memref_slice %arg10[%and3A_44, %dma_start3A_213, %dma_start3A_214] : memref<4x64x128xf32, #tpu.memory_space<vmem>> -> memref<1x64x128xf32, #tpu.memory_space<vmem>>
      %dma_start3A_216 = tpu.memref_squeeze %dma_start3A_215 : memref<1x64x128xf32, #tpu.memory_space<vmem>> -> memref<64x128xf32, #tpu.memory_space<vmem>>
      %dma_start3A_217 = arith.constant 0 : i32
      %dma_start3A_218 = tpu.memref_slice %arg4[%dma_start3A_217, %mul3A_206] : memref<64x1000000xf32, #tpu.memory_space<hbm>> -> memref<64x128xf32, #tpu.memory_space<hbm>>
      tpu.enqueue_dma source(%dma_start3A_218 : memref<64x128xf32, #tpu.memory_space<hbm>>) target(%dma_start3A_216 : memref<64x128xf32, #tpu.memory_space<vmem>>) target_semaphore(%arg14 : memref<!tpu.dma_semaphore, #tpu.memory_space<semaphore_mem>>)
    } else {
    }
    %convert_element_type3A_48 = arith.extui %or3A_42 : i1 to i32
    %add3A_49 = arith.addi %add3A_23, %convert_element_type3A_48 : i32
    %min3A_50 = arith.constant 2 : i32
    %min3A_51 = arith.constant 511 : i32
    %min3A_52 = arith.minsi %min3A_50, %min3A_51 : i32
    %get3A_53 = arith.index_cast %min3A_52 : i32 to index
    %get3A_54 = memref.load %arg8[%get3A_53] : memref<512xi32, #tpu.memory_space<smem>>
    %shift_right_arithmetic3A_55 = arith.constant 7 : i32
    %shift_right_arithmetic3A_56 = arith.shrsi %get3A_54, %shift_right_arithmetic3A_55 : i32
    %sub3A_57 = arith.constant 1 : i32
    %sub3A_58 = arith.subi %min3A_52, %sub3A_57 : i32
    %max3A_59 = arith.constant 0 : i32
    %max3A_60 = arith.maxsi %sub3A_58, %max3A_59 : i32
    %get3A_61 = arith.index_cast %max3A_60 : i32 to index
    %get3A_62 = memref.load %arg8[%get3A_61] : memref<512xi32, #tpu.memory_space<smem>>
    %shift_right_arithmetic3A_63 = arith.constant 7 : i32
    %shift_right_arithmetic3A_64 = arith.shrsi %get3A_62, %shift_right_arithmetic3A_63 : i32
    %eq3A_65 = arith.constant 0 : i32
    %eq3A_66 = arith.cmpi eq, %min3A_52, %eq3A_65 : i32
    %ne3A_67 = arith.cmpi ne, %shift_right_arithmetic3A_56, %shift_right_arithmetic3A_64 : i32
    %or3A_68 = arith.ori %eq3A_66, %ne3A_67 : i1
    %and3A_69 = arith.constant 3 : i32
    %and3A_70 = arith.andi %add3A_49, %and3A_69 : i32
    %convert_element_type3A_71 = arith.extui %or3A_68 : i1 to i32
    %cond3A_72 = arith.constant 0 : i32
    %cond3A_73 = arith.cmpi ne, %convert_element_type3A_71, %cond3A_72 : i32
    scf.if %cond3A_73 {
      %min3A_198 = arith.constant 2 : i32
      %min3A_199 = arith.constant 511 : i32
      %min3A_200 = arith.minsi %min3A_198, %min3A_199 : i32
      %get3A_201 = arith.index_cast %min3A_200 : i32 to index
      %get3A_202 = memref.load %arg8[%get3A_201] : memref<512xi32, #tpu.memory_space<smem>>
      %shift_right_arithmetic3A_203 = arith.constant 7 : i32
      %shift_right_arithmetic3A_204 = arith.shrsi %get3A_202, %shift_right_arithmetic3A_203 : i32
      %mul3A_205 = arith.constant 128 : i32
      %mul3A_206 = arith.muli %shift_right_arithmetic3A_204, %mul3A_205 : i32
      %dma_start3A_207 = arith.constant 0 : i32
      %dma_start3A_208 = arith.constant 0 : i32
      %dma_start3A_209 = tpu.memref_slice %arg10[%and3A_70, %dma_start3A_207, %dma_start3A_208] : memref<4x64x128xf32, #tpu.memory_space<vmem>> -> memref<1x64x128xf32, #tpu.memory_space<vmem>>
      %dma_start3A_210 = tpu.memref_squeeze %dma_start3A_209 : memref<1x64x128xf32, #tpu.memory_space<vmem>> -> memref<64x128xf32, #tpu.memory_space<vmem>>
      %dma_start3A_211 = arith.constant 0 : i32
      %dma_start3A_212 = tpu.memref_slice %arg4[%dma_start3A_211, %mul3A_206] : memref<64x1000000xf32, #tpu.memory_space<hbm>> -> memref<64x128xf32, #tpu.memory_space<hbm>>
      %dma_start3A_213 = arith.constant 0 : i32
      %dma_start3A_214 = arith.constant 0 : i32
      %dma_start3A_215 = tpu.memref_slice %arg10[%and3A_70, %dma_start3A_213, %dma_start3A_214] : memref<4x64x128xf32, #tpu.memory_space<vmem>> -> memref<1x64x128xf32, #tpu.memory_space<vmem>>
      %dma_start3A_216 = tpu.memref_squeeze %dma_start3A_215 : memref<1x64x128xf32, #tpu.memory_space<vmem>> -> memref<64x128xf32, #tpu.memory_space<vmem>>
      %dma_start3A_217 = arith.constant 0 : i32
      %dma_start3A_218 = tpu.memref_slice %arg4[%dma_start3A_217, %mul3A_206] : memref<64x1000000xf32, #tpu.memory_space<hbm>> -> memref<64x128xf32, #tpu.memory_space<hbm>>
      tpu.enqueue_dma source(%dma_start3A_218 : memref<64x128xf32, #tpu.memory_space<hbm>>) target(%dma_start3A_216 : memref<64x128xf32, #tpu.memory_space<vmem>>) target_semaphore(%arg14 : memref<!tpu.dma_semaphore, #tpu.memory_space<semaphore_mem>>)
    } else {
    }
    %convert_element_type3A_74 = arith.extui %or3A_68 : i1 to i32
    %add3A_75 = arith.addi %add3A_49, %convert_element_type3A_74 : i32
    %min3A_76 = arith.constant 0 : i32
    %min3A_77 = arith.constant 511 : i32
    %min3A_78 = arith.minsi %min3A_76, %min3A_77 : i32
    %get3A_79 = arith.index_cast %min3A_78 : i32 to index
    %get3A_80 = memref.load %arg9[%get3A_79] : memref<512xi32, #tpu.memory_space<smem>>
    %shift_right_arithmetic3A_81 = arith.constant 7 : i32
    %shift_right_arithmetic3A_82 = arith.shrsi %get3A_80, %shift_right_arithmetic3A_81 : i32
    %mul3A_83 = arith.constant 128 : i32
    %mul3A_84 = arith.muli %shift_right_arithmetic3A_82, %mul3A_83 : i32
    %dma_start3A = arith.constant 0 : i32
    %dma_start3A_85 = arith.constant 0 : i32
    %dma_start3A_86 = arith.constant 0 : i32
    %dma_start3A_87 = tpu.memref_slice %arg11[%dma_start3A, %dma_start3A_85, %dma_start3A_86] : memref<6x64x128xf32, #tpu.memory_space<vmem>> -> memref<1x64x128xf32, #tpu.memory_space<vmem>>
    %dma_start3A_88 = tpu.memref_squeeze %dma_start3A_87 : memref<1x64x128xf32, #tpu.memory_space<vmem>> -> memref<64x128xf32, #tpu.memory_space<vmem>>
    %dma_start3A_89 = arith.constant 0 : i32
    %dma_start3A_90 = tpu.memref_slice %arg5[%dma_start3A_89, %mul3A_84] : memref<64x1000000xf32, #tpu.memory_space<hbm>> -> memref<64x128xf32, #tpu.memory_space<hbm>>
    %dma_start3A_91 = arith.constant 0 : i32
    %dma_start3A_92 = arith.constant 0 : i32
    %dma_start3A_93 = tpu.memref_slice %arg11[%dma_start3A, %dma_start3A_91, %dma_start3A_92] : memref<6x64x128xf32, #tpu.memory_space<vmem>> -> memref<1x64x128xf32, #tpu.memory_space<vmem>>
    %dma_start3A_94 = tpu.memref_squeeze %dma_start3A_93 : memref<1x64x128xf32, #tpu.memory_space<vmem>> -> memref<64x128xf32, #tpu.memory_space<vmem>>
    %dma_start3A_95 = arith.constant 0 : i32
    %dma_start3A_96 = tpu.memref_slice %arg5[%dma_start3A_95, %mul3A_84] : memref<64x1000000xf32, #tpu.memory_space<hbm>> -> memref<64x128xf32, #tpu.memory_space<hbm>>
    tpu.enqueue_dma source(%dma_start3A_96 : memref<64x128xf32, #tpu.memory_space<hbm>>) target(%dma_start3A_94 : memref<64x128xf32, #tpu.memory_space<vmem>>) target_semaphore(%arg15 : memref<!tpu.dma_semaphore, #tpu.memory_space<semaphore_mem>>)
    %min3A_97 = arith.constant 1 : i32
    %min3A_98 = arith.constant 511 : i32
    %min3A_99 = arith.minsi %min3A_97, %min3A_98 : i32
    %get3A_100 = arith.index_cast %min3A_99 : i32 to index
    %get3A_101 = memref.load %arg9[%get3A_100] : memref<512xi32, #tpu.memory_space<smem>>
    %shift_right_arithmetic3A_102 = arith.constant 7 : i32
    %shift_right_arithmetic3A_103 = arith.shrsi %get3A_101, %shift_right_arithmetic3A_102 : i32
    %mul3A_104 = arith.constant 128 : i32
    %mul3A_105 = arith.muli %shift_right_arithmetic3A_103, %mul3A_104 : i32
    %dma_start3A_106 = arith.constant 1 : i32
    %dma_start3A_107 = arith.constant 0 : i32
    %dma_start3A_108 = arith.constant 0 : i32
    %dma_start3A_109 = tpu.memref_slice %arg11[%dma_start3A_106, %dma_start3A_107, %dma_start3A_108] : memref<6x64x128xf32, #tpu.memory_space<vmem>> -> memref<1x64x128xf32, #tpu.memory_space<vmem>>
    %dma_start3A_110 = tpu.memref_squeeze %dma_start3A_109 : memref<1x64x128xf32, #tpu.memory_space<vmem>> -> memref<64x128xf32, #tpu.memory_space<vmem>>
    %dma_start3A_111 = arith.constant 0 : i32
    %dma_start3A_112 = tpu.memref_slice %arg5[%dma_start3A_111, %mul3A_105] : memref<64x1000000xf32, #tpu.memory_space<hbm>> -> memref<64x128xf32, #tpu.memory_space<hbm>>
    %dma_start3A_113 = arith.constant 0 : i32
    %dma_start3A_114 = arith.constant 0 : i32
    %dma_start3A_115 = tpu.memref_slice %arg11[%dma_start3A_106, %dma_start3A_113, %dma_start3A_114] : memref<6x64x128xf32, #tpu.memory_space<vmem>> -> memref<1x64x128xf32, #tpu.memory_space<vmem>>
    %dma_start3A_116 = tpu.memref_squeeze %dma_start3A_115 : memref<1x64x128xf32, #tpu.memory_space<vmem>> -> memref<64x128xf32, #tpu.memory_space<vmem>>
    %dma_start3A_117 = arith.constant 0 : i32
    %dma_start3A_118 = tpu.memref_slice %arg5[%dma_start3A_117, %mul3A_105] : memref<64x1000000xf32, #tpu.memory_space<hbm>> -> memref<64x128xf32, #tpu.memory_space<hbm>>
    tpu.enqueue_dma source(%dma_start3A_118 : memref<64x128xf32, #tpu.memory_space<hbm>>) target(%dma_start3A_116 : memref<64x128xf32, #tpu.memory_space<vmem>>) target_semaphore(%arg15 : memref<!tpu.dma_semaphore, #tpu.memory_space<semaphore_mem>>)
    %min3A_119 = arith.constant 2 : i32
    %min3A_120 = arith.constant 511 : i32
    %min3A_121 = arith.minsi %min3A_119, %min3A_120 : i32
    %get3A_122 = arith.index_cast %min3A_121 : i32 to index
    %get3A_123 = memref.load %arg9[%get3A_122] : memref<512xi32, #tpu.memory_space<smem>>
    %shift_right_arithmetic3A_124 = arith.constant 7 : i32
    %shift_right_arithmetic3A_125 = arith.shrsi %get3A_123, %shift_right_arithmetic3A_124 : i32
    %mul3A_126 = arith.constant 128 : i32
    %mul3A_127 = arith.muli %shift_right_arithmetic3A_125, %mul3A_126 : i32
    %dma_start3A_128 = arith.constant 2 : i32
    %dma_start3A_129 = arith.constant 0 : i32
    %dma_start3A_130 = arith.constant 0 : i32
    %dma_start3A_131 = tpu.memref_slice %arg11[%dma_start3A_128, %dma_start3A_129, %dma_start3A_130] : memref<6x64x128xf32, #tpu.memory_space<vmem>> -> memref<1x64x128xf32, #tpu.memory_space<vmem>>
    %dma_start3A_132 = tpu.memref_squeeze %dma_start3A_131 : memref<1x64x128xf32, #tpu.memory_space<vmem>> -> memref<64x128xf32, #tpu.memory_space<vmem>>
    %dma_start3A_133 = arith.constant 0 : i32
    %dma_start3A_134 = tpu.memref_slice %arg5[%dma_start3A_133, %mul3A_127] : memref<64x1000000xf32, #tpu.memory_space<hbm>> -> memref<64x128xf32, #tpu.memory_space<hbm>>
    %dma_start3A_135 = arith.constant 0 : i32
    %dma_start3A_136 = arith.constant 0 : i32
    %dma_start3A_137 = tpu.memref_slice %arg11[%dma_start3A_128, %dma_start3A_135, %dma_start3A_136] : memref<6x64x128xf32, #tpu.memory_space<vmem>> -> memref<1x64x128xf32, #tpu.memory_space<vmem>>
    %dma_start3A_138 = tpu.memref_squeeze %dma_start3A_137 : memref<1x64x128xf32, #tpu.memory_space<vmem>> -> memref<64x128xf32, #tpu.memory_space<vmem>>
    %dma_start3A_139 = arith.constant 0 : i32
    %dma_start3A_140 = tpu.memref_slice %arg5[%dma_start3A_139, %mul3A_127] : memref<64x1000000xf32, #tpu.memory_space<hbm>> -> memref<64x128xf32, #tpu.memory_space<hbm>>
    tpu.enqueue_dma source(%dma_start3A_140 : memref<64x128xf32, #tpu.memory_space<hbm>>) target(%dma_start3A_138 : memref<64x128xf32, #tpu.memory_space<vmem>>) target_semaphore(%arg15 : memref<!tpu.dma_semaphore, #tpu.memory_space<semaphore_mem>>)
    %min3A_141 = arith.constant 3 : i32
    %min3A_142 = arith.constant 511 : i32
    %min3A_143 = arith.minsi %min3A_141, %min3A_142 : i32
    %get3A_144 = arith.index_cast %min3A_143 : i32 to index
    %get3A_145 = memref.load %arg9[%get3A_144] : memref<512xi32, #tpu.memory_space<smem>>
    %shift_right_arithmetic3A_146 = arith.constant 7 : i32
    %shift_right_arithmetic3A_147 = arith.shrsi %get3A_145, %shift_right_arithmetic3A_146 : i32
    %mul3A_148 = arith.constant 128 : i32
    %mul3A_149 = arith.muli %shift_right_arithmetic3A_147, %mul3A_148 : i32
    %dma_start3A_150 = arith.constant 3 : i32
    %dma_start3A_151 = arith.constant 0 : i32
    %dma_start3A_152 = arith.constant 0 : i32
    %dma_start3A_153 = tpu.memref_slice %arg11[%dma_start3A_150, %dma_start3A_151, %dma_start3A_152] : memref<6x64x128xf32, #tpu.memory_space<vmem>> -> memref<1x64x128xf32, #tpu.memory_space<vmem>>
    %dma_start3A_154 = tpu.memref_squeeze %dma_start3A_153 : memref<1x64x128xf32, #tpu.memory_space<vmem>> -> memref<64x128xf32, #tpu.memory_space<vmem>>
    %dma_start3A_155 = arith.constant 0 : i32
    %dma_start3A_156 = tpu.memref_slice %arg5[%dma_start3A_155, %mul3A_149] : memref<64x1000000xf32, #tpu.memory_space<hbm>> -> memref<64x128xf32, #tpu.memory_space<hbm>>
    %dma_start3A_157 = arith.constant 0 : i32
    %dma_start3A_158 = arith.constant 0 : i32
    %dma_start3A_159 = tpu.memref_slice %arg11[%dma_start3A_150, %dma_start3A_157, %dma_start3A_158] : memref<6x64x128xf32, #tpu.memory_space<vmem>> -> memref<1x64x128xf32, #tpu.memory_space<vmem>>
    %dma_start3A_160 = tpu.memref_squeeze %dma_start3A_159 : memref<1x64x128xf32, #tpu.memory_space<vmem>> -> memref<64x128xf32, #tpu.memory_space<vmem>>
    %dma_start3A_161 = arith.constant 0 : i32
    %dma_start3A_162 = tpu.memref_slice %arg5[%dma_start3A_161, %mul3A_149] : memref<64x1000000xf32, #tpu.memory_space<hbm>> -> memref<64x128xf32, #tpu.memory_space<hbm>>
    tpu.enqueue_dma source(%dma_start3A_162 : memref<64x128xf32, #tpu.memory_space<hbm>>) target(%dma_start3A_160 : memref<64x128xf32, #tpu.memory_space<vmem>>) target_semaphore(%arg15 : memref<!tpu.dma_semaphore, #tpu.memory_space<semaphore_mem>>)
    %min3A_163 = arith.constant 4 : i32
    %min3A_164 = arith.constant 511 : i32
    %min3A_165 = arith.minsi %min3A_163, %min3A_164 : i32
    %get3A_166 = arith.index_cast %min3A_165 : i32 to index
    %get3A_167 = memref.load %arg9[%get3A_166] : memref<512xi32, #tpu.memory_space<smem>>
    %shift_right_arithmetic3A_168 = arith.constant 7 : i32
    %shift_right_arithmetic3A_169 = arith.shrsi %get3A_167, %shift_right_arithmetic3A_168 : i32
    %mul3A_170 = arith.constant 128 : i32
    %mul3A_171 = arith.muli %shift_right_arithmetic3A_169, %mul3A_170 : i32
    %dma_start3A_172 = arith.constant 4 : i32
    %dma_start3A_173 = arith.constant 0 : i32
    %dma_start3A_174 = arith.constant 0 : i32
    %dma_start3A_175 = tpu.memref_slice %arg11[%dma_start3A_172, %dma_start3A_173, %dma_start3A_174] : memref<6x64x128xf32, #tpu.memory_space<vmem>> -> memref<1x64x128xf32, #tpu.memory_space<vmem>>
    %dma_start3A_176 = tpu.memref_squeeze %dma_start3A_175 : memref<1x64x128xf32, #tpu.memory_space<vmem>> -> memref<64x128xf32, #tpu.memory_space<vmem>>
    %dma_start3A_177 = arith.constant 0 : i32
    %dma_start3A_178 = tpu.memref_slice %arg5[%dma_start3A_177, %mul3A_171] : memref<64x1000000xf32, #tpu.memory_space<hbm>> -> memref<64x128xf32, #tpu.memory_space<hbm>>
    %dma_start3A_179 = arith.constant 0 : i32
    %dma_start3A_180 = arith.constant 0 : i32
    %dma_start3A_181 = tpu.memref_slice %arg11[%dma_start3A_172, %dma_start3A_179, %dma_start3A_180] : memref<6x64x128xf32, #tpu.memory_space<vmem>> -> memref<1x64x128xf32, #tpu.memory_space<vmem>>
    %dma_start3A_182 = tpu.memref_squeeze %dma_start3A_181 : memref<1x64x128xf32, #tpu.memory_space<vmem>> -> memref<64x128xf32, #tpu.memory_space<vmem>>
    %dma_start3A_183 = arith.constant 0 : i32
    %dma_start3A_184 = tpu.memref_slice %arg5[%dma_start3A_183, %mul3A_171] : memref<64x1000000xf32, #tpu.memory_space<hbm>> -> memref<64x128xf32, #tpu.memory_space<hbm>>
    tpu.enqueue_dma source(%dma_start3A_184 : memref<64x128xf32, #tpu.memory_space<hbm>>) target(%dma_start3A_182 : memref<64x128xf32, #tpu.memory_space<vmem>>) target_semaphore(%arg15 : memref<!tpu.dma_semaphore, #tpu.memory_space<semaphore_mem>>)
    %scan3A_185 = arith.constant 0 : i32
    %scan3A_186 = arith.constant 0 : i32
    %scan3A_187 = arith.constant 128 : i32
    %scan3A_188 = arith.addi %scan3A_186, %scan3A_187 : i32
    %scan3A_189 = arith.constant 1 : i32
    %scan3A_190:2 = scf.for %scan3A_198 = %scan3A_186 to %scan3A_188 step %scan3A_189 iter_args(%scan3A_199 = %add3A_75, %scan3A_200 = %scan3A_185) -> (i32, i32)  : i32 {
      %mul3A_201 = arith.constant 4 : i32
      %mul3A_202 = arith.muli %scan3A_198, %mul3A_201 : i32
      %add3A_203 = arith.constant 0 : i32
      %add3A_204 = arith.addi %mul3A_202, %add3A_203 : i32
      %add3A_205 = arith.constant 3 : i32
      %add3A_206 = arith.addi %add3A_204, %add3A_205 : i32
      %lt3A = arith.constant 512 : i32
      %lt3A_207 = arith.cmpi slt, %add3A_206, %lt3A : i32
      %add3A_208 = arith.constant 3 : i32
      %add3A_209 = arith.addi %add3A_204, %add3A_208 : i32
      %min3A_210 = arith.constant 511 : i32
      %min3A_211 = arith.minsi %add3A_209, %min3A_210 : i32
      %get3A_212 = arith.index_cast %min3A_211 : i32 to index
      %get3A_213 = memref.load %arg8[%get3A_212] : memref<512xi32, #tpu.memory_space<smem>>
      %shift_right_arithmetic3A_214 = arith.constant 7 : i32
      %shift_right_arithmetic3A_215 = arith.shrsi %get3A_213, %shift_right_arithmetic3A_214 : i32
      %sub3A_216 = arith.constant 1 : i32
      %sub3A_217 = arith.subi %min3A_211, %sub3A_216 : i32
      %max3A_218 = arith.constant 0 : i32
      %max3A_219 = arith.maxsi %sub3A_217, %max3A_218 : i32
      %get3A_220 = arith.index_cast %max3A_219 : i32 to index
      %get3A_221 = memref.load %arg8[%get3A_220] : memref<512xi32, #tpu.memory_space<smem>>
      %shift_right_arithmetic3A_222 = arith.constant 7 : i32
      %shift_right_arithmetic3A_223 = arith.shrsi %get3A_221, %shift_right_arithmetic3A_222 : i32
      %eq3A_224 = arith.constant 0 : i32
      %eq3A_225 = arith.cmpi eq, %min3A_211, %eq3A_224 : i32
      %ne3A_226 = arith.cmpi ne, %shift_right_arithmetic3A_215, %shift_right_arithmetic3A_223 : i32
      %or3A_227 = arith.ori %eq3A_225, %ne3A_226 : i1
      %and3A_228 = arith.andi %lt3A_207, %or3A_227 : i1
      %and3A_229 = arith.constant 3 : i32
      %and3A_230 = arith.andi %scan3A_199, %and3A_229 : i32
      %convert_element_type3A_231 = arith.extui %and3A_228 : i1 to i32
      %cond3A_232 = arith.constant 0 : i32
      %cond3A_233 = arith.cmpi ne, %convert_element_type3A_231, %cond3A_232 : i32
      scf.if %cond3A_233 {
        %add3A_708 = arith.constant 3 : i32
        %add3A_709 = arith.addi %add3A_204, %add3A_708 : i32
        %min3A_710 = arith.constant 511 : i32
        %min3A_711 = arith.minsi %add3A_709, %min3A_710 : i32
        %get3A_712 = arith.index_cast %min3A_711 : i32 to index
        %get3A_713 = memref.load %arg8[%get3A_712] : memref<512xi32, #tpu.memory_space<smem>>
        %shift_right_arithmetic3A_714 = arith.constant 7 : i32
        %shift_right_arithmetic3A_715 = arith.shrsi %get3A_713, %shift_right_arithmetic3A_714 : i32
        %mul3A_716 = arith.constant 128 : i32
        %mul3A_717 = arith.muli %shift_right_arithmetic3A_715, %mul3A_716 : i32
        %dma_start3A_718 = arith.constant 0 : i32
        %dma_start3A_719 = arith.constant 0 : i32
        %dma_start3A_720 = tpu.memref_slice %arg10[%and3A_230, %dma_start3A_718, %dma_start3A_719] : memref<4x64x128xf32, #tpu.memory_space<vmem>> -> memref<1x64x128xf32, #tpu.memory_space<vmem>>
        %dma_start3A_721 = tpu.memref_squeeze %dma_start3A_720 : memref<1x64x128xf32, #tpu.memory_space<vmem>> -> memref<64x128xf32, #tpu.memory_space<vmem>>
        %dma_start3A_722 = arith.constant 0 : i32
        %dma_start3A_723 = tpu.memref_slice %arg4[%dma_start3A_722, %mul3A_717] : memref<64x1000000xf32, #tpu.memory_space<hbm>> -> memref<64x128xf32, #tpu.memory_space<hbm>>
        %dma_start3A_724 = arith.constant 0 : i32
        %dma_start3A_725 = arith.constant 0 : i32
        %dma_start3A_726 = tpu.memref_slice %arg10[%and3A_230, %dma_start3A_724, %dma_start3A_725] : memref<4x64x128xf32, #tpu.memory_space<vmem>> -> memref<1x64x128xf32, #tpu.memory_space<vmem>>
        %dma_start3A_727 = tpu.memref_squeeze %dma_start3A_726 : memref<1x64x128xf32, #tpu.memory_space<vmem>> -> memref<64x128xf32, #tpu.memory_space<vmem>>
        %dma_start3A_728 = arith.constant 0 : i32
        %dma_start3A_729 = tpu.memref_slice %arg4[%dma_start3A_728, %mul3A_717] : memref<64x1000000xf32, #tpu.memory_space<hbm>> -> memref<64x128xf32, #tpu.memory_space<hbm>>
        tpu.enqueue_dma source(%dma_start3A_729 : memref<64x128xf32, #tpu.memory_space<hbm>>) target(%dma_start3A_727 : memref<64x128xf32, #tpu.memory_space<vmem>>) target_semaphore(%arg14 : memref<!tpu.dma_semaphore, #tpu.memory_space<semaphore_mem>>)
      } else {
      }
      %convert_element_type3A_234 = arith.extui %and3A_228 : i1 to i32
      %add3A_235 = arith.addi %scan3A_199, %convert_element_type3A_234 : i32
      %add3A_236 = arith.constant 5 : i32
      %add3A_237 = arith.addi %add3A_204, %add3A_236 : i32
      %rem3A = arith.constant 6 : i32
      %rem3A_238 = arith.remsi %add3A_237, %rem3A : i32
      %add3A_239 = arith.constant 5 : i32
      %add3A_240 = arith.addi %add3A_204, %add3A_239 : i32
      %lt3A_241 = arith.constant 512 : i32
      %lt3A_242 = arith.cmpi slt, %add3A_240, %lt3A_241 : i32
      %convert_element_type3A_243 = arith.extui %lt3A_242 : i1 to i32
      %cond3A_244 = arith.constant 0 : i32
      %cond3A_245 = arith.cmpi ne, %convert_element_type3A_243, %cond3A_244 : i32
      scf.if %cond3A_245 {
        %add3A_708 = arith.constant 5 : i32
        %add3A_709 = arith.addi %add3A_204, %add3A_708 : i32
        %min3A_710 = arith.constant 511 : i32
        %min3A_711 = arith.minsi %add3A_709, %min3A_710 : i32
        %get3A_712 = arith.index_cast %min3A_711 : i32 to index
        %get3A_713 = memref.load %arg9[%get3A_712] : memref<512xi32, #tpu.memory_space<smem>>
        %shift_right_arithmetic3A_714 = arith.constant 7 : i32
        %shift_right_arithmetic3A_715 = arith.shrsi %get3A_713, %shift_right_arithmetic3A_714 : i32
        %mul3A_716 = arith.constant 128 : i32
        %mul3A_717 = arith.muli %shift_right_arithmetic3A_715, %mul3A_716 : i32
        %dma_start3A_718 = arith.constant 0 : i32
        %dma_start3A_719 = arith.constant 0 : i32
        %dma_start3A_720 = tpu.memref_slice %arg11[%rem3A_238, %dma_start3A_718, %dma_start3A_719] : memref<6x64x128xf32, #tpu.memory_space<vmem>> -> memref<1x64x128xf32, #tpu.memory_space<vmem>>
        %dma_start3A_721 = tpu.memref_squeeze %dma_start3A_720 : memref<1x64x128xf32, #tpu.memory_space<vmem>> -> memref<64x128xf32, #tpu.memory_space<vmem>>
        %dma_start3A_722 = arith.constant 0 : i32
        %dma_start3A_723 = tpu.memref_slice %arg5[%dma_start3A_722, %mul3A_717] : memref<64x1000000xf32, #tpu.memory_space<hbm>> -> memref<64x128xf32, #tpu.memory_space<hbm>>
        %dma_start3A_724 = arith.constant 0 : i32
        %dma_start3A_725 = arith.constant 0 : i32
        %dma_start3A_726 = tpu.memref_slice %arg11[%rem3A_238, %dma_start3A_724, %dma_start3A_725] : memref<6x64x128xf32, #tpu.memory_space<vmem>> -> memref<1x64x128xf32, #tpu.memory_space<vmem>>
        %dma_start3A_727 = tpu.memref_squeeze %dma_start3A_726 : memref<1x64x128xf32, #tpu.memory_space<vmem>> -> memref<64x128xf32, #tpu.memory_space<vmem>>
        %dma_start3A_728 = arith.constant 0 : i32
        %dma_start3A_729 = tpu.memref_slice %arg5[%dma_start3A_728, %mul3A_717] : memref<64x1000000xf32, #tpu.memory_space<hbm>> -> memref<64x128xf32, #tpu.memory_space<hbm>>
        tpu.enqueue_dma source(%dma_start3A_729 : memref<64x128xf32, #tpu.memory_space<hbm>>) target(%dma_start3A_727 : memref<64x128xf32, #tpu.memory_space<vmem>>) target_semaphore(%arg15 : memref<!tpu.dma_semaphore, #tpu.memory_space<semaphore_mem>>)
      } else {
      }
      %min3A_246 = arith.constant 511 : i32
      %min3A_247 = arith.minsi %add3A_204, %min3A_246 : i32
      %get3A_248 = arith.index_cast %min3A_247 : i32 to index
      %get3A_249 = memref.load %arg8[%get3A_248] : memref<512xi32, #tpu.memory_space<smem>>
      %shift_right_arithmetic3A_250 = arith.constant 7 : i32
      %shift_right_arithmetic3A_251 = arith.shrsi %get3A_249, %shift_right_arithmetic3A_250 : i32
      %sub3A_252 = arith.constant 1 : i32
      %sub3A_253 = arith.subi %min3A_247, %sub3A_252 : i32
      %max3A_254 = arith.constant 0 : i32
      %max3A_255 = arith.maxsi %sub3A_253, %max3A_254 : i32
      %get3A_256 = arith.index_cast %max3A_255 : i32 to index
      %get3A_257 = memref.load %arg8[%get3A_256] : memref<512xi32, #tpu.memory_space<smem>>
      %shift_right_arithmetic3A_258 = arith.constant 7 : i32
      %shift_right_arithmetic3A_259 = arith.shrsi %get3A_257, %shift_right_arithmetic3A_258 : i32
      %eq3A_260 = arith.constant 0 : i32
      %eq3A_261 = arith.cmpi eq, %min3A_247, %eq3A_260 : i32
      %ne3A_262 = arith.cmpi ne, %shift_right_arithmetic3A_251, %shift_right_arithmetic3A_259 : i32
      %or3A_263 = arith.ori %eq3A_261, %ne3A_262 : i1
      %convert_element_type3A_264 = arith.extui %or3A_263 : i1 to i32
      %cond3A_265 = arith.constant 0 : i32
      %cond3A_266 = arith.cmpi ne, %convert_element_type3A_264, %cond3A_265 : i32
      scf.if %cond3A_266 {
        %dma_wait3A_708 = arith.constant 0 : i32
        %dma_wait3A_709 = arith.constant 0 : i32
        %dma_wait3A_710 = arith.constant 0 : i32
        %dma_wait3A_711 = tpu.memref_slice %arg10[%dma_wait3A_708, %dma_wait3A_709, %dma_wait3A_710] : memref<4x64x128xf32, #tpu.memory_space<vmem>> -> memref<1x64x128xf32, #tpu.memory_space<vmem>>
        %dma_wait3A_712 = tpu.memref_squeeze %dma_wait3A_711 : memref<1x64x128xf32, #tpu.memory_space<vmem>> -> memref<64x128xf32, #tpu.memory_space<vmem>>
        %dma_wait3A_713 = arith.constant 0 : i32
        %dma_wait3A_714 = arith.constant 0 : i32
        %dma_wait3A_715 = tpu.memref_slice %arg4[%dma_wait3A_713, %dma_wait3A_714] : memref<64x1000000xf32, #tpu.memory_space<hbm>> -> memref<64x128xf32, #tpu.memory_space<hbm>>
        %dma_wait3A_716 = arith.constant 0 : i32
        %dma_wait3A_717 = arith.constant 0 : i32
        %dma_wait3A_718 = tpu.memref_slice %arg10[%dma_wait3A_708, %dma_wait3A_716, %dma_wait3A_717] : memref<4x64x128xf32, #tpu.memory_space<vmem>> -> memref<1x64x128xf32, #tpu.memory_space<vmem>>
        %dma_wait3A_719 = tpu.memref_squeeze %dma_wait3A_718 : memref<1x64x128xf32, #tpu.memory_space<vmem>> -> memref<64x128xf32, #tpu.memory_space<vmem>>
        %dma_wait3A_720 = arith.constant 0 : i32
        %dma_wait3A_721 = arith.constant 0 : i32
        %dma_wait3A_722 = tpu.memref_slice %arg4[%dma_wait3A_720, %dma_wait3A_721] : memref<64x1000000xf32, #tpu.memory_space<hbm>> -> memref<64x128xf32, #tpu.memory_space<hbm>>
        tpu.wait_dma2 semaphore(%arg14 : memref<!tpu.dma_semaphore, #tpu.memory_space<semaphore_mem>>) src(%dma_wait3A_722 : memref<64x128xf32, #tpu.memory_space<hbm>>) dst(%dma_wait3A_719 : memref<64x128xf32, #tpu.memory_space<vmem>>)
      } else {
      }
      %convert_element_type3A_267 = arith.extui %or3A_263 : i1 to i32
      %add3A_268 = arith.addi %scan3A_200, %convert_element_type3A_267 : i32
      %sub3A_269 = arith.constant 1 : i32
      %sub3A_270 = arith.subi %add3A_268, %sub3A_269 : i32
      %and3A_271 = arith.constant 3 : i32
      %and3A_272 = arith.andi %sub3A_270, %and3A_271 : i32
      %broadcast_in_dim3A = vector.broadcast %and3A_272 : i32 to vector<16xi32>
      %dma_wait3A = arith.constant 0 : i32
      %dma_wait3A_273 = arith.constant 0 : i32
      %dma_wait3A_274 = arith.constant 0 : i32
      %dma_wait3A_275 = tpu.memref_slice %arg11[%dma_wait3A, %dma_wait3A_273, %dma_wait3A_274] : memref<6x64x128xf32, #tpu.memory_space<vmem>> -> memref<1x64x128xf32, #tpu.memory_space<vmem>>
      %dma_wait3A_276 = tpu.memref_squeeze %dma_wait3A_275 : memref<1x64x128xf32, #tpu.memory_space<vmem>> -> memref<64x128xf32, #tpu.memory_space<vmem>>
      %dma_wait3A_277 = arith.constant 0 : i32
      %dma_wait3A_278 = arith.constant 0 : i32
      %dma_wait3A_279 = tpu.memref_slice %arg5[%dma_wait3A_277, %dma_wait3A_278] : memref<64x1000000xf32, #tpu.memory_space<hbm>> -> memref<64x128xf32, #tpu.memory_space<hbm>>
      %dma_wait3A_280 = arith.constant 0 : i32
      %dma_wait3A_281 = arith.constant 0 : i32
      %dma_wait3A_282 = tpu.memref_slice %arg11[%dma_wait3A, %dma_wait3A_280, %dma_wait3A_281] : memref<6x64x128xf32, #tpu.memory_space<vmem>> -> memref<1x64x128xf32, #tpu.memory_space<vmem>>
      %dma_wait3A_283 = tpu.memref_squeeze %dma_wait3A_282 : memref<1x64x128xf32, #tpu.memory_space<vmem>> -> memref<64x128xf32, #tpu.memory_space<vmem>>
      %dma_wait3A_284 = arith.constant 0 : i32
      %dma_wait3A_285 = arith.constant 0 : i32
      %dma_wait3A_286 = tpu.memref_slice %arg5[%dma_wait3A_284, %dma_wait3A_285] : memref<64x1000000xf32, #tpu.memory_space<hbm>> -> memref<64x128xf32, #tpu.memory_space<hbm>>
      tpu.wait_dma2 semaphore(%arg15 : memref<!tpu.dma_semaphore, #tpu.memory_space<semaphore_mem>>) src(%dma_wait3A_286 : memref<64x128xf32, #tpu.memory_space<hbm>>) dst(%dma_wait3A_283 : memref<64x128xf32, #tpu.memory_space<vmem>>)
      %rem3A_287 = arith.constant 6 : i32
      %rem3A_288 = arith.remsi %add3A_204, %rem3A_287 : i32
      %broadcast_in_dim3A_289 = vector.broadcast %rem3A_288 : i32 to vector<16xi32>
      %get3A_290 = arith.index_cast %add3A_204 : i32 to index
      %get3A_291 = memref.load %arg8[%get3A_290] : memref<512xi32, #tpu.memory_space<smem>>
      %and3A_292 = arith.constant 127 : i32
      %and3A_293 = arith.andi %get3A_291, %and3A_292 : i32
      %broadcast_in_dim3A_294 = vector.broadcast %and3A_293 : i32 to vector<16xi32>
      %get3A_295 = arith.index_cast %add3A_204 : i32 to index
      %get3A_296 = memref.load %arg9[%get3A_295] : memref<512xi32, #tpu.memory_space<smem>>
      %and3A_297 = arith.constant 127 : i32
      %and3A_298 = arith.andi %get3A_296, %and3A_297 : i32
      %broadcast_in_dim3A_299 = vector.broadcast %and3A_298 : i32 to vector<16xi32>
      %broadcast_in_dim3A_300 = vector.broadcast %add3A_204 : i32 to vector<16xi32>
      %add3A_301 = arith.constant 0 : i32
      %add3A_302 = vector.broadcast %add3A_301 : i32 to vector<16xi32>
      %add3A_303 = arith.addi %add3A_302, %iota3A : vector<16xi32>
      %gather3A = tpu.vector_load_idx %arg10[%broadcast_in_dim3A, %add3A_303, %broadcast_in_dim3A_294] : memref<4x64x128xf32, #tpu.memory_space<vmem>>[vector<16xi32>, vector<16xi32>, vector<16xi32>], vector<16xf32>,
      %gather3A_304 = tpu.vector_load_idx %arg11[%broadcast_in_dim3A_289, %add3A_303, %broadcast_in_dim3A_299] : memref<6x64x128xf32, #tpu.memory_space<vmem>>[vector<16xi32>, vector<16xi32>, vector<16xi32>], vector<16xf32>,
      %mul3A_305 = arith.mulf %gather3A, %gather3A_304 : vector<16xf32>
      tpu.vector_store_idx %arg12[%add3A_303, %broadcast_in_dim3A_300], %mul3A_305 : memref<64x512xf32, #tpu.memory_space<vmem>>[vector<16xi32>, vector<16xi32>], vector<16xf32>,
      %add3A_306 = arith.constant 16 : i32
      %add3A_307 = vector.broadcast %add3A_306 : i32 to vector<16xi32>
      %add3A_308 = arith.addi %add3A_307, %iota3A : vector<16xi32>
      %gather3A_309 = tpu.vector_load_idx %arg10[%broadcast_in_dim3A, %add3A_308, %broadcast_in_dim3A_294] : memref<4x64x128xf32, #tpu.memory_space<vmem>>[vector<16xi32>, vector<16xi32>, vector<16xi32>], vector<16xf32>,
      %gather3A_310 = tpu.vector_load_idx %arg11[%broadcast_in_dim3A_289, %add3A_308, %broadcast_in_dim3A_299] : memref<6x64x128xf32, #tpu.memory_space<vmem>>[vector<16xi32>, vector<16xi32>, vector<16xi32>], vector<16xf32>,
      %mul3A_311 = arith.mulf %gather3A_309, %gather3A_310 : vector<16xf32>
      tpu.vector_store_idx %arg12[%add3A_308, %broadcast_in_dim3A_300], %mul3A_311 : memref<64x512xf32, #tpu.memory_space<vmem>>[vector<16xi32>, vector<16xi32>], vector<16xf32>,
      %add3A_312 = arith.constant 32 : i32
      %add3A_313 = vector.broadcast %add3A_312 : i32 to vector<16xi32>
      %add3A_314 = arith.addi %add3A_313, %iota3A : vector<16xi32>
      %gather3A_315 = tpu.vector_load_idx %arg10[%broadcast_in_dim3A, %add3A_314, %broadcast_in_dim3A_294] : memref<4x64x128xf32, #tpu.memory_space<vmem>>[vector<16xi32>, vector<16xi32>, vector<16xi32>], vector<16xf32>,
      %gather3A_316 = tpu.vector_load_idx %arg11[%broadcast_in_dim3A_289, %add3A_314, %broadcast_in_dim3A_299] : memref<6x64x128xf32, #tpu.memory_space<vmem>>[vector<16xi32>, vector<16xi32>, vector<16xi32>], vector<16xf32>,
      %mul3A_317 = arith.mulf %gather3A_315, %gather3A_316 : vector<16xf32>
      tpu.vector_store_idx %arg12[%add3A_314, %broadcast_in_dim3A_300], %mul3A_317 : memref<64x512xf32, #tpu.memory_space<vmem>>[vector<16xi32>, vector<16xi32>], vector<16xf32>,
      %add3A_318 = arith.constant 48 : i32
      %add3A_319 = vector.broadcast %add3A_318 : i32 to vector<16xi32>
      %add3A_320 = arith.addi %add3A_319, %iota3A : vector<16xi32>
      %gather3A_321 = tpu.vector_load_idx %arg10[%broadcast_in_dim3A, %add3A_320, %broadcast_in_dim3A_294] : memref<4x64x128xf32, #tpu.memory_space<vmem>>[vector<16xi32>, vector<16xi32>, vector<16xi32>], vector<16xf32>,
      %gather3A_322 = tpu.vector_load_idx %arg11[%broadcast_in_dim3A_289, %add3A_320, %broadcast_in_dim3A_299] : memref<6x64x128xf32, #tpu.memory_space<vmem>>[vector<16xi32>, vector<16xi32>, vector<16xi32>], vector<16xf32>,
      %mul3A_323 = arith.mulf %gather3A_321, %gather3A_322 : vector<16xf32>
      tpu.vector_store_idx %arg12[%add3A_320, %broadcast_in_dim3A_300], %mul3A_323 : memref<64x512xf32, #tpu.memory_space<vmem>>[vector<16xi32>, vector<16xi32>], vector<16xf32>,
      %mul3A_324 = arith.constant 4 : i32
      %mul3A_325 = arith.muli %scan3A_198, %mul3A_324 : i32
      %add3A_326 = arith.constant 1 : i32
      %add3A_327 = arith.addi %mul3A_325, %add3A_326 : i32
      %add3A_328 = arith.constant 3 : i32
      %add3A_329 = arith.addi %add3A_327, %add3A_328 : i32
      %lt3A_330 = arith.constant 512 : i32
      %lt3A_331 = arith.cmpi slt, %add3A_329, %lt3A_330 : i32
      %add3A_332 = arith.constant 3 : i32
      %add3A_333 = arith.addi %add3A_327, %add3A_332 : i32
      %min3A_334 = arith.constant 511 : i32
      %min3A_335 = arith.minsi %add3A_333, %min3A_334 : i32
      %get3A_336 = arith.index_cast %min3A_335 : i32 to index
      %get3A_337 = memref.load %arg8[%get3A_336] : memref<512xi32, #tpu.memory_space<smem>>
      %shift_right_arithmetic3A_338 = arith.constant 7 : i32
      %shift_right_arithmetic3A_339 = arith.shrsi %get3A_337, %shift_right_arithmetic3A_338 : i32
      %sub3A_340 = arith.constant 1 : i32
      %sub3A_341 = arith.subi %min3A_335, %sub3A_340 : i32
      %max3A_342 = arith.constant 0 : i32
      %max3A_343 = arith.maxsi %sub3A_341, %max3A_342 : i32
      %get3A_344 = arith.index_cast %max3A_343 : i32 to index
      %get3A_345 = memref.load %arg8[%get3A_344] : memref<512xi32, #tpu.memory_space<smem>>
      %shift_right_arithmetic3A_346 = arith.constant 7 : i32
      %shift_right_arithmetic3A_347 = arith.shrsi %get3A_345, %shift_right_arithmetic3A_346 : i32
      %eq3A_348 = arith.constant 0 : i32
      %eq3A_349 = arith.cmpi eq, %min3A_335, %eq3A_348 : i32
      %ne3A_350 = arith.cmpi ne, %shift_right_arithmetic3A_339, %shift_right_arithmetic3A_347 : i32
      %or3A_351 = arith.ori %eq3A_349, %ne3A_350 : i1
      %and3A_352 = arith.andi %lt3A_331, %or3A_351 : i1
      %and3A_353 = arith.constant 3 : i32
      %and3A_354 = arith.andi %add3A_235, %and3A_353 : i32
      %convert_element_type3A_355 = arith.extui %and3A_352 : i1 to i32
      %cond3A_356 = arith.constant 0 : i32
      %cond3A_357 = arith.cmpi ne, %convert_element_type3A_355, %cond3A_356 : i32
      scf.if %cond3A_357 {
        %add3A_708 = arith.constant 3 : i32
        %add3A_709 = arith.addi %add3A_327, %add3A_708 : i32
        %min3A_710 = arith.constant 511 : i32
        %min3A_711 = arith.minsi %add3A_709, %min3A_710 : i32
        %get3A_712 = arith.index_cast %min3A_711 : i32 to index
        %get3A_713 = memref.load %arg8[%get3A_712] : memref<512xi32, #tpu.memory_space<smem>>
        %shift_right_arithmetic3A_714 = arith.constant 7 : i32
        %shift_right_arithmetic3A_715 = arith.shrsi %get3A_713, %shift_right_arithmetic3A_714 : i32
        %mul3A_716 = arith.constant 128 : i32
        %mul3A_717 = arith.muli %shift_right_arithmetic3A_715, %mul3A_716 : i32
        %dma_start3A_718 = arith.constant 0 : i32
        %dma_start3A_719 = arith.constant 0 : i32
        %dma_start3A_720 = tpu.memref_slice %arg10[%and3A_354, %dma_start3A_718, %dma_start3A_719] : memref<4x64x128xf32, #tpu.memory_space<vmem>> -> memref<1x64x128xf32, #tpu.memory_space<vmem>>
        %dma_start3A_721 = tpu.memref_squeeze %dma_start3A_720 : memref<1x64x128xf32, #tpu.memory_space<vmem>> -> memref<64x128xf32, #tpu.memory_space<vmem>>
        %dma_start3A_722 = arith.constant 0 : i32
        %dma_start3A_723 = tpu.memref_slice %arg4[%dma_start3A_722, %mul3A_717] : memref<64x1000000xf32, #tpu.memory_space<hbm>> -> memref<64x128xf32, #tpu.memory_space<hbm>>
        %dma_start3A_724 = arith.constant 0 : i32
        %dma_start3A_725 = arith.constant 0 : i32
        %dma_start3A_726 = tpu.memref_slice %arg10[%and3A_354, %dma_start3A_724, %dma_start3A_725] : memref<4x64x128xf32, #tpu.memory_space<vmem>> -> memref<1x64x128xf32, #tpu.memory_space<vmem>>
        %dma_start3A_727 = tpu.memref_squeeze %dma_start3A_726 : memref<1x64x128xf32, #tpu.memory_space<vmem>> -> memref<64x128xf32, #tpu.memory_space<vmem>>
        %dma_start3A_728 = arith.constant 0 : i32
        %dma_start3A_729 = tpu.memref_slice %arg4[%dma_start3A_728, %mul3A_717] : memref<64x1000000xf32, #tpu.memory_space<hbm>> -> memref<64x128xf32, #tpu.memory_space<hbm>>
        tpu.enqueue_dma source(%dma_start3A_729 : memref<64x128xf32, #tpu.memory_space<hbm>>) target(%dma_start3A_727 : memref<64x128xf32, #tpu.memory_space<vmem>>) target_semaphore(%arg14 : memref<!tpu.dma_semaphore, #tpu.memory_space<semaphore_mem>>)
      } else {
      }
      %convert_element_type3A_358 = arith.extui %and3A_352 : i1 to i32
      %add3A_359 = arith.addi %add3A_235, %convert_element_type3A_358 : i32
      %add3A_360 = arith.constant 5 : i32
      %add3A_361 = arith.addi %add3A_327, %add3A_360 : i32
      %rem3A_362 = arith.constant 6 : i32
      %rem3A_363 = arith.remsi %add3A_361, %rem3A_362 : i32
      %add3A_364 = arith.constant 5 : i32
      %add3A_365 = arith.addi %add3A_327, %add3A_364 : i32
      %lt3A_366 = arith.constant 512 : i32
      %lt3A_367 = arith.cmpi slt, %add3A_365, %lt3A_366 : i32
      %convert_element_type3A_368 = arith.extui %lt3A_367 : i1 to i32
      %cond3A_369 = arith.constant 0 : i32
      %cond3A_370 = arith.cmpi ne, %convert_element_type3A_368, %cond3A_369 : i32
      scf.if %cond3A_370 {
        %add3A_708 = arith.constant 5 : i32
        %add3A_709 = arith.addi %add3A_327, %add3A_708 : i32
        %min3A_710 = arith.constant 511 : i32
        %min3A_711 = arith.minsi %add3A_709, %min3A_710 : i32
        %get3A_712 = arith.index_cast %min3A_711 : i32 to index
        %get3A_713 = memref.load %arg9[%get3A_712] : memref<512xi32, #tpu.memory_space<smem>>
        %shift_right_arithmetic3A_714 = arith.constant 7 : i32
        %shift_right_arithmetic3A_715 = arith.shrsi %get3A_713, %shift_right_arithmetic3A_714 : i32
        %mul3A_716 = arith.constant 128 : i32
        %mul3A_717 = arith.muli %shift_right_arithmetic3A_715, %mul3A_716 : i32
        %dma_start3A_718 = arith.constant 0 : i32
        %dma_start3A_719 = arith.constant 0 : i32
        %dma_start3A_720 = tpu.memref_slice %arg11[%rem3A_363, %dma_start3A_718, %dma_start3A_719] : memref<6x64x128xf32, #tpu.memory_space<vmem>> -> memref<1x64x128xf32, #tpu.memory_space<vmem>>
        %dma_start3A_721 = tpu.memref_squeeze %dma_start3A_720 : memref<1x64x128xf32, #tpu.memory_space<vmem>> -> memref<64x128xf32, #tpu.memory_space<vmem>>
        %dma_start3A_722 = arith.constant 0 : i32
        %dma_start3A_723 = tpu.memref_slice %arg5[%dma_start3A_722, %mul3A_717] : memref<64x1000000xf32, #tpu.memory_space<hbm>> -> memref<64x128xf32, #tpu.memory_space<hbm>>
        %dma_start3A_724 = arith.constant 0 : i32
        %dma_start3A_725 = arith.constant 0 : i32
        %dma_start3A_726 = tpu.memref_slice %arg11[%rem3A_363, %dma_start3A_724, %dma_start3A_725] : memref<6x64x128xf32, #tpu.memory_space<vmem>> -> memref<1x64x128xf32, #tpu.memory_space<vmem>>
        %dma_start3A_727 = tpu.memref_squeeze %dma_start3A_726 : memref<1x64x128xf32, #tpu.memory_space<vmem>> -> memref<64x128xf32, #tpu.memory_space<vmem>>
        %dma_start3A_728 = arith.constant 0 : i32
        %dma_start3A_729 = tpu.memref_slice %arg5[%dma_start3A_728, %mul3A_717] : memref<64x1000000xf32, #tpu.memory_space<hbm>> -> memref<64x128xf32, #tpu.memory_space<hbm>>
        tpu.enqueue_dma source(%dma_start3A_729 : memref<64x128xf32, #tpu.memory_space<hbm>>) target(%dma_start3A_727 : memref<64x128xf32, #tpu.memory_space<vmem>>) target_semaphore(%arg15 : memref<!tpu.dma_semaphore, #tpu.memory_space<semaphore_mem>>)
      } else {
      }
      %min3A_371 = arith.constant 511 : i32
      %min3A_372 = arith.minsi %add3A_327, %min3A_371 : i32
      %get3A_373 = arith.index_cast %min3A_372 : i32 to index
      %get3A_374 = memref.load %arg8[%get3A_373] : memref<512xi32, #tpu.memory_space<smem>>
      %shift_right_arithmetic3A_375 = arith.constant 7 : i32
      %shift_right_arithmetic3A_376 = arith.shrsi %get3A_374, %shift_right_arithmetic3A_375 : i32
      %sub3A_377 = arith.constant 1 : i32
      %sub3A_378 = arith.subi %min3A_372, %sub3A_377 : i32
      %max3A_379 = arith.constant 0 : i32
      %max3A_380 = arith.maxsi %sub3A_378, %max3A_379 : i32
      %get3A_381 = arith.index_cast %max3A_380 : i32 to index
      %get3A_382 = memref.load %arg8[%get3A_381] : memref<512xi32, #tpu.memory_space<smem>>
      %shift_right_arithmetic3A_383 = arith.constant 7 : i32
      %shift_right_arithmetic3A_384 = arith.shrsi %get3A_382, %shift_right_arithmetic3A_383 : i32
      %eq3A_385 = arith.constant 0 : i32
      %eq3A_386 = arith.cmpi eq, %min3A_372, %eq3A_385 : i32
      %ne3A_387 = arith.cmpi ne, %shift_right_arithmetic3A_376, %shift_right_arithmetic3A_384 : i32
      %or3A_388 = arith.ori %eq3A_386, %ne3A_387 : i1
      %convert_element_type3A_389 = arith.extui %or3A_388 : i1 to i32
      %cond3A_390 = arith.constant 0 : i32
      %cond3A_391 = arith.cmpi ne, %convert_element_type3A_389, %cond3A_390 : i32
      scf.if %cond3A_391 {
        %dma_wait3A_708 = arith.constant 0 : i32
        %dma_wait3A_709 = arith.constant 0 : i32
        %dma_wait3A_710 = arith.constant 0 : i32
        %dma_wait3A_711 = tpu.memref_slice %arg10[%dma_wait3A_708, %dma_wait3A_709, %dma_wait3A_710] : memref<4x64x128xf32, #tpu.memory_space<vmem>> -> memref<1x64x128xf32, #tpu.memory_space<vmem>>
        %dma_wait3A_712 = tpu.memref_squeeze %dma_wait3A_711 : memref<1x64x128xf32, #tpu.memory_space<vmem>> -> memref<64x128xf32, #tpu.memory_space<vmem>>
        %dma_wait3A_713 = arith.constant 0 : i32
        %dma_wait3A_714 = arith.constant 0 : i32
        %dma_wait3A_715 = tpu.memref_slice %arg4[%dma_wait3A_713, %dma_wait3A_714] : memref<64x1000000xf32, #tpu.memory_space<hbm>> -> memref<64x128xf32, #tpu.memory_space<hbm>>
        %dma_wait3A_716 = arith.constant 0 : i32
        %dma_wait3A_717 = arith.constant 0 : i32
        %dma_wait3A_718 = tpu.memref_slice %arg10[%dma_wait3A_708, %dma_wait3A_716, %dma_wait3A_717] : memref<4x64x128xf32, #tpu.memory_space<vmem>> -> memref<1x64x128xf32, #tpu.memory_space<vmem>>
        %dma_wait3A_719 = tpu.memref_squeeze %dma_wait3A_718 : memref<1x64x128xf32, #tpu.memory_space<vmem>> -> memref<64x128xf32, #tpu.memory_space<vmem>>
        %dma_wait3A_720 = arith.constant 0 : i32
        %dma_wait3A_721 = arith.constant 0 : i32
        %dma_wait3A_722 = tpu.memref_slice %arg4[%dma_wait3A_720, %dma_wait3A_721] : memref<64x1000000xf32, #tpu.memory_space<hbm>> -> memref<64x128xf32, #tpu.memory_space<hbm>>
        tpu.wait_dma2 semaphore(%arg14 : memref<!tpu.dma_semaphore, #tpu.memory_space<semaphore_mem>>) src(%dma_wait3A_722 : memref<64x128xf32, #tpu.memory_space<hbm>>) dst(%dma_wait3A_719 : memref<64x128xf32, #tpu.memory_space<vmem>>)
      } else {
      }
      %convert_element_type3A_392 = arith.extui %or3A_388 : i1 to i32
      %add3A_393 = arith.addi %add3A_268, %convert_element_type3A_392 : i32
      %sub3A_394 = arith.constant 1 : i32
      %sub3A_395 = arith.subi %add3A_393, %sub3A_394 : i32
      %and3A_396 = arith.constant 3 : i32
      %and3A_397 = arith.andi %sub3A_395, %and3A_396 : i32
      %broadcast_in_dim3A_398 = vector.broadcast %and3A_397 : i32 to vector<16xi32>
      %dma_wait3A_399 = arith.constant 0 : i32
      %dma_wait3A_400 = arith.constant 0 : i32
      %dma_wait3A_401 = arith.constant 0 : i32
      %dma_wait3A_402 = tpu.memref_slice %arg11[%dma_wait3A_399, %dma_wait3A_400, %dma_wait3A_401] : memref<6x64x128xf32, #tpu.memory_space<vmem>> -> memref<1x64x128xf32, #tpu.memory_space<vmem>>
      %dma_wait3A_403 = tpu.memref_squeeze %dma_wait3A_402 : memref<1x64x128xf32, #tpu.memory_space<vmem>> -> memref<64x128xf32, #tpu.memory_space<vmem>>
      %dma_wait3A_404 = arith.constant 0 : i32
      %dma_wait3A_405 = arith.constant 0 : i32
      %dma_wait3A_406 = tpu.memref_slice %arg5[%dma_wait3A_404, %dma_wait3A_405] : memref<64x1000000xf32, #tpu.memory_space<hbm>> -> memref<64x128xf32, #tpu.memory_space<hbm>>
      %dma_wait3A_407 = arith.constant 0 : i32
      %dma_wait3A_408 = arith.constant 0 : i32
      %dma_wait3A_409 = tpu.memref_slice %arg11[%dma_wait3A_399, %dma_wait3A_407, %dma_wait3A_408] : memref<6x64x128xf32, #tpu.memory_space<vmem>> -> memref<1x64x128xf32, #tpu.memory_space<vmem>>
      %dma_wait3A_410 = tpu.memref_squeeze %dma_wait3A_409 : memref<1x64x128xf32, #tpu.memory_space<vmem>> -> memref<64x128xf32, #tpu.memory_space<vmem>>
      %dma_wait3A_411 = arith.constant 0 : i32
      %dma_wait3A_412 = arith.constant 0 : i32
      %dma_wait3A_413 = tpu.memref_slice %arg5[%dma_wait3A_411, %dma_wait3A_412] : memref<64x1000000xf32, #tpu.memory_space<hbm>> -> memref<64x128xf32, #tpu.memory_space<hbm>>
      tpu.wait_dma2 semaphore(%arg15 : memref<!tpu.dma_semaphore, #tpu.memory_space<semaphore_mem>>) src(%dma_wait3A_413 : memref<64x128xf32, #tpu.memory_space<hbm>>) dst(%dma_wait3A_410 : memref<64x128xf32, #tpu.memory_space<vmem>>)
      %rem3A_414 = arith.constant 6 : i32
      %rem3A_415 = arith.remsi %add3A_327, %rem3A_414 : i32
      %broadcast_in_dim3A_416 = vector.broadcast %rem3A_415 : i32 to vector<16xi32>
      %get3A_417 = arith.index_cast %add3A_327 : i32 to index
      %get3A_418 = memref.load %arg8[%get3A_417] : memref<512xi32, #tpu.memory_space<smem>>
      %and3A_419 = arith.constant 127 : i32
      %and3A_420 = arith.andi %get3A_418, %and3A_419 : i32
      %broadcast_in_dim3A_421 = vector.broadcast %and3A_420 : i32 to vector<16xi32>
      %get3A_422 = arith.index_cast %add3A_327 : i32 to index
      %get3A_423 = memref.load %arg9[%get3A_422] : memref<512xi32, #tpu.memory_space<smem>>
      %and3A_424 = arith.constant 127 : i32
      %and3A_425 = arith.andi %get3A_423, %and3A_424 : i32
      %broadcast_in_dim3A_426 = vector.broadcast %and3A_425 : i32 to vector<16xi32>
      %broadcast_in_dim3A_427 = vector.broadcast %add3A_327 : i32 to vector<16xi32>
      %add3A_428 = arith.constant 0 : i32
      %add3A_429 = vector.broadcast %add3A_428 : i32 to vector<16xi32>
      %add3A_430 = arith.addi %add3A_429, %iota3A : vector<16xi32>
      %gather3A_431 = tpu.vector_load_idx %arg10[%broadcast_in_dim3A_398, %add3A_430, %broadcast_in_dim3A_421] : memref<4x64x128xf32, #tpu.memory_space<vmem>>[vector<16xi32>, vector<16xi32>, vector<16xi32>], vector<16xf32>,
      %gather3A_432 = tpu.vector_load_idx %arg11[%broadcast_in_dim3A_416, %add3A_430, %broadcast_in_dim3A_426] : memref<6x64x128xf32, #tpu.memory_space<vmem>>[vector<16xi32>, vector<16xi32>, vector<16xi32>], vector<16xf32>,
      %mul3A_433 = arith.mulf %gather3A_431, %gather3A_432 : vector<16xf32>
      tpu.vector_store_idx %arg12[%add3A_430, %broadcast_in_dim3A_427], %mul3A_433 : memref<64x512xf32, #tpu.memory_space<vmem>>[vector<16xi32>, vector<16xi32>], vector<16xf32>,
      %add3A_434 = arith.constant 16 : i32
      %add3A_435 = vector.broadcast %add3A_434 : i32 to vector<16xi32>
      %add3A_436 = arith.addi %add3A_435, %iota3A : vector<16xi32>
      %gather3A_437 = tpu.vector_load_idx %arg10[%broadcast_in_dim3A_398, %add3A_436, %broadcast_in_dim3A_421] : memref<4x64x128xf32, #tpu.memory_space<vmem>>[vector<16xi32>, vector<16xi32>, vector<16xi32>], vector<16xf32>,
      %gather3A_438 = tpu.vector_load_idx %arg11[%broadcast_in_dim3A_416, %add3A_436, %broadcast_in_dim3A_426] : memref<6x64x128xf32, #tpu.memory_space<vmem>>[vector<16xi32>, vector<16xi32>, vector<16xi32>], vector<16xf32>,
      %mul3A_439 = arith.mulf %gather3A_437, %gather3A_438 : vector<16xf32>
      tpu.vector_store_idx %arg12[%add3A_436, %broadcast_in_dim3A_427], %mul3A_439 : memref<64x512xf32, #tpu.memory_space<vmem>>[vector<16xi32>, vector<16xi32>], vector<16xf32>,
      %add3A_440 = arith.constant 32 : i32
      %add3A_441 = vector.broadcast %add3A_440 : i32 to vector<16xi32>
      %add3A_442 = arith.addi %add3A_441, %iota3A : vector<16xi32>
      %gather3A_443 = tpu.vector_load_idx %arg10[%broadcast_in_dim3A_398, %add3A_442, %broadcast_in_dim3A_421] : memref<4x64x128xf32, #tpu.memory_space<vmem>>[vector<16xi32>, vector<16xi32>, vector<16xi32>], vector<16xf32>,
      %gather3A_444 = tpu.vector_load_idx %arg11[%broadcast_in_dim3A_416, %add3A_442, %broadcast_in_dim3A_426] : memref<6x64x128xf32, #tpu.memory_space<vmem>>[vector<16xi32>, vector<16xi32>, vector<16xi32>], vector<16xf32>,
      %mul3A_445 = arith.mulf %gather3A_443, %gather3A_444 : vector<16xf32>
      tpu.vector_store_idx %arg12[%add3A_442, %broadcast_in_dim3A_427], %mul3A_445 : memref<64x512xf32, #tpu.memory_space<vmem>>[vector<16xi32>, vector<16xi32>], vector<16xf32>,
      %add3A_446 = arith.constant 48 : i32
      %add3A_447 = vector.broadcast %add3A_446 : i32 to vector<16xi32>
      %add3A_448 = arith.addi %add3A_447, %iota3A : vector<16xi32>
      %gather3A_449 = tpu.vector_load_idx %arg10[%broadcast_in_dim3A_398, %add3A_448, %broadcast_in_dim3A_421] : memref<4x64x128xf32, #tpu.memory_space<vmem>>[vector<16xi32>, vector<16xi32>, vector<16xi32>], vector<16xf32>,
      %gather3A_450 = tpu.vector_load_idx %arg11[%broadcast_in_dim3A_416, %add3A_448, %broadcast_in_dim3A_426] : memref<6x64x128xf32, #tpu.memory_space<vmem>>[vector<16xi32>, vector<16xi32>, vector<16xi32>], vector<16xf32>,
      %mul3A_451 = arith.mulf %gather3A_449, %gather3A_450 : vector<16xf32>
      tpu.vector_store_idx %arg12[%add3A_448, %broadcast_in_dim3A_427], %mul3A_451 : memref<64x512xf32, #tpu.memory_space<vmem>>[vector<16xi32>, vector<16xi32>], vector<16xf32>,
      %mul3A_452 = arith.constant 4 : i32
      %mul3A_453 = arith.muli %scan3A_198, %mul3A_452 : i32
      %add3A_454 = arith.constant 2 : i32
      %add3A_455 = arith.addi %mul3A_453, %add3A_454 : i32
      %add3A_456 = arith.constant 3 : i32
      %add3A_457 = arith.addi %add3A_455, %add3A_456 : i32
      %lt3A_458 = arith.constant 512 : i32
      %lt3A_459 = arith.cmpi slt, %add3A_457, %lt3A_458 : i32
      %add3A_460 = arith.constant 3 : i32
      %add3A_461 = arith.addi %add3A_455, %add3A_460 : i32
      %min3A_462 = arith.constant 511 : i32
      %min3A_463 = arith.minsi %add3A_461, %min3A_462 : i32
      %get3A_464 = arith.index_cast %min3A_463 : i32 to index
      %get3A_465 = memref.load %arg8[%get3A_464] : memref<512xi32, #tpu.memory_space<smem>>
      %shift_right_arithmetic3A_466 = arith.constant 7 : i32
      %shift_right_arithmetic3A_467 = arith.shrsi %get3A_465, %shift_right_arithmetic3A_466 : i32
      %sub3A_468 = arith.constant 1 : i32
      %sub3A_469 = arith.subi %min3A_463, %sub3A_468 : i32
      %max3A_470 = arith.constant 0 : i32
      %max3A_471 = arith.maxsi %sub3A_469, %max3A_470 : i32
      %get3A_472 = arith.index_cast %max3A_471 : i32 to index
      %get3A_473 = memref.load %arg8[%get3A_472] : memref<512xi32, #tpu.memory_space<smem>>
      %shift_right_arithmetic3A_474 = arith.constant 7 : i32
      %shift_right_arithmetic3A_475 = arith.shrsi %get3A_473, %shift_right_arithmetic3A_474 : i32
      %eq3A_476 = arith.constant 0 : i32
      %eq3A_477 = arith.cmpi eq, %min3A_463, %eq3A_476 : i32
      %ne3A_478 = arith.cmpi ne, %shift_right_arithmetic3A_467, %shift_right_arithmetic3A_475 : i32
      %or3A_479 = arith.ori %eq3A_477, %ne3A_478 : i1
      %and3A_480 = arith.andi %lt3A_459, %or3A_479 : i1
      %and3A_481 = arith.constant 3 : i32
      %and3A_482 = arith.andi %add3A_359, %and3A_481 : i32
      %convert_element_type3A_483 = arith.extui %and3A_480 : i1 to i32
      %cond3A_484 = arith.constant 0 : i32
      %cond3A_485 = arith.cmpi ne, %convert_element_type3A_483, %cond3A_484 : i32
      scf.if %cond3A_485 {
        %add3A_708 = arith.constant 3 : i32
        %add3A_709 = arith.addi %add3A_455, %add3A_708 : i32
        %min3A_710 = arith.constant 511 : i32
        %min3A_711 = arith.minsi %add3A_709, %min3A_710 : i32
        %get3A_712 = arith.index_cast %min3A_711 : i32 to index
        %get3A_713 = memref.load %arg8[%get3A_712] : memref<512xi32, #tpu.memory_space<smem>>
        %shift_right_arithmetic3A_714 = arith.constant 7 : i32
        %shift_right_arithmetic3A_715 = arith.shrsi %get3A_713, %shift_right_arithmetic3A_714 : i32
        %mul3A_716 = arith.constant 128 : i32
        %mul3A_717 = arith.muli %shift_right_arithmetic3A_715, %mul3A_716 : i32
        %dma_start3A_718 = arith.constant 0 : i32
        %dma_start3A_719 = arith.constant 0 : i32
        %dma_start3A_720 = tpu.memref_slice %arg10[%and3A_482, %dma_start3A_718, %dma_start3A_719] : memref<4x64x128xf32, #tpu.memory_space<vmem>> -> memref<1x64x128xf32, #tpu.memory_space<vmem>>
        %dma_start3A_721 = tpu.memref_squeeze %dma_start3A_720 : memref<1x64x128xf32, #tpu.memory_space<vmem>> -> memref<64x128xf32, #tpu.memory_space<vmem>>
        %dma_start3A_722 = arith.constant 0 : i32
        %dma_start3A_723 = tpu.memref_slice %arg4[%dma_start3A_722, %mul3A_717] : memref<64x1000000xf32, #tpu.memory_space<hbm>> -> memref<64x128xf32, #tpu.memory_space<hbm>>
        %dma_start3A_724 = arith.constant 0 : i32
        %dma_start3A_725 = arith.constant 0 : i32
        %dma_start3A_726 = tpu.memref_slice %arg10[%and3A_482, %dma_start3A_724, %dma_start3A_725] : memref<4x64x128xf32, #tpu.memory_space<vmem>> -> memref<1x64x128xf32, #tpu.memory_space<vmem>>
        %dma_start3A_727 = tpu.memref_squeeze %dma_start3A_726 : memref<1x64x128xf32, #tpu.memory_space<vmem>> -> memref<64x128xf32, #tpu.memory_space<vmem>>
        %dma_start3A_728 = arith.constant 0 : i32
        %dma_start3A_729 = tpu.memref_slice %arg4[%dma_start3A_728, %mul3A_717] : memref<64x1000000xf32, #tpu.memory_space<hbm>> -> memref<64x128xf32, #tpu.memory_space<hbm>>
        tpu.enqueue_dma source(%dma_start3A_729 : memref<64x128xf32, #tpu.memory_space<hbm>>) target(%dma_start3A_727 : memref<64x128xf32, #tpu.memory_space<vmem>>) target_semaphore(%arg14 : memref<!tpu.dma_semaphore, #tpu.memory_space<semaphore_mem>>)
      } else {
      }
      %convert_element_type3A_486 = arith.extui %and3A_480 : i1 to i32
      %add3A_487 = arith.addi %add3A_359, %convert_element_type3A_486 : i32
      %add3A_488 = arith.constant 5 : i32
      %add3A_489 = arith.addi %add3A_455, %add3A_488 : i32
      %rem3A_490 = arith.constant 6 : i32
      %rem3A_491 = arith.remsi %add3A_489, %rem3A_490 : i32
      %add3A_492 = arith.constant 5 : i32
      %add3A_493 = arith.addi %add3A_455, %add3A_492 : i32
      %lt3A_494 = arith.constant 512 : i32
      %lt3A_495 = arith.cmpi slt, %add3A_493, %lt3A_494 : i32
      %convert_element_type3A_496 = arith.extui %lt3A_495 : i1 to i32
      %cond3A_497 = arith.constant 0 : i32
      %cond3A_498 = arith.cmpi ne, %convert_element_type3A_496, %cond3A_497 : i32
      scf.if %cond3A_498 {
        %add3A_708 = arith.constant 5 : i32
        %add3A_709 = arith.addi %add3A_455, %add3A_708 : i32
        %min3A_710 = arith.constant 511 : i32
        %min3A_711 = arith.minsi %add3A_709, %min3A_710 : i32
        %get3A_712 = arith.index_cast %min3A_711 : i32 to index
        %get3A_713 = memref.load %arg9[%get3A_712] : memref<512xi32, #tpu.memory_space<smem>>
        %shift_right_arithmetic3A_714 = arith.constant 7 : i32
        %shift_right_arithmetic3A_715 = arith.shrsi %get3A_713, %shift_right_arithmetic3A_714 : i32
        %mul3A_716 = arith.constant 128 : i32
        %mul3A_717 = arith.muli %shift_right_arithmetic3A_715, %mul3A_716 : i32
        %dma_start3A_718 = arith.constant 0 : i32
        %dma_start3A_719 = arith.constant 0 : i32
        %dma_start3A_720 = tpu.memref_slice %arg11[%rem3A_491, %dma_start3A_718, %dma_start3A_719] : memref<6x64x128xf32, #tpu.memory_space<vmem>> -> memref<1x64x128xf32, #tpu.memory_space<vmem>>
        %dma_start3A_721 = tpu.memref_squeeze %dma_start3A_720 : memref<1x64x128xf32, #tpu.memory_space<vmem>> -> memref<64x128xf32, #tpu.memory_space<vmem>>
        %dma_start3A_722 = arith.constant 0 : i32
        %dma_start3A_723 = tpu.memref_slice %arg5[%dma_start3A_722, %mul3A_717] : memref<64x1000000xf32, #tpu.memory_space<hbm>> -> memref<64x128xf32, #tpu.memory_space<hbm>>
        %dma_start3A_724 = arith.constant 0 : i32
        %dma_start3A_725 = arith.constant 0 : i32
        %dma_start3A_726 = tpu.memref_slice %arg11[%rem3A_491, %dma_start3A_724, %dma_start3A_725] : memref<6x64x128xf32, #tpu.memory_space<vmem>> -> memref<1x64x128xf32, #tpu.memory_space<vmem>>
        %dma_start3A_727 = tpu.memref_squeeze %dma_start3A_726 : memref<1x64x128xf32, #tpu.memory_space<vmem>> -> memref<64x128xf32, #tpu.memory_space<vmem>>
        %dma_start3A_728 = arith.constant 0 : i32
        %dma_start3A_729 = tpu.memref_slice %arg5[%dma_start3A_728, %mul3A_717] : memref<64x1000000xf32, #tpu.memory_space<hbm>> -> memref<64x128xf32, #tpu.memory_space<hbm>>
        tpu.enqueue_dma source(%dma_start3A_729 : memref<64x128xf32, #tpu.memory_space<hbm>>) target(%dma_start3A_727 : memref<64x128xf32, #tpu.memory_space<vmem>>) target_semaphore(%arg15 : memref<!tpu.dma_semaphore, #tpu.memory_space<semaphore_mem>>)
      } else {
      }
      %min3A_499 = arith.constant 511 : i32
      %min3A_500 = arith.minsi %add3A_455, %min3A_499 : i32
      %get3A_501 = arith.index_cast %min3A_500 : i32 to index
      %get3A_502 = memref.load %arg8[%get3A_501] : memref<512xi32, #tpu.memory_space<smem>>
      %shift_right_arithmetic3A_503 = arith.constant 7 : i32
      %shift_right_arithmetic3A_504 = arith.shrsi %get3A_502, %shift_right_arithmetic3A_503 : i32
      %sub3A_505 = arith.constant 1 : i32
      %sub3A_506 = arith.subi %min3A_500, %sub3A_505 : i32
      %max3A_507 = arith.constant 0 : i32
      %max3A_508 = arith.maxsi %sub3A_506, %max3A_507 : i32
      %get3A_509 = arith.index_cast %max3A_508 : i32 to index
      %get3A_510 = memref.load %arg8[%get3A_509] : memref<512xi32, #tpu.memory_space<smem>>
      %shift_right_arithmetic3A_511 = arith.constant 7 : i32
      %shift_right_arithmetic3A_512 = arith.shrsi %get3A_510, %shift_right_arithmetic3A_511 : i32
      %eq3A_513 = arith.constant 0 : i32
      %eq3A_514 = arith.cmpi eq, %min3A_500, %eq3A_513 : i32
      %ne3A_515 = arith.cmpi ne, %shift_right_arithmetic3A_504, %shift_right_arithmetic3A_512 : i32
      %or3A_516 = arith.ori %eq3A_514, %ne3A_515 : i1
      %convert_element_type3A_517 = arith.extui %or3A_516 : i1 to i32
      %cond3A_518 = arith.constant 0 : i32
      %cond3A_519 = arith.cmpi ne, %convert_element_type3A_517, %cond3A_518 : i32
      scf.if %cond3A_519 {
        %dma_wait3A_708 = arith.constant 0 : i32
        %dma_wait3A_709 = arith.constant 0 : i32
        %dma_wait3A_710 = arith.constant 0 : i32
        %dma_wait3A_711 = tpu.memref_slice %arg10[%dma_wait3A_708, %dma_wait3A_709, %dma_wait3A_710] : memref<4x64x128xf32, #tpu.memory_space<vmem>> -> memref<1x64x128xf32, #tpu.memory_space<vmem>>
        %dma_wait3A_712 = tpu.memref_squeeze %dma_wait3A_711 : memref<1x64x128xf32, #tpu.memory_space<vmem>> -> memref<64x128xf32, #tpu.memory_space<vmem>>
        %dma_wait3A_713 = arith.constant 0 : i32
        %dma_wait3A_714 = arith.constant 0 : i32
        %dma_wait3A_715 = tpu.memref_slice %arg4[%dma_wait3A_713, %dma_wait3A_714] : memref<64x1000000xf32, #tpu.memory_space<hbm>> -> memref<64x128xf32, #tpu.memory_space<hbm>>
        %dma_wait3A_716 = arith.constant 0 : i32
        %dma_wait3A_717 = arith.constant 0 : i32
        %dma_wait3A_718 = tpu.memref_slice %arg10[%dma_wait3A_708, %dma_wait3A_716, %dma_wait3A_717] : memref<4x64x128xf32, #tpu.memory_space<vmem>> -> memref<1x64x128xf32, #tpu.memory_space<vmem>>
        %dma_wait3A_719 = tpu.memref_squeeze %dma_wait3A_718 : memref<1x64x128xf32, #tpu.memory_space<vmem>> -> memref<64x128xf32, #tpu.memory_space<vmem>>
        %dma_wait3A_720 = arith.constant 0 : i32
        %dma_wait3A_721 = arith.constant 0 : i32
        %dma_wait3A_722 = tpu.memref_slice %arg4[%dma_wait3A_720, %dma_wait3A_721] : memref<64x1000000xf32, #tpu.memory_space<hbm>> -> memref<64x128xf32, #tpu.memory_space<hbm>>
        tpu.wait_dma2 semaphore(%arg14 : memref<!tpu.dma_semaphore, #tpu.memory_space<semaphore_mem>>) src(%dma_wait3A_722 : memref<64x128xf32, #tpu.memory_space<hbm>>) dst(%dma_wait3A_719 : memref<64x128xf32, #tpu.memory_space<vmem>>)
      } else {
      }
      %convert_element_type3A_520 = arith.extui %or3A_516 : i1 to i32
      %add3A_521 = arith.addi %add3A_393, %convert_element_type3A_520 : i32
      %sub3A_522 = arith.constant 1 : i32
      %sub3A_523 = arith.subi %add3A_521, %sub3A_522 : i32
      %and3A_524 = arith.constant 3 : i32
      %and3A_525 = arith.andi %sub3A_523, %and3A_524 : i32
      %broadcast_in_dim3A_526 = vector.broadcast %and3A_525 : i32 to vector<16xi32>
      %dma_wait3A_527 = arith.constant 0 : i32
      %dma_wait3A_528 = arith.constant 0 : i32
      %dma_wait3A_529 = arith.constant 0 : i32
      %dma_wait3A_530 = tpu.memref_slice %arg11[%dma_wait3A_527, %dma_wait3A_528, %dma_wait3A_529] : memref<6x64x128xf32, #tpu.memory_space<vmem>> -> memref<1x64x128xf32, #tpu.memory_space<vmem>>
      %dma_wait3A_531 = tpu.memref_squeeze %dma_wait3A_530 : memref<1x64x128xf32, #tpu.memory_space<vmem>> -> memref<64x128xf32, #tpu.memory_space<vmem>>
      %dma_wait3A_532 = arith.constant 0 : i32
      %dma_wait3A_533 = arith.constant 0 : i32
      %dma_wait3A_534 = tpu.memref_slice %arg5[%dma_wait3A_532, %dma_wait3A_533] : memref<64x1000000xf32, #tpu.memory_space<hbm>> -> memref<64x128xf32, #tpu.memory_space<hbm>>
      %dma_wait3A_535 = arith.constant 0 : i32
      %dma_wait3A_536 = arith.constant 0 : i32
      %dma_wait3A_537 = tpu.memref_slice %arg11[%dma_wait3A_527, %dma_wait3A_535, %dma_wait3A_536] : memref<6x64x128xf32, #tpu.memory_space<vmem>> -> memref<1x64x128xf32, #tpu.memory_space<vmem>>
      %dma_wait3A_538 = tpu.memref_squeeze %dma_wait3A_537 : memref<1x64x128xf32, #tpu.memory_space<vmem>> -> memref<64x128xf32, #tpu.memory_space<vmem>>
      %dma_wait3A_539 = arith.constant 0 : i32
      %dma_wait3A_540 = arith.constant 0 : i32
      %dma_wait3A_541 = tpu.memref_slice %arg5[%dma_wait3A_539, %dma_wait3A_540] : memref<64x1000000xf32, #tpu.memory_space<hbm>> -> memref<64x128xf32, #tpu.memory_space<hbm>>
      tpu.wait_dma2 semaphore(%arg15 : memref<!tpu.dma_semaphore, #tpu.memory_space<semaphore_mem>>) src(%dma_wait3A_541 : memref<64x128xf32, #tpu.memory_space<hbm>>) dst(%dma_wait3A_538 : memref<64x128xf32, #tpu.memory_space<vmem>>)
      %rem3A_542 = arith.constant 6 : i32
      %rem3A_543 = arith.remsi %add3A_455, %rem3A_542 : i32
      %broadcast_in_dim3A_544 = vector.broadcast %rem3A_543 : i32 to vector<16xi32>
      %get3A_545 = arith.index_cast %add3A_455 : i32 to index
      %get3A_546 = memref.load %arg8[%get3A_545] : memref<512xi32, #tpu.memory_space<smem>>
      %and3A_547 = arith.constant 127 : i32
      %and3A_548 = arith.andi %get3A_546, %and3A_547 : i32
      %broadcast_in_dim3A_549 = vector.broadcast %and3A_548 : i32 to vector<16xi32>
      %get3A_550 = arith.index_cast %add3A_455 : i32 to index
      %get3A_551 = memref.load %arg9[%get3A_550] : memref<512xi32, #tpu.memory_space<smem>>
      %and3A_552 = arith.constant 127 : i32
      %and3A_553 = arith.andi %get3A_551, %and3A_552 : i32
      %broadcast_in_dim3A_554 = vector.broadcast %and3A_553 : i32 to vector<16xi32>
      %broadcast_in_dim3A_555 = vector.broadcast %add3A_455 : i32 to vector<16xi32>
      %add3A_556 = arith.constant 0 : i32
      %add3A_557 = vector.broadcast %add3A_556 : i32 to vector<16xi32>
      %add3A_558 = arith.addi %add3A_557, %iota3A : vector<16xi32>
      %gather3A_559 = tpu.vector_load_idx %arg10[%broadcast_in_dim3A_526, %add3A_558, %broadcast_in_dim3A_549] : memref<4x64x128xf32, #tpu.memory_space<vmem>>[vector<16xi32>, vector<16xi32>, vector<16xi32>], vector<16xf32>,
      %gather3A_560 = tpu.vector_load_idx %arg11[%broadcast_in_dim3A_544, %add3A_558, %broadcast_in_dim3A_554] : memref<6x64x128xf32, #tpu.memory_space<vmem>>[vector<16xi32>, vector<16xi32>, vector<16xi32>], vector<16xf32>,
      %mul3A_561 = arith.mulf %gather3A_559, %gather3A_560 : vector<16xf32>
      tpu.vector_store_idx %arg12[%add3A_558, %broadcast_in_dim3A_555], %mul3A_561 : memref<64x512xf32, #tpu.memory_space<vmem>>[vector<16xi32>, vector<16xi32>], vector<16xf32>,
      %add3A_562 = arith.constant 16 : i32
      %add3A_563 = vector.broadcast %add3A_562 : i32 to vector<16xi32>
      %add3A_564 = arith.addi %add3A_563, %iota3A : vector<16xi32>
      %gather3A_565 = tpu.vector_load_idx %arg10[%broadcast_in_dim3A_526, %add3A_564, %broadcast_in_dim3A_549] : memref<4x64x128xf32, #tpu.memory_space<vmem>>[vector<16xi32>, vector<16xi32>, vector<16xi32>], vector<16xf32>,
      %gather3A_566 = tpu.vector_load_idx %arg11[%broadcast_in_dim3A_544, %add3A_564, %broadcast_in_dim3A_554] : memref<6x64x128xf32, #tpu.memory_space<vmem>>[vector<16xi32>, vector<16xi32>, vector<16xi32>], vector<16xf32>,
      %mul3A_567 = arith.mulf %gather3A_565, %gather3A_566 : vector<16xf32>
      tpu.vector_store_idx %arg12[%add3A_564, %broadcast_in_dim3A_555], %mul3A_567 : memref<64x512xf32, #tpu.memory_space<vmem>>[vector<16xi32>, vector<16xi32>], vector<16xf32>,
      %add3A_568 = arith.constant 32 : i32
      %add3A_569 = vector.broadcast %add3A_568 : i32 to vector<16xi32>
      %add3A_570 = arith.addi %add3A_569, %iota3A : vector<16xi32>
      %gather3A_571 = tpu.vector_load_idx %arg10[%broadcast_in_dim3A_526, %add3A_570, %broadcast_in_dim3A_549] : memref<4x64x128xf32, #tpu.memory_space<vmem>>[vector<16xi32>, vector<16xi32>, vector<16xi32>], vector<16xf32>,
      %gather3A_572 = tpu.vector_load_idx %arg11[%broadcast_in_dim3A_544, %add3A_570, %broadcast_in_dim3A_554] : memref<6x64x128xf32, #tpu.memory_space<vmem>>[vector<16xi32>, vector<16xi32>, vector<16xi32>], vector<16xf32>,
      %mul3A_573 = arith.mulf %gather3A_571, %gather3A_572 : vector<16xf32>
      tpu.vector_store_idx %arg12[%add3A_570, %broadcast_in_dim3A_555], %mul3A_573 : memref<64x512xf32, #tpu.memory_space<vmem>>[vector<16xi32>, vector<16xi32>], vector<16xf32>,
      %add3A_574 = arith.constant 48 : i32
      %add3A_575 = vector.broadcast %add3A_574 : i32 to vector<16xi32>
      %add3A_576 = arith.addi %add3A_575, %iota3A : vector<16xi32>
      %gather3A_577 = tpu.vector_load_idx %arg10[%broadcast_in_dim3A_526, %add3A_576, %broadcast_in_dim3A_549] : memref<4x64x128xf32, #tpu.memory_space<vmem>>[vector<16xi32>, vector<16xi32>, vector<16xi32>], vector<16xf32>,
      %gather3A_578 = tpu.vector_load_idx %arg11[%broadcast_in_dim3A_544, %add3A_576, %broadcast_in_dim3A_554] : memref<6x64x128xf32, #tpu.memory_space<vmem>>[vector<16xi32>, vector<16xi32>, vector<16xi32>], vector<16xf32>,
      %mul3A_579 = arith.mulf %gather3A_577, %gather3A_578 : vector<16xf32>
      tpu.vector_store_idx %arg12[%add3A_576, %broadcast_in_dim3A_555], %mul3A_579 : memref<64x512xf32, #tpu.memory_space<vmem>>[vector<16xi32>, vector<16xi32>], vector<16xf32>,
      %mul3A_580 = arith.constant 4 : i32
      %mul3A_581 = arith.muli %scan3A_198, %mul3A_580 : i32
      %add3A_582 = arith.constant 3 : i32
      %add3A_583 = arith.addi %mul3A_581, %add3A_582 : i32
      %add3A_584 = arith.constant 3 : i32
      %add3A_585 = arith.addi %add3A_583, %add3A_584 : i32
      %lt3A_586 = arith.constant 512 : i32
      %lt3A_587 = arith.cmpi slt, %add3A_585, %lt3A_586 : i32
      %add3A_588 = arith.constant 3 : i32
      %add3A_589 = arith.addi %add3A_583, %add3A_588 : i32
      %min3A_590 = arith.constant 511 : i32
      %min3A_591 = arith.minsi %add3A_589, %min3A_590 : i32
      %get3A_592 = arith.index_cast %min3A_591 : i32 to index
      %get3A_593 = memref.load %arg8[%get3A_592] : memref<512xi32, #tpu.memory_space<smem>>
      %shift_right_arithmetic3A_594 = arith.constant 7 : i32
      %shift_right_arithmetic3A_595 = arith.shrsi %get3A_593, %shift_right_arithmetic3A_594 : i32
      %sub3A_596 = arith.constant 1 : i32
      %sub3A_597 = arith.subi %min3A_591, %sub3A_596 : i32
      %max3A_598 = arith.constant 0 : i32
      %max3A_599 = arith.maxsi %sub3A_597, %max3A_598 : i32
      %get3A_600 = arith.index_cast %max3A_599 : i32 to index
      %get3A_601 = memref.load %arg8[%get3A_600] : memref<512xi32, #tpu.memory_space<smem>>
      %shift_right_arithmetic3A_602 = arith.constant 7 : i32
      %shift_right_arithmetic3A_603 = arith.shrsi %get3A_601, %shift_right_arithmetic3A_602 : i32
      %eq3A_604 = arith.constant 0 : i32
      %eq3A_605 = arith.cmpi eq, %min3A_591, %eq3A_604 : i32
      %ne3A_606 = arith.cmpi ne, %shift_right_arithmetic3A_595, %shift_right_arithmetic3A_603 : i32
      %or3A_607 = arith.ori %eq3A_605, %ne3A_606 : i1
      %and3A_608 = arith.andi %lt3A_587, %or3A_607 : i1
      %and3A_609 = arith.constant 3 : i32
      %and3A_610 = arith.andi %add3A_487, %and3A_609 : i32
      %convert_element_type3A_611 = arith.extui %and3A_608 : i1 to i32
      %cond3A_612 = arith.constant 0 : i32
      %cond3A_613 = arith.cmpi ne, %convert_element_type3A_611, %cond3A_612 : i32
      scf.if %cond3A_613 {
        %add3A_708 = arith.constant 3 : i32
        %add3A_709 = arith.addi %add3A_583, %add3A_708 : i32
        %min3A_710 = arith.constant 511 : i32
        %min3A_711 = arith.minsi %add3A_709, %min3A_710 : i32
        %get3A_712 = arith.index_cast %min3A_711 : i32 to index
        %get3A_713 = memref.load %arg8[%get3A_712] : memref<512xi32, #tpu.memory_space<smem>>
        %shift_right_arithmetic3A_714 = arith.constant 7 : i32
        %shift_right_arithmetic3A_715 = arith.shrsi %get3A_713, %shift_right_arithmetic3A_714 : i32
        %mul3A_716 = arith.constant 128 : i32
        %mul3A_717 = arith.muli %shift_right_arithmetic3A_715, %mul3A_716 : i32
        %dma_start3A_718 = arith.constant 0 : i32
        %dma_start3A_719 = arith.constant 0 : i32
        %dma_start3A_720 = tpu.memref_slice %arg10[%and3A_610, %dma_start3A_718, %dma_start3A_719] : memref<4x64x128xf32, #tpu.memory_space<vmem>> -> memref<1x64x128xf32, #tpu.memory_space<vmem>>
        %dma_start3A_721 = tpu.memref_squeeze %dma_start3A_720 : memref<1x64x128xf32, #tpu.memory_space<vmem>> -> memref<64x128xf32, #tpu.memory_space<vmem>>
        %dma_start3A_722 = arith.constant 0 : i32
        %dma_start3A_723 = tpu.memref_slice %arg4[%dma_start3A_722, %mul3A_717] : memref<64x1000000xf32, #tpu.memory_space<hbm>> -> memref<64x128xf32, #tpu.memory_space<hbm>>
        %dma_start3A_724 = arith.constant 0 : i32
        %dma_start3A_725 = arith.constant 0 : i32
        %dma_start3A_726 = tpu.memref_slice %arg10[%and3A_610, %dma_start3A_724, %dma_start3A_725] : memref<4x64x128xf32, #tpu.memory_space<vmem>> -> memref<1x64x128xf32, #tpu.memory_space<vmem>>
        %dma_start3A_727 = tpu.memref_squeeze %dma_start3A_726 : memref<1x64x128xf32, #tpu.memory_space<vmem>> -> memref<64x128xf32, #tpu.memory_space<vmem>>
        %dma_start3A_728 = arith.constant 0 : i32
        %dma_start3A_729 = tpu.memref_slice %arg4[%dma_start3A_728, %mul3A_717] : memref<64x1000000xf32, #tpu.memory_space<hbm>> -> memref<64x128xf32, #tpu.memory_space<hbm>>
        tpu.enqueue_dma source(%dma_start3A_729 : memref<64x128xf32, #tpu.memory_space<hbm>>) target(%dma_start3A_727 : memref<64x128xf32, #tpu.memory_space<vmem>>) target_semaphore(%arg14 : memref<!tpu.dma_semaphore, #tpu.memory_space<semaphore_mem>>)
      } else {
      }
      %convert_element_type3A_614 = arith.extui %and3A_608 : i1 to i32
      %add3A_615 = arith.addi %add3A_487, %convert_element_type3A_614 : i32
      %add3A_616 = arith.constant 5 : i32
      %add3A_617 = arith.addi %add3A_583, %add3A_616 : i32
      %rem3A_618 = arith.constant 6 : i32
      %rem3A_619 = arith.remsi %add3A_617, %rem3A_618 : i32
      %add3A_620 = arith.constant 5 : i32
      %add3A_621 = arith.addi %add3A_583, %add3A_620 : i32
      %lt3A_622 = arith.constant 512 : i32
      %lt3A_623 = arith.cmpi slt, %add3A_621, %lt3A_622 : i32
      %convert_element_type3A_624 = arith.extui %lt3A_623 : i1 to i32
      %cond3A_625 = arith.constant 0 : i32
      %cond3A_626 = arith.cmpi ne, %convert_element_type3A_624, %cond3A_625 : i32
      scf.if %cond3A_626 {
        %add3A_708 = arith.constant 5 : i32
        %add3A_709 = arith.addi %add3A_583, %add3A_708 : i32
        %min3A_710 = arith.constant 511 : i32
        %min3A_711 = arith.minsi %add3A_709, %min3A_710 : i32
        %get3A_712 = arith.index_cast %min3A_711 : i32 to index
        %get3A_713 = memref.load %arg9[%get3A_712] : memref<512xi32, #tpu.memory_space<smem>>
        %shift_right_arithmetic3A_714 = arith.constant 7 : i32
        %shift_right_arithmetic3A_715 = arith.shrsi %get3A_713, %shift_right_arithmetic3A_714 : i32
        %mul3A_716 = arith.constant 128 : i32
        %mul3A_717 = arith.muli %shift_right_arithmetic3A_715, %mul3A_716 : i32
        %dma_start3A_718 = arith.constant 0 : i32
        %dma_start3A_719 = arith.constant 0 : i32
        %dma_start3A_720 = tpu.memref_slice %arg11[%rem3A_619, %dma_start3A_718, %dma_start3A_719] : memref<6x64x128xf32, #tpu.memory_space<vmem>> -> memref<1x64x128xf32, #tpu.memory_space<vmem>>
        %dma_start3A_721 = tpu.memref_squeeze %dma_start3A_720 : memref<1x64x128xf32, #tpu.memory_space<vmem>> -> memref<64x128xf32, #tpu.memory_space<vmem>>
        %dma_start3A_722 = arith.constant 0 : i32
        %dma_start3A_723 = tpu.memref_slice %arg5[%dma_start3A_722, %mul3A_717] : memref<64x1000000xf32, #tpu.memory_space<hbm>> -> memref<64x128xf32, #tpu.memory_space<hbm>>
        %dma_start3A_724 = arith.constant 0 : i32
        %dma_start3A_725 = arith.constant 0 : i32
        %dma_start3A_726 = tpu.memref_slice %arg11[%rem3A_619, %dma_start3A_724, %dma_start3A_725] : memref<6x64x128xf32, #tpu.memory_space<vmem>> -> memref<1x64x128xf32, #tpu.memory_space<vmem>>
        %dma_start3A_727 = tpu.memref_squeeze %dma_start3A_726 : memref<1x64x128xf32, #tpu.memory_space<vmem>> -> memref<64x128xf32, #tpu.memory_space<vmem>>
        %dma_start3A_728 = arith.constant 0 : i32
        %dma_start3A_729 = tpu.memref_slice %arg5[%dma_start3A_728, %mul3A_717] : memref<64x1000000xf32, #tpu.memory_space<hbm>> -> memref<64x128xf32, #tpu.memory_space<hbm>>
        tpu.enqueue_dma source(%dma_start3A_729 : memref<64x128xf32, #tpu.memory_space<hbm>>) target(%dma_start3A_727 : memref<64x128xf32, #tpu.memory_space<vmem>>) target_semaphore(%arg15 : memref<!tpu.dma_semaphore, #tpu.memory_space<semaphore_mem>>)
      } else {
      }
      %min3A_627 = arith.constant 511 : i32
      %min3A_628 = arith.minsi %add3A_583, %min3A_627 : i32
      %get3A_629 = arith.index_cast %min3A_628 : i32 to index
      %get3A_630 = memref.load %arg8[%get3A_629] : memref<512xi32, #tpu.memory_space<smem>>
      %shift_right_arithmetic3A_631 = arith.constant 7 : i32
      %shift_right_arithmetic3A_632 = arith.shrsi %get3A_630, %shift_right_arithmetic3A_631 : i32
      %sub3A_633 = arith.constant 1 : i32
      %sub3A_634 = arith.subi %min3A_628, %sub3A_633 : i32
      %max3A_635 = arith.constant 0 : i32
      %max3A_636 = arith.maxsi %sub3A_634, %max3A_635 : i32
      %get3A_637 = arith.index_cast %max3A_636 : i32 to index
      %get3A_638 = memref.load %arg8[%get3A_637] : memref<512xi32, #tpu.memory_space<smem>>
      %shift_right_arithmetic3A_639 = arith.constant 7 : i32
      %shift_right_arithmetic3A_640 = arith.shrsi %get3A_638, %shift_right_arithmetic3A_639 : i32
      %eq3A_641 = arith.constant 0 : i32
      %eq3A_642 = arith.cmpi eq, %min3A_628, %eq3A_641 : i32
      %ne3A_643 = arith.cmpi ne, %shift_right_arithmetic3A_632, %shift_right_arithmetic3A_640 : i32
      %or3A_644 = arith.ori %eq3A_642, %ne3A_643 : i1
      %convert_element_type3A_645 = arith.extui %or3A_644 : i1 to i32
      %cond3A_646 = arith.constant 0 : i32
      %cond3A_647 = arith.cmpi ne, %convert_element_type3A_645, %cond3A_646 : i32
      scf.if %cond3A_647 {
        %dma_wait3A_708 = arith.constant 0 : i32
        %dma_wait3A_709 = arith.constant 0 : i32
        %dma_wait3A_710 = arith.constant 0 : i32
        %dma_wait3A_711 = tpu.memref_slice %arg10[%dma_wait3A_708, %dma_wait3A_709, %dma_wait3A_710] : memref<4x64x128xf32, #tpu.memory_space<vmem>> -> memref<1x64x128xf32, #tpu.memory_space<vmem>>
        %dma_wait3A_712 = tpu.memref_squeeze %dma_wait3A_711 : memref<1x64x128xf32, #tpu.memory_space<vmem>> -> memref<64x128xf32, #tpu.memory_space<vmem>>
        %dma_wait3A_713 = arith.constant 0 : i32
        %dma_wait3A_714 = arith.constant 0 : i32
        %dma_wait3A_715 = tpu.memref_slice %arg4[%dma_wait3A_713, %dma_wait3A_714] : memref<64x1000000xf32, #tpu.memory_space<hbm>> -> memref<64x128xf32, #tpu.memory_space<hbm>>
        %dma_wait3A_716 = arith.constant 0 : i32
        %dma_wait3A_717 = arith.constant 0 : i32
        %dma_wait3A_718 = tpu.memref_slice %arg10[%dma_wait3A_708, %dma_wait3A_716, %dma_wait3A_717] : memref<4x64x128xf32, #tpu.memory_space<vmem>> -> memref<1x64x128xf32, #tpu.memory_space<vmem>>
        %dma_wait3A_719 = tpu.memref_squeeze %dma_wait3A_718 : memref<1x64x128xf32, #tpu.memory_space<vmem>> -> memref<64x128xf32, #tpu.memory_space<vmem>>
        %dma_wait3A_720 = arith.constant 0 : i32
        %dma_wait3A_721 = arith.constant 0 : i32
        %dma_wait3A_722 = tpu.memref_slice %arg4[%dma_wait3A_720, %dma_wait3A_721] : memref<64x1000000xf32, #tpu.memory_space<hbm>> -> memref<64x128xf32, #tpu.memory_space<hbm>>
        tpu.wait_dma2 semaphore(%arg14 : memref<!tpu.dma_semaphore, #tpu.memory_space<semaphore_mem>>) src(%dma_wait3A_722 : memref<64x128xf32, #tpu.memory_space<hbm>>) dst(%dma_wait3A_719 : memref<64x128xf32, #tpu.memory_space<vmem>>)
      } else {
      }
      %convert_element_type3A_648 = arith.extui %or3A_644 : i1 to i32
      %add3A_649 = arith.addi %add3A_521, %convert_element_type3A_648 : i32
      %sub3A_650 = arith.constant 1 : i32
      %sub3A_651 = arith.subi %add3A_649, %sub3A_650 : i32
      %and3A_652 = arith.constant 3 : i32
      %and3A_653 = arith.andi %sub3A_651, %and3A_652 : i32
      %broadcast_in_dim3A_654 = vector.broadcast %and3A_653 : i32 to vector<16xi32>
      %dma_wait3A_655 = arith.constant 0 : i32
      %dma_wait3A_656 = arith.constant 0 : i32
      %dma_wait3A_657 = arith.constant 0 : i32
      %dma_wait3A_658 = tpu.memref_slice %arg11[%dma_wait3A_655, %dma_wait3A_656, %dma_wait3A_657] : memref<6x64x128xf32, #tpu.memory_space<vmem>> -> memref<1x64x128xf32, #tpu.memory_space<vmem>>
      %dma_wait3A_659 = tpu.memref_squeeze %dma_wait3A_658 : memref<1x64x128xf32, #tpu.memory_space<vmem>> -> memref<64x128xf32, #tpu.memory_space<vmem>>
      %dma_wait3A_660 = arith.constant 0 : i32
      %dma_wait3A_661 = arith.constant 0 : i32
      %dma_wait3A_662 = tpu.memref_slice %arg5[%dma_wait3A_660, %dma_wait3A_661] : memref<64x1000000xf32, #tpu.memory_space<hbm>> -> memref<64x128xf32, #tpu.memory_space<hbm>>
      %dma_wait3A_663 = arith.constant 0 : i32
      %dma_wait3A_664 = arith.constant 0 : i32
      %dma_wait3A_665 = tpu.memref_slice %arg11[%dma_wait3A_655, %dma_wait3A_663, %dma_wait3A_664] : memref<6x64x128xf32, #tpu.memory_space<vmem>> -> memref<1x64x128xf32, #tpu.memory_space<vmem>>
      %dma_wait3A_666 = tpu.memref_squeeze %dma_wait3A_665 : memref<1x64x128xf32, #tpu.memory_space<vmem>> -> memref<64x128xf32, #tpu.memory_space<vmem>>
      %dma_wait3A_667 = arith.constant 0 : i32
      %dma_wait3A_668 = arith.constant 0 : i32
      %dma_wait3A_669 = tpu.memref_slice %arg5[%dma_wait3A_667, %dma_wait3A_668] : memref<64x1000000xf32, #tpu.memory_space<hbm>> -> memref<64x128xf32, #tpu.memory_space<hbm>>
      tpu.wait_dma2 semaphore(%arg15 : memref<!tpu.dma_semaphore, #tpu.memory_space<semaphore_mem>>) src(%dma_wait3A_669 : memref<64x128xf32, #tpu.memory_space<hbm>>) dst(%dma_wait3A_666 : memref<64x128xf32, #tpu.memory_space<vmem>>)
      %rem3A_670 = arith.constant 6 : i32
      %rem3A_671 = arith.remsi %add3A_583, %rem3A_670 : i32
      %broadcast_in_dim3A_672 = vector.broadcast %rem3A_671 : i32 to vector<16xi32>
      %get3A_673 = arith.index_cast %add3A_583 : i32 to index
      %get3A_674 = memref.load %arg8[%get3A_673] : memref<512xi32, #tpu.memory_space<smem>>
      %and3A_675 = arith.constant 127 : i32
      %and3A_676 = arith.andi %get3A_674, %and3A_675 : i32
      %broadcast_in_dim3A_677 = vector.broadcast %and3A_676 : i32 to vector<16xi32>
      %get3A_678 = arith.index_cast %add3A_583 : i32 to index
      %get3A_679 = memref.load %arg9[%get3A_678] : memref<512xi32, #tpu.memory_space<smem>>
      %and3A_680 = arith.constant 127 : i32
      %and3A_681 = arith.andi %get3A_679, %and3A_680 : i32
      %broadcast_in_dim3A_682 = vector.broadcast %and3A_681 : i32 to vector<16xi32>
      %broadcast_in_dim3A_683 = vector.broadcast %add3A_583 : i32 to vector<16xi32>
      %add3A_684 = arith.constant 0 : i32
      %add3A_685 = vector.broadcast %add3A_684 : i32 to vector<16xi32>
      %add3A_686 = arith.addi %add3A_685, %iota3A : vector<16xi32>
      %gather3A_687 = tpu.vector_load_idx %arg10[%broadcast_in_dim3A_654, %add3A_686, %broadcast_in_dim3A_677] : memref<4x64x128xf32, #tpu.memory_space<vmem>>[vector<16xi32>, vector<16xi32>, vector<16xi32>], vector<16xf32>,
      %gather3A_688 = tpu.vector_load_idx %arg11[%broadcast_in_dim3A_672, %add3A_686, %broadcast_in_dim3A_682] : memref<6x64x128xf32, #tpu.memory_space<vmem>>[vector<16xi32>, vector<16xi32>, vector<16xi32>], vector<16xf32>,
      %mul3A_689 = arith.mulf %gather3A_687, %gather3A_688 : vector<16xf32>
      tpu.vector_store_idx %arg12[%add3A_686, %broadcast_in_dim3A_683], %mul3A_689 : memref<64x512xf32, #tpu.memory_space<vmem>>[vector<16xi32>, vector<16xi32>], vector<16xf32>,
      %add3A_690 = arith.constant 16 : i32
      %add3A_691 = vector.broadcast %add3A_690 : i32 to vector<16xi32>
      %add3A_692 = arith.addi %add3A_691, %iota3A : vector<16xi32>
      %gather3A_693 = tpu.vector_load_idx %arg10[%broadcast_in_dim3A_654, %add3A_692, %broadcast_in_dim3A_677] : memref<4x64x128xf32, #tpu.memory_space<vmem>>[vector<16xi32>, vector<16xi32>, vector<16xi32>], vector<16xf32>,
      %gather3A_694 = tpu.vector_load_idx %arg11[%broadcast_in_dim3A_672, %add3A_692, %broadcast_in_dim3A_682] : memref<6x64x128xf32, #tpu.memory_space<vmem>>[vector<16xi32>, vector<16xi32>, vector<16xi32>], vector<16xf32>,
      %mul3A_695 = arith.mulf %gather3A_693, %gather3A_694 : vector<16xf32>
      tpu.vector_store_idx %arg12[%add3A_692, %broadcast_in_dim3A_683], %mul3A_695 : memref<64x512xf32, #tpu.memory_space<vmem>>[vector<16xi32>, vector<16xi32>], vector<16xf32>,
      %add3A_696 = arith.constant 32 : i32
      %add3A_697 = vector.broadcast %add3A_696 : i32 to vector<16xi32>
      %add3A_698 = arith.addi %add3A_697, %iota3A : vector<16xi32>
      %gather3A_699 = tpu.vector_load_idx %arg10[%broadcast_in_dim3A_654, %add3A_698, %broadcast_in_dim3A_677] : memref<4x64x128xf32, #tpu.memory_space<vmem>>[vector<16xi32>, vector<16xi32>, vector<16xi32>], vector<16xf32>,
      %gather3A_700 = tpu.vector_load_idx %arg11[%broadcast_in_dim3A_672, %add3A_698, %broadcast_in_dim3A_682] : memref<6x64x128xf32, #tpu.memory_space<vmem>>[vector<16xi32>, vector<16xi32>, vector<16xi32>], vector<16xf32>,
      %mul3A_701 = arith.mulf %gather3A_699, %gather3A_700 : vector<16xf32>
      tpu.vector_store_idx %arg12[%add3A_698, %broadcast_in_dim3A_683], %mul3A_701 : memref<64x512xf32, #tpu.memory_space<vmem>>[vector<16xi32>, vector<16xi32>], vector<16xf32>,
      %add3A_702 = arith.constant 48 : i32
      %add3A_703 = vector.broadcast %add3A_702 : i32 to vector<16xi32>
      %add3A_704 = arith.addi %add3A_703, %iota3A : vector<16xi32>
      %gather3A_705 = tpu.vector_load_idx %arg10[%broadcast_in_dim3A_654, %add3A_704, %broadcast_in_dim3A_677] : memref<4x64x128xf32, #tpu.memory_space<vmem>>[vector<16xi32>, vector<16xi32>, vector<16xi32>], vector<16xf32>,
      %gather3A_706 = tpu.vector_load_idx %arg11[%broadcast_in_dim3A_672, %add3A_704, %broadcast_in_dim3A_682] : memref<6x64x128xf32, #tpu.memory_space<vmem>>[vector<16xi32>, vector<16xi32>, vector<16xi32>], vector<16xf32>,
      %mul3A_707 = arith.mulf %gather3A_705, %gather3A_706 : vector<16xf32>
      tpu.vector_store_idx %arg12[%add3A_704, %broadcast_in_dim3A_683], %mul3A_707 : memref<64x512xf32, #tpu.memory_space<vmem>>[vector<16xi32>, vector<16xi32>], vector<16xf32>,
      scf.yield %add3A_615, %add3A_649 : i32, i32
    }
    %scan3A_191 = arith.constant 128 : i32
    %scan3A_192 = arith.constant 0 : i32
    %scan3A_193 = arith.constant 0 : i32
    %scan3A_194 = arith.constant 32 : i32
    %scan3A_195 = arith.addi %scan3A_193, %scan3A_194 : i32
    %scan3A_196 = arith.constant 1 : i32
    scf.for %scan3A_198 = %scan3A_193 to %scan3A_195 step %scan3A_196  : i32 {
      %broadcast_in_dim3A = arith.constant 0.000000e+00 : f32
      %broadcast_in_dim3A_199 = vector.broadcast %broadcast_in_dim3A : f32 to vector<16xf32>
      %mul3A_200 = arith.constant 16 : i32
      %mul3A_201 = arith.muli %scan3A_198, %mul3A_200 : i32
      %get3A_202 = arith.constant 0 : i32
      %get3A_203 = arith.index_cast %get3A_202 : i32 to index
      %get3A_204 = arith.index_cast %mul3A_201 : i32 to index
      %get3A_205 = tpu.vector_load %arg12[%get3A_203, %get3A_204] {strides = array<i32>} : memref<64x512xf32, #tpu.memory_space<vmem>>, vector<16xf32>,
      %add3A_206 = arith.addf %broadcast_in_dim3A_199, %get3A_205 : vector<16xf32>
      %mul3A_207 = arith.constant 16 : i32
      %mul3A_208 = arith.muli %scan3A_198, %mul3A_207 : i32
      %get3A_209 = arith.constant 1 : i32
      %get3A_210 = arith.index_cast %get3A_209 : i32 to index
      %get3A_211 = arith.index_cast %mul3A_208 : i32 to index
      %get3A_212 = tpu.vector_load %arg12[%get3A_210, %get3A_211] {strides = array<i32>} : memref<64x512xf32, #tpu.memory_space<vmem>>, vector<16xf32>,
      %add3A_213 = arith.addf %add3A_206, %get3A_212 : vector<16xf32>
      %mul3A_214 = arith.constant 16 : i32
      %mul3A_215 = arith.muli %scan3A_198, %mul3A_214 : i32
      %get3A_216 = arith.constant 2 : i32
      %get3A_217 = arith.index_cast %get3A_216 : i32 to index
      %get3A_218 = arith.index_cast %mul3A_215 : i32 to index
      %get3A_219 = tpu.vector_load %arg12[%get3A_217, %get3A_218] {strides = array<i32>} : memref<64x512xf32, #tpu.memory_space<vmem>>, vector<16xf32>,
      %add3A_220 = arith.addf %add3A_213, %get3A_219 : vector<16xf32>
      %mul3A_221 = arith.constant 16 : i32
      %mul3A_222 = arith.muli %scan3A_198, %mul3A_221 : i32
      %get3A_223 = arith.constant 3 : i32
      %get3A_224 = arith.index_cast %get3A_223 : i32 to index
      %get3A_225 = arith.index_cast %mul3A_222 : i32 to index
      %get3A_226 = tpu.vector_load %arg12[%get3A_224, %get3A_225] {strides = array<i32>} : memref<64x512xf32, #tpu.memory_space<vmem>>, vector<16xf32>,
      %add3A_227 = arith.addf %add3A_220, %get3A_226 : vector<16xf32>
      %mul3A_228 = arith.constant 16 : i32
      %mul3A_229 = arith.muli %scan3A_198, %mul3A_228 : i32
      %get3A_230 = arith.constant 4 : i32
      %get3A_231 = arith.index_cast %get3A_230 : i32 to index
      %get3A_232 = arith.index_cast %mul3A_229 : i32 to index
      %get3A_233 = tpu.vector_load %arg12[%get3A_231, %get3A_232] {strides = array<i32>} : memref<64x512xf32, #tpu.memory_space<vmem>>, vector<16xf32>,
      %add3A_234 = arith.addf %add3A_227, %get3A_233 : vector<16xf32>
      %mul3A_235 = arith.constant 16 : i32
      %mul3A_236 = arith.muli %scan3A_198, %mul3A_235 : i32
      %get3A_237 = arith.constant 5 : i32
      %get3A_238 = arith.index_cast %get3A_237 : i32 to index
      %get3A_239 = arith.index_cast %mul3A_236 : i32 to index
      %get3A_240 = tpu.vector_load %arg12[%get3A_238, %get3A_239] {strides = array<i32>} : memref<64x512xf32, #tpu.memory_space<vmem>>, vector<16xf32>,
      %add3A_241 = arith.addf %add3A_234, %get3A_240 : vector<16xf32>
      %mul3A_242 = arith.constant 16 : i32
      %mul3A_243 = arith.muli %scan3A_198, %mul3A_242 : i32
      %get3A_244 = arith.constant 6 : i32
      %get3A_245 = arith.index_cast %get3A_244 : i32 to index
      %get3A_246 = arith.index_cast %mul3A_243 : i32 to index
      %get3A_247 = tpu.vector_load %arg12[%get3A_245, %get3A_246] {strides = array<i32>} : memref<64x512xf32, #tpu.memory_space<vmem>>, vector<16xf32>,
      %add3A_248 = arith.addf %add3A_241, %get3A_247 : vector<16xf32>
      %mul3A_249 = arith.constant 16 : i32
      %mul3A_250 = arith.muli %scan3A_198, %mul3A_249 : i32
      %get3A_251 = arith.constant 7 : i32
      %get3A_252 = arith.index_cast %get3A_251 : i32 to index
      %get3A_253 = arith.index_cast %mul3A_250 : i32 to index
      %get3A_254 = tpu.vector_load %arg12[%get3A_252, %get3A_253] {strides = array<i32>} : memref<64x512xf32, #tpu.memory_space<vmem>>, vector<16xf32>,
      %add3A_255 = arith.addf %add3A_248, %get3A_254 : vector<16xf32>
      %mul3A_256 = arith.constant 16 : i32
      %mul3A_257 = arith.muli %scan3A_198, %mul3A_256 : i32
      %get3A_258 = arith.constant 8 : i32
      %get3A_259 = arith.index_cast %get3A_258 : i32 to index
      %get3A_260 = arith.index_cast %mul3A_257 : i32 to index
      %get3A_261 = tpu.vector_load %arg12[%get3A_259, %get3A_260] {strides = array<i32>} : memref<64x512xf32, #tpu.memory_space<vmem>>, vector<16xf32>,
      %add3A_262 = arith.addf %add3A_255, %get3A_261 : vector<16xf32>
      %mul3A_263 = arith.constant 16 : i32
      %mul3A_264 = arith.muli %scan3A_198, %mul3A_263 : i32
      %get3A_265 = arith.constant 9 : i32
      %get3A_266 = arith.index_cast %get3A_265 : i32 to index
      %get3A_267 = arith.index_cast %mul3A_264 : i32 to index
      %get3A_268 = tpu.vector_load %arg12[%get3A_266, %get3A_267] {strides = array<i32>} : memref<64x512xf32, #tpu.memory_space<vmem>>, vector<16xf32>,
      %add3A_269 = arith.addf %add3A_262, %get3A_268 : vector<16xf32>
      %mul3A_270 = arith.constant 16 : i32
      %mul3A_271 = arith.muli %scan3A_198, %mul3A_270 : i32
      %get3A_272 = arith.constant 10 : i32
      %get3A_273 = arith.index_cast %get3A_272 : i32 to index
      %get3A_274 = arith.index_cast %mul3A_271 : i32 to index
      %get3A_275 = tpu.vector_load %arg12[%get3A_273, %get3A_274] {strides = array<i32>} : memref<64x512xf32, #tpu.memory_space<vmem>>, vector<16xf32>,
      %add3A_276 = arith.addf %add3A_269, %get3A_275 : vector<16xf32>
      %mul3A_277 = arith.constant 16 : i32
      %mul3A_278 = arith.muli %scan3A_198, %mul3A_277 : i32
      %get3A_279 = arith.constant 11 : i32
      %get3A_280 = arith.index_cast %get3A_279 : i32 to index
      %get3A_281 = arith.index_cast %mul3A_278 : i32 to index
      %get3A_282 = tpu.vector_load %arg12[%get3A_280, %get3A_281] {strides = array<i32>} : memref<64x512xf32, #tpu.memory_space<vmem>>, vector<16xf32>,
      %add3A_283 = arith.addf %add3A_276, %get3A_282 : vector<16xf32>
      %mul3A_284 = arith.constant 16 : i32
      %mul3A_285 = arith.muli %scan3A_198, %mul3A_284 : i32
      %get3A_286 = arith.constant 12 : i32
      %get3A_287 = arith.index_cast %get3A_286 : i32 to index
      %get3A_288 = arith.index_cast %mul3A_285 : i32 to index
      %get3A_289 = tpu.vector_load %arg12[%get3A_287, %get3A_288] {strides = array<i32>} : memref<64x512xf32, #tpu.memory_space<vmem>>, vector<16xf32>,
      %add3A_290 = arith.addf %add3A_283, %get3A_289 : vector<16xf32>
      %mul3A_291 = arith.constant 16 : i32
      %mul3A_292 = arith.muli %scan3A_198, %mul3A_291 : i32
      %get3A_293 = arith.constant 13 : i32
      %get3A_294 = arith.index_cast %get3A_293 : i32 to index
      %get3A_295 = arith.index_cast %mul3A_292 : i32 to index
      %get3A_296 = tpu.vector_load %arg12[%get3A_294, %get3A_295] {strides = array<i32>} : memref<64x512xf32, #tpu.memory_space<vmem>>, vector<16xf32>,
      %add3A_297 = arith.addf %add3A_290, %get3A_296 : vector<16xf32>
      %mul3A_298 = arith.constant 16 : i32
      %mul3A_299 = arith.muli %scan3A_198, %mul3A_298 : i32
      %get3A_300 = arith.constant 14 : i32
      %get3A_301 = arith.index_cast %get3A_300 : i32 to index
      %get3A_302 = arith.index_cast %mul3A_299 : i32 to index
      %get3A_303 = tpu.vector_load %arg12[%get3A_301, %get3A_302] {strides = array<i32>} : memref<64x512xf32, #tpu.memory_space<vmem>>, vector<16xf32>,
      %add3A_304 = arith.addf %add3A_297, %get3A_303 : vector<16xf32>
      %mul3A_305 = arith.constant 16 : i32
      %mul3A_306 = arith.muli %scan3A_198, %mul3A_305 : i32
      %get3A_307 = arith.constant 15 : i32
      %get3A_308 = arith.index_cast %get3A_307 : i32 to index
      %get3A_309 = arith.index_cast %mul3A_306 : i32 to index
      %get3A_310 = tpu.vector_load %arg12[%get3A_308, %get3A_309] {strides = array<i32>} : memref<64x512xf32, #tpu.memory_space<vmem>>, vector<16xf32>,
      %add3A_311 = arith.addf %add3A_304, %get3A_310 : vector<16xf32>
      %mul3A_312 = arith.constant 16 : i32
      %mul3A_313 = arith.muli %scan3A_198, %mul3A_312 : i32
      %get3A_314 = arith.constant 16 : i32
      %get3A_315 = arith.index_cast %get3A_314 : i32 to index
      %get3A_316 = arith.index_cast %mul3A_313 : i32 to index
      %get3A_317 = tpu.vector_load %arg12[%get3A_315, %get3A_316] {strides = array<i32>} : memref<64x512xf32, #tpu.memory_space<vmem>>, vector<16xf32>,
      %add3A_318 = arith.addf %add3A_311, %get3A_317 : vector<16xf32>
      %mul3A_319 = arith.constant 16 : i32
      %mul3A_320 = arith.muli %scan3A_198, %mul3A_319 : i32
      %get3A_321 = arith.constant 17 : i32
      %get3A_322 = arith.index_cast %get3A_321 : i32 to index
      %get3A_323 = arith.index_cast %mul3A_320 : i32 to index
      %get3A_324 = tpu.vector_load %arg12[%get3A_322, %get3A_323] {strides = array<i32>} : memref<64x512xf32, #tpu.memory_space<vmem>>, vector<16xf32>,
      %add3A_325 = arith.addf %add3A_318, %get3A_324 : vector<16xf32>
      %mul3A_326 = arith.constant 16 : i32
      %mul3A_327 = arith.muli %scan3A_198, %mul3A_326 : i32
      %get3A_328 = arith.constant 18 : i32
      %get3A_329 = arith.index_cast %get3A_328 : i32 to index
      %get3A_330 = arith.index_cast %mul3A_327 : i32 to index
      %get3A_331 = tpu.vector_load %arg12[%get3A_329, %get3A_330] {strides = array<i32>} : memref<64x512xf32, #tpu.memory_space<vmem>>, vector<16xf32>,
      %add3A_332 = arith.addf %add3A_325, %get3A_331 : vector<16xf32>
      %mul3A_333 = arith.constant 16 : i32
      %mul3A_334 = arith.muli %scan3A_198, %mul3A_333 : i32
      %get3A_335 = arith.constant 19 : i32
      %get3A_336 = arith.index_cast %get3A_335 : i32 to index
      %get3A_337 = arith.index_cast %mul3A_334 : i32 to index
      %get3A_338 = tpu.vector_load %arg12[%get3A_336, %get3A_337] {strides = array<i32>} : memref<64x512xf32, #tpu.memory_space<vmem>>, vector<16xf32>,
      %add3A_339 = arith.addf %add3A_332, %get3A_338 : vector<16xf32>
      %mul3A_340 = arith.constant 16 : i32
      %mul3A_341 = arith.muli %scan3A_198, %mul3A_340 : i32
      %get3A_342 = arith.constant 20 : i32
      %get3A_343 = arith.index_cast %get3A_342 : i32 to index
      %get3A_344 = arith.index_cast %mul3A_341 : i32 to index
      %get3A_345 = tpu.vector_load %arg12[%get3A_343, %get3A_344] {strides = array<i32>} : memref<64x512xf32, #tpu.memory_space<vmem>>, vector<16xf32>,
      %add3A_346 = arith.addf %add3A_339, %get3A_345 : vector<16xf32>
      %mul3A_347 = arith.constant 16 : i32
      %mul3A_348 = arith.muli %scan3A_198, %mul3A_347 : i32
      %get3A_349 = arith.constant 21 : i32
      %get3A_350 = arith.index_cast %get3A_349 : i32 to index
      %get3A_351 = arith.index_cast %mul3A_348 : i32 to index
      %get3A_352 = tpu.vector_load %arg12[%get3A_350, %get3A_351] {strides = array<i32>} : memref<64x512xf32, #tpu.memory_space<vmem>>, vector<16xf32>,
      %add3A_353 = arith.addf %add3A_346, %get3A_352 : vector<16xf32>
      %mul3A_354 = arith.constant 16 : i32
      %mul3A_355 = arith.muli %scan3A_198, %mul3A_354 : i32
      %get3A_356 = arith.constant 22 : i32
      %get3A_357 = arith.index_cast %get3A_356 : i32 to index
      %get3A_358 = arith.index_cast %mul3A_355 : i32 to index
      %get3A_359 = tpu.vector_load %arg12[%get3A_357, %get3A_358] {strides = array<i32>} : memref<64x512xf32, #tpu.memory_space<vmem>>, vector<16xf32>,
      %add3A_360 = arith.addf %add3A_353, %get3A_359 : vector<16xf32>
      %mul3A_361 = arith.constant 16 : i32
      %mul3A_362 = arith.muli %scan3A_198, %mul3A_361 : i32
      %get3A_363 = arith.constant 23 : i32
      %get3A_364 = arith.index_cast %get3A_363 : i32 to index
      %get3A_365 = arith.index_cast %mul3A_362 : i32 to index
      %get3A_366 = tpu.vector_load %arg12[%get3A_364, %get3A_365] {strides = array<i32>} : memref<64x512xf32, #tpu.memory_space<vmem>>, vector<16xf32>,
      %add3A_367 = arith.addf %add3A_360, %get3A_366 : vector<16xf32>
      %mul3A_368 = arith.constant 16 : i32
      %mul3A_369 = arith.muli %scan3A_198, %mul3A_368 : i32
      %get3A_370 = arith.constant 24 : i32
      %get3A_371 = arith.index_cast %get3A_370 : i32 to index
      %get3A_372 = arith.index_cast %mul3A_369 : i32 to index
      %get3A_373 = tpu.vector_load %arg12[%get3A_371, %get3A_372] {strides = array<i32>} : memref<64x512xf32, #tpu.memory_space<vmem>>, vector<16xf32>,
      %add3A_374 = arith.addf %add3A_367, %get3A_373 : vector<16xf32>
      %mul3A_375 = arith.constant 16 : i32
      %mul3A_376 = arith.muli %scan3A_198, %mul3A_375 : i32
      %get3A_377 = arith.constant 25 : i32
      %get3A_378 = arith.index_cast %get3A_377 : i32 to index
      %get3A_379 = arith.index_cast %mul3A_376 : i32 to index
      %get3A_380 = tpu.vector_load %arg12[%get3A_378, %get3A_379] {strides = array<i32>} : memref<64x512xf32, #tpu.memory_space<vmem>>, vector<16xf32>,
      %add3A_381 = arith.addf %add3A_374, %get3A_380 : vector<16xf32>
      %mul3A_382 = arith.constant 16 : i32
      %mul3A_383 = arith.muli %scan3A_198, %mul3A_382 : i32
      %get3A_384 = arith.constant 26 : i32
      %get3A_385 = arith.index_cast %get3A_384 : i32 to index
      %get3A_386 = arith.index_cast %mul3A_383 : i32 to index
      %get3A_387 = tpu.vector_load %arg12[%get3A_385, %get3A_386] {strides = array<i32>} : memref<64x512xf32, #tpu.memory_space<vmem>>, vector<16xf32>,
      %add3A_388 = arith.addf %add3A_381, %get3A_387 : vector<16xf32>
      %mul3A_389 = arith.constant 16 : i32
      %mul3A_390 = arith.muli %scan3A_198, %mul3A_389 : i32
      %get3A_391 = arith.constant 27 : i32
      %get3A_392 = arith.index_cast %get3A_391 : i32 to index
      %get3A_393 = arith.index_cast %mul3A_390 : i32 to index
      %get3A_394 = tpu.vector_load %arg12[%get3A_392, %get3A_393] {strides = array<i32>} : memref<64x512xf32, #tpu.memory_space<vmem>>, vector<16xf32>,
      %add3A_395 = arith.addf %add3A_388, %get3A_394 : vector<16xf32>
      %mul3A_396 = arith.constant 16 : i32
      %mul3A_397 = arith.muli %scan3A_198, %mul3A_396 : i32
      %get3A_398 = arith.constant 28 : i32
      %get3A_399 = arith.index_cast %get3A_398 : i32 to index
      %get3A_400 = arith.index_cast %mul3A_397 : i32 to index
      %get3A_401 = tpu.vector_load %arg12[%get3A_399, %get3A_400] {strides = array<i32>} : memref<64x512xf32, #tpu.memory_space<vmem>>, vector<16xf32>,
      %add3A_402 = arith.addf %add3A_395, %get3A_401 : vector<16xf32>
      %mul3A_403 = arith.constant 16 : i32
      %mul3A_404 = arith.muli %scan3A_198, %mul3A_403 : i32
      %get3A_405 = arith.constant 29 : i32
      %get3A_406 = arith.index_cast %get3A_405 : i32 to index
      %get3A_407 = arith.index_cast %mul3A_404 : i32 to index
      %get3A_408 = tpu.vector_load %arg12[%get3A_406, %get3A_407] {strides = array<i32>} : memref<64x512xf32, #tpu.memory_space<vmem>>, vector<16xf32>,
      %add3A_409 = arith.addf %add3A_402, %get3A_408 : vector<16xf32>
      %mul3A_410 = arith.constant 16 : i32
      %mul3A_411 = arith.muli %scan3A_198, %mul3A_410 : i32
      %get3A_412 = arith.constant 30 : i32
      %get3A_413 = arith.index_cast %get3A_412 : i32 to index
      %get3A_414 = arith.index_cast %mul3A_411 : i32 to index
      %get3A_415 = tpu.vector_load %arg12[%get3A_413, %get3A_414] {strides = array<i32>} : memref<64x512xf32, #tpu.memory_space<vmem>>, vector<16xf32>,
      %add3A_416 = arith.addf %add3A_409, %get3A_415 : vector<16xf32>
      %mul3A_417 = arith.constant 16 : i32
      %mul3A_418 = arith.muli %scan3A_198, %mul3A_417 : i32
      %get3A_419 = arith.constant 31 : i32
      %get3A_420 = arith.index_cast %get3A_419 : i32 to index
      %get3A_421 = arith.index_cast %mul3A_418 : i32 to index
      %get3A_422 = tpu.vector_load %arg12[%get3A_420, %get3A_421] {strides = array<i32>} : memref<64x512xf32, #tpu.memory_space<vmem>>, vector<16xf32>,
      %add3A_423 = arith.addf %add3A_416, %get3A_422 : vector<16xf32>
      %mul3A_424 = arith.constant 16 : i32
      %mul3A_425 = arith.muli %scan3A_198, %mul3A_424 : i32
      %get3A_426 = arith.constant 32 : i32
      %get3A_427 = arith.index_cast %get3A_426 : i32 to index
      %get3A_428 = arith.index_cast %mul3A_425 : i32 to index
      %get3A_429 = tpu.vector_load %arg12[%get3A_427, %get3A_428] {strides = array<i32>} : memref<64x512xf32, #tpu.memory_space<vmem>>, vector<16xf32>,
      %add3A_430 = arith.addf %add3A_423, %get3A_429 : vector<16xf32>
      %mul3A_431 = arith.constant 16 : i32
      %mul3A_432 = arith.muli %scan3A_198, %mul3A_431 : i32
      %get3A_433 = arith.constant 33 : i32
      %get3A_434 = arith.index_cast %get3A_433 : i32 to index
      %get3A_435 = arith.index_cast %mul3A_432 : i32 to index
      %get3A_436 = tpu.vector_load %arg12[%get3A_434, %get3A_435] {strides = array<i32>} : memref<64x512xf32, #tpu.memory_space<vmem>>, vector<16xf32>,
      %add3A_437 = arith.addf %add3A_430, %get3A_436 : vector<16xf32>
      %mul3A_438 = arith.constant 16 : i32
      %mul3A_439 = arith.muli %scan3A_198, %mul3A_438 : i32
      %get3A_440 = arith.constant 34 : i32
      %get3A_441 = arith.index_cast %get3A_440 : i32 to index
      %get3A_442 = arith.index_cast %mul3A_439 : i32 to index
      %get3A_443 = tpu.vector_load %arg12[%get3A_441, %get3A_442] {strides = array<i32>} : memref<64x512xf32, #tpu.memory_space<vmem>>, vector<16xf32>,
      %add3A_444 = arith.addf %add3A_437, %get3A_443 : vector<16xf32>
      %mul3A_445 = arith.constant 16 : i32
      %mul3A_446 = arith.muli %scan3A_198, %mul3A_445 : i32
      %get3A_447 = arith.constant 35 : i32
      %get3A_448 = arith.index_cast %get3A_447 : i32 to index
      %get3A_449 = arith.index_cast %mul3A_446 : i32 to index
      %get3A_450 = tpu.vector_load %arg12[%get3A_448, %get3A_449] {strides = array<i32>} : memref<64x512xf32, #tpu.memory_space<vmem>>, vector<16xf32>,
      %add3A_451 = arith.addf %add3A_444, %get3A_450 : vector<16xf32>
      %mul3A_452 = arith.constant 16 : i32
      %mul3A_453 = arith.muli %scan3A_198, %mul3A_452 : i32
      %get3A_454 = arith.constant 36 : i32
      %get3A_455 = arith.index_cast %get3A_454 : i32 to index
      %get3A_456 = arith.index_cast %mul3A_453 : i32 to index
      %get3A_457 = tpu.vector_load %arg12[%get3A_455, %get3A_456] {strides = array<i32>} : memref<64x512xf32, #tpu.memory_space<vmem>>, vector<16xf32>,
      %add3A_458 = arith.addf %add3A_451, %get3A_457 : vector<16xf32>
      %mul3A_459 = arith.constant 16 : i32
      %mul3A_460 = arith.muli %scan3A_198, %mul3A_459 : i32
      %get3A_461 = arith.constant 37 : i32
      %get3A_462 = arith.index_cast %get3A_461 : i32 to index
      %get3A_463 = arith.index_cast %mul3A_460 : i32 to index
      %get3A_464 = tpu.vector_load %arg12[%get3A_462, %get3A_463] {strides = array<i32>} : memref<64x512xf32, #tpu.memory_space<vmem>>, vector<16xf32>,
      %add3A_465 = arith.addf %add3A_458, %get3A_464 : vector<16xf32>
      %mul3A_466 = arith.constant 16 : i32
      %mul3A_467 = arith.muli %scan3A_198, %mul3A_466 : i32
      %get3A_468 = arith.constant 38 : i32
      %get3A_469 = arith.index_cast %get3A_468 : i32 to index
      %get3A_470 = arith.index_cast %mul3A_467 : i32 to index
      %get3A_471 = tpu.vector_load %arg12[%get3A_469, %get3A_470] {strides = array<i32>} : memref<64x512xf32, #tpu.memory_space<vmem>>, vector<16xf32>,
      %add3A_472 = arith.addf %add3A_465, %get3A_471 : vector<16xf32>
      %mul3A_473 = arith.constant 16 : i32
      %mul3A_474 = arith.muli %scan3A_198, %mul3A_473 : i32
      %get3A_475 = arith.constant 39 : i32
      %get3A_476 = arith.index_cast %get3A_475 : i32 to index
      %get3A_477 = arith.index_cast %mul3A_474 : i32 to index
      %get3A_478 = tpu.vector_load %arg12[%get3A_476, %get3A_477] {strides = array<i32>} : memref<64x512xf32, #tpu.memory_space<vmem>>, vector<16xf32>,
      %add3A_479 = arith.addf %add3A_472, %get3A_478 : vector<16xf32>
      %mul3A_480 = arith.constant 16 : i32
      %mul3A_481 = arith.muli %scan3A_198, %mul3A_480 : i32
      %get3A_482 = arith.constant 40 : i32
      %get3A_483 = arith.index_cast %get3A_482 : i32 to index
      %get3A_484 = arith.index_cast %mul3A_481 : i32 to index
      %get3A_485 = tpu.vector_load %arg12[%get3A_483, %get3A_484] {strides = array<i32>} : memref<64x512xf32, #tpu.memory_space<vmem>>, vector<16xf32>,
      %add3A_486 = arith.addf %add3A_479, %get3A_485 : vector<16xf32>
      %mul3A_487 = arith.constant 16 : i32
      %mul3A_488 = arith.muli %scan3A_198, %mul3A_487 : i32
      %get3A_489 = arith.constant 41 : i32
      %get3A_490 = arith.index_cast %get3A_489 : i32 to index
      %get3A_491 = arith.index_cast %mul3A_488 : i32 to index
      %get3A_492 = tpu.vector_load %arg12[%get3A_490, %get3A_491] {strides = array<i32>} : memref<64x512xf32, #tpu.memory_space<vmem>>, vector<16xf32>,
      %add3A_493 = arith.addf %add3A_486, %get3A_492 : vector<16xf32>
      %mul3A_494 = arith.constant 16 : i32
      %mul3A_495 = arith.muli %scan3A_198, %mul3A_494 : i32
      %get3A_496 = arith.constant 42 : i32
      %get3A_497 = arith.index_cast %get3A_496 : i32 to index
      %get3A_498 = arith.index_cast %mul3A_495 : i32 to index
      %get3A_499 = tpu.vector_load %arg12[%get3A_497, %get3A_498] {strides = array<i32>} : memref<64x512xf32, #tpu.memory_space<vmem>>, vector<16xf32>,
      %add3A_500 = arith.addf %add3A_493, %get3A_499 : vector<16xf32>
      %mul3A_501 = arith.constant 16 : i32
      %mul3A_502 = arith.muli %scan3A_198, %mul3A_501 : i32
      %get3A_503 = arith.constant 43 : i32
      %get3A_504 = arith.index_cast %get3A_503 : i32 to index
      %get3A_505 = arith.index_cast %mul3A_502 : i32 to index
      %get3A_506 = tpu.vector_load %arg12[%get3A_504, %get3A_505] {strides = array<i32>} : memref<64x512xf32, #tpu.memory_space<vmem>>, vector<16xf32>,
      %add3A_507 = arith.addf %add3A_500, %get3A_506 : vector<16xf32>
      %mul3A_508 = arith.constant 16 : i32
      %mul3A_509 = arith.muli %scan3A_198, %mul3A_508 : i32
      %get3A_510 = arith.constant 44 : i32
      %get3A_511 = arith.index_cast %get3A_510 : i32 to index
      %get3A_512 = arith.index_cast %mul3A_509 : i32 to index
      %get3A_513 = tpu.vector_load %arg12[%get3A_511, %get3A_512] {strides = array<i32>} : memref<64x512xf32, #tpu.memory_space<vmem>>, vector<16xf32>,
      %add3A_514 = arith.addf %add3A_507, %get3A_513 : vector<16xf32>
      %mul3A_515 = arith.constant 16 : i32
      %mul3A_516 = arith.muli %scan3A_198, %mul3A_515 : i32
      %get3A_517 = arith.constant 45 : i32
      %get3A_518 = arith.index_cast %get3A_517 : i32 to index
      %get3A_519 = arith.index_cast %mul3A_516 : i32 to index
      %get3A_520 = tpu.vector_load %arg12[%get3A_518, %get3A_519] {strides = array<i32>} : memref<64x512xf32, #tpu.memory_space<vmem>>, vector<16xf32>,
      %add3A_521 = arith.addf %add3A_514, %get3A_520 : vector<16xf32>
      %mul3A_522 = arith.constant 16 : i32
      %mul3A_523 = arith.muli %scan3A_198, %mul3A_522 : i32
      %get3A_524 = arith.constant 46 : i32
      %get3A_525 = arith.index_cast %get3A_524 : i32 to index
      %get3A_526 = arith.index_cast %mul3A_523 : i32 to index
      %get3A_527 = tpu.vector_load %arg12[%get3A_525, %get3A_526] {strides = array<i32>} : memref<64x512xf32, #tpu.memory_space<vmem>>, vector<16xf32>,
      %add3A_528 = arith.addf %add3A_521, %get3A_527 : vector<16xf32>
      %mul3A_529 = arith.constant 16 : i32
      %mul3A_530 = arith.muli %scan3A_198, %mul3A_529 : i32
      %get3A_531 = arith.constant 47 : i32
      %get3A_532 = arith.index_cast %get3A_531 : i32 to index
      %get3A_533 = arith.index_cast %mul3A_530 : i32 to index
      %get3A_534 = tpu.vector_load %arg12[%get3A_532, %get3A_533] {strides = array<i32>} : memref<64x512xf32, #tpu.memory_space<vmem>>, vector<16xf32>,
      %add3A_535 = arith.addf %add3A_528, %get3A_534 : vector<16xf32>
      %mul3A_536 = arith.constant 16 : i32
      %mul3A_537 = arith.muli %scan3A_198, %mul3A_536 : i32
      %get3A_538 = arith.constant 48 : i32
      %get3A_539 = arith.index_cast %get3A_538 : i32 to index
      %get3A_540 = arith.index_cast %mul3A_537 : i32 to index
      %get3A_541 = tpu.vector_load %arg12[%get3A_539, %get3A_540] {strides = array<i32>} : memref<64x512xf32, #tpu.memory_space<vmem>>, vector<16xf32>,
      %add3A_542 = arith.addf %add3A_535, %get3A_541 : vector<16xf32>
      %mul3A_543 = arith.constant 16 : i32
      %mul3A_544 = arith.muli %scan3A_198, %mul3A_543 : i32
      %get3A_545 = arith.constant 49 : i32
      %get3A_546 = arith.index_cast %get3A_545 : i32 to index
      %get3A_547 = arith.index_cast %mul3A_544 : i32 to index
      %get3A_548 = tpu.vector_load %arg12[%get3A_546, %get3A_547] {strides = array<i32>} : memref<64x512xf32, #tpu.memory_space<vmem>>, vector<16xf32>,
      %add3A_549 = arith.addf %add3A_542, %get3A_548 : vector<16xf32>
      %mul3A_550 = arith.constant 16 : i32
      %mul3A_551 = arith.muli %scan3A_198, %mul3A_550 : i32
      %get3A_552 = arith.constant 50 : i32
      %get3A_553 = arith.index_cast %get3A_552 : i32 to index
      %get3A_554 = arith.index_cast %mul3A_551 : i32 to index
      %get3A_555 = tpu.vector_load %arg12[%get3A_553, %get3A_554] {strides = array<i32>} : memref<64x512xf32, #tpu.memory_space<vmem>>, vector<16xf32>,
      %add3A_556 = arith.addf %add3A_549, %get3A_555 : vector<16xf32>
      %mul3A_557 = arith.constant 16 : i32
      %mul3A_558 = arith.muli %scan3A_198, %mul3A_557 : i32
      %get3A_559 = arith.constant 51 : i32
      %get3A_560 = arith.index_cast %get3A_559 : i32 to index
      %get3A_561 = arith.index_cast %mul3A_558 : i32 to index
      %get3A_562 = tpu.vector_load %arg12[%get3A_560, %get3A_561] {strides = array<i32>} : memref<64x512xf32, #tpu.memory_space<vmem>>, vector<16xf32>,
      %add3A_563 = arith.addf %add3A_556, %get3A_562 : vector<16xf32>
      %mul3A_564 = arith.constant 16 : i32
      %mul3A_565 = arith.muli %scan3A_198, %mul3A_564 : i32
      %get3A_566 = arith.constant 52 : i32
      %get3A_567 = arith.index_cast %get3A_566 : i32 to index
      %get3A_568 = arith.index_cast %mul3A_565 : i32 to index
      %get3A_569 = tpu.vector_load %arg12[%get3A_567, %get3A_568] {strides = array<i32>} : memref<64x512xf32, #tpu.memory_space<vmem>>, vector<16xf32>,
      %add3A_570 = arith.addf %add3A_563, %get3A_569 : vector<16xf32>
      %mul3A_571 = arith.constant 16 : i32
      %mul3A_572 = arith.muli %scan3A_198, %mul3A_571 : i32
      %get3A_573 = arith.constant 53 : i32
      %get3A_574 = arith.index_cast %get3A_573 : i32 to index
      %get3A_575 = arith.index_cast %mul3A_572 : i32 to index
      %get3A_576 = tpu.vector_load %arg12[%get3A_574, %get3A_575] {strides = array<i32>} : memref<64x512xf32, #tpu.memory_space<vmem>>, vector<16xf32>,
      %add3A_577 = arith.addf %add3A_570, %get3A_576 : vector<16xf32>
      %mul3A_578 = arith.constant 16 : i32
      %mul3A_579 = arith.muli %scan3A_198, %mul3A_578 : i32
      %get3A_580 = arith.constant 54 : i32
      %get3A_581 = arith.index_cast %get3A_580 : i32 to index
      %get3A_582 = arith.index_cast %mul3A_579 : i32 to index
      %get3A_583 = tpu.vector_load %arg12[%get3A_581, %get3A_582] {strides = array<i32>} : memref<64x512xf32, #tpu.memory_space<vmem>>, vector<16xf32>,
      %add3A_584 = arith.addf %add3A_577, %get3A_583 : vector<16xf32>
      %mul3A_585 = arith.constant 16 : i32
      %mul3A_586 = arith.muli %scan3A_198, %mul3A_585 : i32
      %get3A_587 = arith.constant 55 : i32
      %get3A_588 = arith.index_cast %get3A_587 : i32 to index
      %get3A_589 = arith.index_cast %mul3A_586 : i32 to index
      %get3A_590 = tpu.vector_load %arg12[%get3A_588, %get3A_589] {strides = array<i32>} : memref<64x512xf32, #tpu.memory_space<vmem>>, vector<16xf32>,
      %add3A_591 = arith.addf %add3A_584, %get3A_590 : vector<16xf32>
      %mul3A_592 = arith.constant 16 : i32
      %mul3A_593 = arith.muli %scan3A_198, %mul3A_592 : i32
      %get3A_594 = arith.constant 56 : i32
      %get3A_595 = arith.index_cast %get3A_594 : i32 to index
      %get3A_596 = arith.index_cast %mul3A_593 : i32 to index
      %get3A_597 = tpu.vector_load %arg12[%get3A_595, %get3A_596] {strides = array<i32>} : memref<64x512xf32, #tpu.memory_space<vmem>>, vector<16xf32>,
      %add3A_598 = arith.addf %add3A_591, %get3A_597 : vector<16xf32>
      %mul3A_599 = arith.constant 16 : i32
      %mul3A_600 = arith.muli %scan3A_198, %mul3A_599 : i32
      %get3A_601 = arith.constant 57 : i32
      %get3A_602 = arith.index_cast %get3A_601 : i32 to index
      %get3A_603 = arith.index_cast %mul3A_600 : i32 to index
      %get3A_604 = tpu.vector_load %arg12[%get3A_602, %get3A_603] {strides = array<i32>} : memref<64x512xf32, #tpu.memory_space<vmem>>, vector<16xf32>,
      %add3A_605 = arith.addf %add3A_598, %get3A_604 : vector<16xf32>
      %mul3A_606 = arith.constant 16 : i32
      %mul3A_607 = arith.muli %scan3A_198, %mul3A_606 : i32
      %get3A_608 = arith.constant 58 : i32
      %get3A_609 = arith.index_cast %get3A_608 : i32 to index
      %get3A_610 = arith.index_cast %mul3A_607 : i32 to index
      %get3A_611 = tpu.vector_load %arg12[%get3A_609, %get3A_610] {strides = array<i32>} : memref<64x512xf32, #tpu.memory_space<vmem>>, vector<16xf32>,
      %add3A_612 = arith.addf %add3A_605, %get3A_611 : vector<16xf32>
      %mul3A_613 = arith.constant 16 : i32
      %mul3A_614 = arith.muli %scan3A_198, %mul3A_613 : i32
      %get3A_615 = arith.constant 59 : i32
      %get3A_616 = arith.index_cast %get3A_615 : i32 to index
      %get3A_617 = arith.index_cast %mul3A_614 : i32 to index
      %get3A_618 = tpu.vector_load %arg12[%get3A_616, %get3A_617] {strides = array<i32>} : memref<64x512xf32, #tpu.memory_space<vmem>>, vector<16xf32>,
      %add3A_619 = arith.addf %add3A_612, %get3A_618 : vector<16xf32>
      %mul3A_620 = arith.constant 16 : i32
      %mul3A_621 = arith.muli %scan3A_198, %mul3A_620 : i32
      %get3A_622 = arith.constant 60 : i32
      %get3A_623 = arith.index_cast %get3A_622 : i32 to index
      %get3A_624 = arith.index_cast %mul3A_621 : i32 to index
      %get3A_625 = tpu.vector_load %arg12[%get3A_623, %get3A_624] {strides = array<i32>} : memref<64x512xf32, #tpu.memory_space<vmem>>, vector<16xf32>,
      %add3A_626 = arith.addf %add3A_619, %get3A_625 : vector<16xf32>
      %mul3A_627 = arith.constant 16 : i32
      %mul3A_628 = arith.muli %scan3A_198, %mul3A_627 : i32
      %get3A_629 = arith.constant 61 : i32
      %get3A_630 = arith.index_cast %get3A_629 : i32 to index
      %get3A_631 = arith.index_cast %mul3A_628 : i32 to index
      %get3A_632 = tpu.vector_load %arg12[%get3A_630, %get3A_631] {strides = array<i32>} : memref<64x512xf32, #tpu.memory_space<vmem>>, vector<16xf32>,
      %add3A_633 = arith.addf %add3A_626, %get3A_632 : vector<16xf32>
      %mul3A_634 = arith.constant 16 : i32
      %mul3A_635 = arith.muli %scan3A_198, %mul3A_634 : i32
      %get3A_636 = arith.constant 62 : i32
      %get3A_637 = arith.index_cast %get3A_636 : i32 to index
      %get3A_638 = arith.index_cast %mul3A_635 : i32 to index
      %get3A_639 = tpu.vector_load %arg12[%get3A_637, %get3A_638] {strides = array<i32>} : memref<64x512xf32, #tpu.memory_space<vmem>>, vector<16xf32>,
      %add3A_640 = arith.addf %add3A_633, %get3A_639 : vector<16xf32>
      %mul3A_641 = arith.constant 16 : i32
      %mul3A_642 = arith.muli %scan3A_198, %mul3A_641 : i32
      %get3A_643 = arith.constant 63 : i32
      %get3A_644 = arith.index_cast %get3A_643 : i32 to index
      %get3A_645 = arith.index_cast %mul3A_642 : i32 to index
      %get3A_646 = tpu.vector_load %arg12[%get3A_644, %get3A_645] {strides = array<i32>} : memref<64x512xf32, #tpu.memory_space<vmem>>, vector<16xf32>,
      %add3A_647 = arith.addf %add3A_640, %get3A_646 : vector<16xf32>
      %neg3A = arith.constant 0.000000e+00 : f32
      %neg3A_648 = vector.broadcast %neg3A : f32 to vector<16xf32>
      %neg3A_649 = arith.subf %neg3A_648, %add3A_647 : vector<16xf32>
      %exp3A = math.exp %neg3A_649 : vector<16xf32>
      %add3A_650 = arith.constant 1.000000e+00 : f32
      %add3A_651 = vector.broadcast %add3A_650 : f32 to vector<16xf32>
      %add3A_652 = arith.addf %add3A_651, %exp3A : vector<16xf32>
      %div3A = arith.constant 1.000000e+00 : f32
      %div3A_653 = vector.broadcast %div3A : f32 to vector<16xf32>
      %div3A_654 = arith.divf %div3A_653, %add3A_652 : vector<16xf32>
      %mul3A_655 = arith.constant 16 : i32
      %mul3A_656 = arith.muli %scan3A_198, %mul3A_655 : i32
      %swap3A = arith.index_cast %mul3A_656 : i32 to index
      %swap3A_657 = tpu.vector_load %arg13[%swap3A] {strides = array<i32>} : memref<512xf32, #tpu.memory_space<vmem>>, vector<16xf32>,
      tpu.vector_store %arg13[%swap3A], %div3A_654 {strides = array<i32>} : memref<512xf32, #tpu.memory_space<vmem>>, vector<16xf32>,
    }
    %scan3A_197 = arith.constant 32 : i32
    "tpu.region"() ({
      %run_scoped3A_198 = tpu.sem_alloc : memref<!tpu.dma_semaphore, #tpu.memory_space<semaphore_mem>>
      %dma_start3A_199 = arith.constant 0 : i32
      %dma_start3A_200 = tpu.memref_slice %arg6[%add3A, %dma_start3A_199] : memref<32x512xf32, #tpu.memory_space<hbm>> -> memref<1x512xf32, #tpu.memory_space<hbm>>
      %dma_start3A_201 = tpu.memref_squeeze %dma_start3A_200 : memref<1x512xf32, #tpu.memory_space<hbm>> -> memref<512xf32, #tpu.memory_space<hbm>>
      %dma_start3A_202 = arith.constant 0 : i32
      %dma_start3A_203 = tpu.memref_slice %arg6[%add3A, %dma_start3A_202] : memref<32x512xf32, #tpu.memory_space<hbm>> -> memref<1x512xf32, #tpu.memory_space<hbm>>
      %dma_start3A_204 = tpu.memref_squeeze %dma_start3A_203 : memref<1x512xf32, #tpu.memory_space<hbm>> -> memref<512xf32, #tpu.memory_space<hbm>>
      tpu.enqueue_dma source(%arg13 : memref<512xf32, #tpu.memory_space<vmem>>) target(%dma_start3A_204 : memref<512xf32, #tpu.memory_space<hbm>>) target_semaphore(%run_scoped3A_198 : memref<!tpu.dma_semaphore, #tpu.memory_space<semaphore_mem>>)
      %dma_wait3A = arith.constant 0 : i32
      %dma_wait3A_205 = tpu.memref_slice %arg6[%add3A, %dma_wait3A] : memref<32x512xf32, #tpu.memory_space<hbm>> -> memref<1x512xf32, #tpu.memory_space<hbm>>
      %dma_wait3A_206 = tpu.memref_squeeze %dma_wait3A_205 : memref<1x512xf32, #tpu.memory_space<hbm>> -> memref<512xf32, #tpu.memory_space<hbm>>
      %dma_wait3A_207 = arith.constant 0 : i32
      %dma_wait3A_208 = tpu.memref_slice %arg6[%add3A, %dma_wait3A_207] : memref<32x512xf32, #tpu.memory_space<hbm>> -> memref<1x512xf32, #tpu.memory_space<hbm>>
      %dma_wait3A_209 = tpu.memref_squeeze %dma_wait3A_208 : memref<1x512xf32, #tpu.memory_space<hbm>> -> memref<512xf32, #tpu.memory_space<hbm>>
      tpu.wait_dma2 semaphore(%run_scoped3A_198 : memref<!tpu.dma_semaphore, #tpu.memory_space<semaphore_mem>>) src(%arg13 : memref<512xf32, #tpu.memory_space<vmem>>) dst(%dma_wait3A_209 : memref<512xf32, #tpu.memory_space<hbm>>)
      tpu.yield
    }) : () -> ()
    return
  }
}

</mosaic_0001>

<sc_bundles>
// kernel: gather_offload_async_start.1
scs
__scs_entry_jumppad:
0x0: {  	(pc) =	sbr.rel $0x88, $3  }
0x1: {  	(tag) =	ssettag $0x0;
	lr =	simm.s32 $0x1  }
0x2: {  	[smem:$0x3F9D] =	sst lr;
	_ =	strace $0xD0000000  }
0x3: {  	_ = 	snop  }
0x4: {  	_ = 	snop  }
0x5: {  	_ = 	snop  }
0x6: {  	_ = 	snop  }
0x7: {  	_ = 	snop  }
__scs_overlays_trampoline_lowered:
0x8: {  	[smem:$0x3FAC] =	sst s0  }
0x9: {  	[smem:$0x3FAD] =	sst s1  }
0xa: {  	[smem:$0x3FAE] =	sst s2  }
0xb: {  	[smem:$0x3FAF] =	sst s3  }
0xc: {  	[smem:$0x3FB0] =	sst s4  }
0xd: {  	[smem:$0x3FB1] =	sst s5  }
0xe: {  	[smem:$0x3FB2] =	sst s6  }
0xf: {  	[smem:$0x3FB3] =	sst s7  }
0x10: {  	[smem:$0x3FB4] =	sst s8  }
0x11: {  	[smem:$0x3FB5] =	sst s9;
	s0 =	simm.s32 @!p0 $0x0  }
0x12: {  	s1 =	sld [smem:$0x3F9B];
	s0 =	simm.s32 @p0 $0x1  }
0x13: {  	[smem:$0x3FB6] =	sst s0;
	s0 =	simm.s32 @!p1 $0x0  }
0x14: {  	s2 =	sld [smem:$0x3F9A];
	s0 =	simm.s32 @p1 $0x1  }
0x15: {  	[smem:$0x3FB7] =	sst s0;
	s0 =	simm.s32 @!p2 $0x0  }
0x16: {  	s3 =	sld [smem:$0x3FDB];
	s0 =	simm.s32 @p2 $0x1  }
0x17: {  	s4 =	simm.s32 $0x1BF5;
	[smem:$0x3FB9] =	sst s0  }
0x18: {  	s0 =	sld [smem:$0x3F9C];
	_ =	swait.ge [sflag:s4], $0x0  }
0x19: {  	s7 =	sld [smem:$0x3F9D]  }
0x1a: {  	s8 =	sadd.s32 $0xFFFFE003, lr  }
0x1b: {  	s9 =	sadd.s32 $0xFFFFFEF7, lr;
	s5 =	simm.s32 $0xFFFFFFFF;
	p2 =	slt.u32 s8, $0xFFFFF086  }
0x1c: {  	p1 =	slt.u32 s9, $0xF7A;
	s5 =	simm.s32 @!p2 $0x0  }
0x1d: {  	s5 =	simm.s32 @p1 $0x1;
	p0 =	seq.s32 s7, s2  }
0x1e: {  	s7 =	smul.u32 @!p0 $0xF7A, s2;
	p2 =	seq.s32 @!p0 s5, $0x0  }
0x1f: {  	s9 =	smul.u32 $0xF7A, s1;
	s8 =	simm.s32 @!p0 $0x1BF5;
	p2 =	por !p2, p0  }
0x20: {  	[sflag:s8] =	ssyncset.s32 @!p0 $0xFFFFF086;
	s6 =	sadd.s32 @!p0 s3, s7;
	s7 =	simm.s32 @!p0 $0x108  }
0x21: {  	s3 =	sadd.s32 s3, s9;
	s6 =	sadd.s32 @!p0 $0x88, s6;
	s7 =	simm.s32 @p2 $0x1082  }
0x22: {  	[simem:s7], [sflag:s8] =	dma.local @!p0 [hbm:s6], $0xF7A  }
0x23: {  	s9 =	sor.u32 $0xD0000000, s2;
	s6 =	simm.s32 $0x108;
	_ =	swait.ge @!p0 [sflag:s8], $0x0  }
0x24: {  	s3 =	sadd.s32 $0x88, s3;
	s6 =	simm.s32 @!p1 $0x1082;
	[sflag:s4] =	ssyncset.s32 $0xFFFFF086  }
0x25: {  	[simem:s6], [sflag:s4] =	dma.local [hbm:s3], $0xF7A  }
0x26: {  	[smem:$0x3F9D] =	sst s1;
	(tag) =	ssettag s2;
	_ =	strace s9  }
0x27: {  	s1 =	sld [smem:$0x3FAD]  }
0x28: {  	s2 =	sld [smem:$0x3FAE]  }
0x29: {  	s4 =	sld [smem:$0x3FB0]  }
0x2a: {  	p0 =	seq.s32 s5, $0x0;
	s5 =	sld [smem:$0x3FB1]  }
0x2b: {  	s6 =	sld [smem:$0x3FB2]  }
0x2c: {  	s7 =	sld [smem:$0x3FB3]  }
0x2d: {  	s3 =	simm.s32 $0x108;
	s8 =	sld [smem:$0x3FB4]  }
0x2e: {  	s3 =	simm.s32 @!p0 $0x1082;
	s9 =	sld [smem:$0x3FB5]  }
0x2f: {  	lr =	sadd.s32 s0, s3;
	s0 =	sld [smem:$0x3FAC]  }
0x30: {  	s3 =	sld [smem:$0x3FAF]  }
0x31: {  	[smem:$0x3FB8] =	sst s10  }
0x32: {  	s10 =	sld [smem:$0x3FB6];
	_ =	sdelay $0x3  }
0x33: {  	p0 =	seq.s32 s10, $0x1;
	s10 =	sld [smem:$0x3FB8];
	_ =	sdelay $0x3  }
0x34: {  	[smem:$0x3FB8] =	sst s10  }
0x35: {  	s10 =	sld [smem:$0x3FB7];
	_ =	sdelay $0x3  }
0x36: {  	p1 =	seq.s32 s10, $0x1;
	s10 =	sld [smem:$0x3FB8];
	_ =	sdelay $0x3  }
0x37: {  	[smem:$0x3FB8] =	sst s10  }
0x38: {  	s10 =	sld [smem:$0x3FB9]  }
0x39: {  	_ = 	snop;
	(pc) =	sbr.ind lr, $3  }
0x3a: {  	_ = 	snop  }
0x3b: {  	_ = 	snop  }
0x3c: {  	p2 =	seq.s32 s10, $0x1;
	s10 =	sld [smem:$0x3FB8]  }
0x3d: {  	_ =	shalt  }
0x3e: {  	_ =	shalt  }
0x3f: {  	_ =	shalt  }
0x40: {  	_ =	shalt  }
0x41: {  	_ =	shalt  }
0x42: {  	_ =	shalt  }
0x43: {  	_ =	shalt  }
0x44: {  	_ =	shalt  }
0x45: {  	_ =	shalt  }
0x46: {  	_ =	shalt  }
0x47: {  	_ =	shalt  }
0x48: {  	_ =	shalt  }
0x49: {  	_ =	shalt  }
0x4a: {  	_ =	shalt  }
0x4b: {  	_ =	shalt  }
0x4c: {  	_ =	shalt  }
0x4d: {  	_ =	shalt  }
0x4e: {  	_ =	shalt  }
0x4f: {  	_ =	shalt  }
0x50: {  	_ =	shalt  }
0x51: {  	_ =	shalt  }
0x52: {  	_ =	shalt  }
0x53: {  	_ =	shalt  }
0x54: {  	_ =	shalt  }
0x55: {  	_ =	shalt  }
0x56: {  	_ =	shalt  }
0x57: {  	_ =	shalt  }
0x58: {  	_ =	shalt  }
0x59: {  	_ =	shalt  }
0x5a: {  	_ =	shalt  }
0x5b: {  	_ =	shalt  }
0x5c: {  	_ =	shalt  }
0x5d: {  	_ =	shalt  }
0x5e: {  	_ =	shalt  }
0x5f: {  	_ =	shalt  }
0x60: {  	_ =	shalt  }
0x61: {  	_ =	shalt  }
0x62: {  	_ =	shalt  }
0x63: {  	_ =	shalt  }
0x64: {  	_ =	shalt  }
0x65: {  	_ =	shalt  }
0x66: {  	_ =	shalt  }
0x67: {  	_ =	shalt  }
0x68: {  	_ =	shalt  }
0x69: {  	_ =	shalt  }
0x6a: {  	_ =	shalt  }
0x6b: {  	_ =	shalt  }
0x6c: {  	_ =	shalt  }
0x6d: {  	_ =	shalt  }
0x6e: {  	_ =	shalt  }
0x6f: {  	_ =	shalt  }
0x70: {  	_ =	shalt  }
0x71: {  	_ =	shalt  }
0x72: {  	_ =	shalt  }
0x73: {  	_ =	shalt  }
0x74: {  	_ =	shalt  }
0x75: {  	_ =	shalt  }
0x76: {  	_ =	shalt  }
0x77: {  	_ =	shalt  }
0x78: {  	_ =	shalt  }
0x79: {  	_ =	shalt  }
0x7a: {  	_ =	shalt  }
0x7b: {  	_ =	shalt  }
0x7c: {  	_ =	shalt  }
0x7d: {  	_ =	shalt  }
0x7e: {  	_ =	shalt  }
0x7f: {  	_ =	shalt  }
0x80: {  	_ =	shalt  }
0x81: {  	_ =	shalt  }
0x82: {  	_ =	shalt  }
0x83: {  	_ =	shalt  }
0x84: {  	_ =	shalt  }
0x85: {  	_ =	shalt  }
0x86: {  	_ =	shalt  }
0x87: {  	_ =	shalt  }
.Lfunc_end0:
.L_simem_size_0:
called_computation.1_lowered:
.L_overlay_start_0:
0x88: {  	s2 =	sld [smem:$0x3FD9]  }
0x89: {  	s3 =	sld [smem:$0x3FFE];
	_ =	sdelay $0x1  }
0x8a: {  	s1 =	srdreg.scid  }
0x8b: {  	s0 =	sand.u32 $0x1, s1  }
0x8c: {  	s17 =	sshll.u32 s0, $0xA;
	s2 =	sadd.s32 s3, s2  }
0x8d: {  	s2 =	sadd.s32 s2, s17  }
0x8e: {  	[smem:$0x3FC4] =	sst s2  }
0x8f: {  	_ = 	snop  }
0x90: {  	s2 =	sld [smem:$0x3FC8]  }
0x91: {  	s18 =	sld [smem:$0x3FD0];
	(tm) =	ssettm $0x1  }
0x92: {  	s4 =	sld [smem:$0x3FFB];
	_ =	sdelay $0x3  }
0x93: {  	_ =	strace s4  }
0x94: {  	s4 =	sld [smem:$0x3FFC];
	_ =	sdelay $0x3  }
0x95: {  	_ =	strace s4  }
0x96: {  	s4 =	sld [smem:$0x3FFD];
	_ =	sdelay $0x3  }
0x97: {  	_ =	strace s4  }
0x98: {  	_ =	strace $0x8FFFFFFF  }
0x99: {  	s19 =	sld [smem:$0x3FDB];
	_ =	sdelay $0x1  }
0x9a: {  	s5 =	simm.s32 $_scs_section_size  }
0x9b: {  	s6 =	simm.s32 $_size__tile_overlayer_lowered;
	s7 =	simm.s32 $_tile_overlayer_lowered  }
0x9c: {  	s22 =	simm.s32 $0x1BFF;
	s21 =	sshll.u32 s7, $0x1;
	s4 =	sadd.s32 s5, s19  }
0x9d: {  	s8 =	simm.s32 $0x0;
	s20 =	sshll.u32 s6, $0x1;
	s6 =	sadd.s32 s21, s4  }
0x9e: {  	[timem:s8], [sflag:s22] =	dma.local [hbm:s6], s20  }
0x9f: {  	_ =	swait.ge [sflag:s22], s20  }
0xa0: {  	s5 =	ssub.s32 $0x0, s20;
	[sflag:s22] =	ssyncset.done $0x0  }
0xa1: {  	[sflag:s22] =	ssyncadd.s32 s5;
	_ =	sdelay $0x1  }
0xa2: {  	s23 =	simm.s32 $0x1B8B  }
0xa3: {  	_ =	swait.ge [sflag:s23], $0x1  }
0xa4: {  	[sflag:s23] =	ssyncset.done $0x0  }
0xa5: {  	s25 =	simm.s32 $0x1B8E;
	s24 =	sld [smem:$0x3FFE];
	[sflag:s23] =	ssyncadd.s32 $0xFFFFFFFF  }
0xa6: {  	s26 =	simm.s32 $execute0_lowered;
	[smem:$0x3FD2] =	sst s25  }
0xa7: {  	s6 =	sshll.u32 s26, $0x1;
	_ =	strace $0x80000046;
	[dreg:$0x1] =	wrdreg $0xFFFFFFFF  }
0xa8: {  	s28 =	simm.s32 $_size_execute0_lowered;
	s4 =	sadd.s32 s4, s6;
	[dreg:$0x0] =	wrdreg $0x0  }
0xa9: {  	s6 =	sshll.u32 s28, $0x1;
	[dreg:$0x2] =	wrdreg s4  }
0xaa: {  	[dreg:$0x3] =	wrdreg s6  }
0xab: {  	[dreg:$0x4] =	wrdreg $0xC0  }
0xac: {  	_ =	task [dreg:s8], $0x5FFFF  }
0xad: {  	[dreg:$0x1] =	wrdreg $0xFFFFFFFF  }
0xae: {  	[dreg:$0x0] =	wrdreg $0x60  }
0xaf: {  	[dreg:$0x2] =	wrdreg s2  }
0xb0: {  	[dreg:$0x3] =	wrdreg s18  }
0xb1: {  	[dreg:$0x4] =	wrdreg s24  }
0xb2: {  	[dreg:$0x5] =	wrdreg $0xA  }
0xb3: {  	_ =	task.clear_ibuf [dreg:s8], $0x6FFFF;
	_ =	strace $0x90000046  }
0xb4: {  	s29 =	simm.s32 $0xA;
	_ =	strace $0x80000048  }
0xb5: {  	_ =	swait.ge [sflag:s29], $0x1  }
0xb6: {  	[sflag:s29] =	ssyncadd.s32 $0xFFFFFFFF  }
0xb7: {  	_ =	strace $0x90000048  }
0xb8: {  	_ =	sfence  }
0xb9: {  	s30 =	sld [smem:$0x0];
	_ =	sdelay $0x2  }
0xba: {  	s31 =	sshll.u32 s1, $0xD;
	s1 =	sshrl.u32 s1, $0x2  }
0xbb: {  	s3 =	sand.u32 $0x4000, s31;
	s1 =	sadd.s32 s1, s30  }
0xbc: {  	s0 =	sor.u32 s3, s0;
	s1 =	sshll.u32 s1, $0x11  }
0xbd: {  	s0 =	sor.u32 s1, s0  }
0xbe: {  	s0 =	sadd.s32 $0x8F2B, s0  }
0xbf: {  	[sflag:s0] =	ssyncadd.remote.s32 $0x1  }
0xc0: {  	_ =	sfence.sel $0xFFFF  }
0xc1: {  	[dreg:$0x0] =	wrdreg $0xFFFFFFFF;
	(pc) =	sbr.abs _section_cstart, $3  }
0xc2: {  	[dreg:$0x1] =	wrdreg $0xFFFFFFFF  }
0xc3: {  	_ =	task.clear_ibuf [dreg:s8], $0x2FFFF;
	_ =	strace $0x9FFFFFFF  }
0xc4: {  	(tm) =	ssettm $0x7FFFFFFF  }
0xc5: {  	_ =	shalt  }
tec
execute0_lowered:
.L_overlay_start_1:
0x0: {  	(tag) =	ssettag $0x1  }
0x1: {  	s2 =	rddreg [dreg:$0x0]  }
0x2: {  	s1 =	srdreg.scid;
	s3 =	rddreg [dreg:$0x1]  }
0x3: {  	s0 =	stileid.u32;
	s5 =	rddreg [dreg:$0x2]  }
0x4: {  	s9 =	simm.s32 $0x1;
	s10 =	simm.s32 $0x3;
	s1 =	sshll.u32 s1, $0x8  }
0x5: {  	s13 =	simm.s32 $0x0;
	s4 =	sshll.u32 s0, $0x9;
	s6 =	sand.u32 $0x100, s1  }
0x6: {  	s12 =	simm.s32 $0x0;
	s5 =	sadd.s32 $0x800, s5;
	s4 =	sor.u32 s4, s6  }
0x7: {  	s1 =	rddreg [dreg:$0x3];
	_ =	strace $0x80000047;
	s8 =	ssub.s32 $0x4000, s4  }
.Ltmp0:
0x8: {  	s6 =	simm.s32 $0x1;
	s7 =	sand.u32 $0x1F00, s8;
	(pc) =	sbr.rel .LBB2_1-.Ltmp0, $4  }
0x9: {  	[sflag:s6] =	ssyncpa.u1 $0x0;
	s11 =	smov.u32 s4;
	p0 =	sne.s32 s7, $0x0  }
0xa: {  	s8 =	sshrl.u32 s8, $0xD;
	s7 =	simm.s32 $0x2;
	s9 =	simm.s32 @!p0 $0x0  }
0xb: {  	[sflag:s7] =	ssyncpa.u1 $0x0;
	p0 =	por $0x0, $0x0;
	s8 =	sadd.s32 s9, s8  }
0xc: {  	vm0 =	vmmov $0xffff;
	[sflag:s10] =	ssyncpa.u1 $0x0;
	s10 =	simm.s32 $0x0;
	s9 =	sadd.s32 $0x1, s8  }
.LBB2_4:
0xd: {  	v2 =	vnsel vm1, $0x0, v2  }
0xe: {  	vm1 =	vgt.s32 v0, $0x0;
	v2 =	vmin.u32 v2, $0x3FFF  }
0xf: {  	v0 =	vnsel vm1, $0x0, v0  }
0x10: {  	v0 =	vmin.u32 v0, $0x3FFF  }
0x11: {  	[tilespmem:s15], [sflag:$0x1] =	stream.indirect_vreg.gather [hbm4b:s2+s10], $0x1, v1, vm0, $0x4038;
	[tilespmem:$0x400] =	vst v63  }
0x12: {  	(ifvalue) =	ssetifvalue $0x7FFFFFFF  }
0x13: {  	[tilespmem:s16], [sflag:$0x1] =	stream.indirect_vreg.gather [hbm4b:s2+s10], $0x1, v2, vm0, $0x4038;
	[tilespmem:$0x400] =	vst v63  }
0x14: {  	s29 =	sadd.s32 $0x10, s16;
	(ifvalue) =	ssetifvalue $0x7FFFFFFF  }
0x15: {  	[tilespmem:s29], [sflag:$0x1] =	stream.indirect_vreg.gather [hbm4b:s2+s10], $0x1, v0, vm0, $0x4038;
	[tilespmem:$0x400] =	vst v63  }
0x16: {  	_ =	swait.ge [sflag:s6], $0x100  }
0x17: {  	s30 =	sshrl.u32 s13, $0x3;
	[sflag:s6] =	ssyncset.done $0x0  }
0x18: {  	s31 =	sand.u32 $0x7, s13;
	s15 =	sadd.s32 s5, s30;
	[sflag:s6] =	ssyncadd.s32 $0xFFFFFF00  }
0x19: {  	[hbm4b:s15+s31] =	stream.linear.scatter [tilespmem:s14], [sflag:$0x3], $0x100, $0x38;
	[tilespmem:$0x400] =	vst v63  }
.LBB2_5:
0x1a: {  	s15 =	sadd.s32 $0x2000, s11  }
0x1b: {  	p2 =	sgt.s32 s15, $0x3FFF  }
0x1c: {  	s15 =	smov.u32 @p2 s4;
	p2 =	sne.s32 s12, s9  }
.Ltmp1:
0x1d: {  	p1 =	slt.u32 s12, $0x2;
	(pc) =	sbr.rel @!p2 .LBB2_6-.Ltmp1, $4  }
0x1e: {  	s14 =	simm.s32 @!p1 $0x3  }
0x1f: {  	s16 =	sadd.s32 $0x1, s12;
	_ =	swait.ge @!p1 [sflag:s14], $0x100  }
0x20: {  	s13 =	smov.u32 s11;
	p0 =	por !p0, !p0;
	[sflag:s14] =	ssyncset.done @!p1 $0x0  }
0x21: {  	s12 =	smov.u32 s16;
	s11 =	smov.u32 s15;
	[sflag:s14] =	ssyncadd.s32 @!p1 $0xFFFFFF00  }
.LBB2_1:
0x22: {  	p1 =	sge.u32 s12, s8  }
0x23: {  	s14 =	sxor.u32 @!p1 $0xFFFFFFFF, s12  }
0x24: {  	s31 =	sadd.s32 $0xFFFFFFFF, s12;
	s15 =	sshrl.u32 @!p1 s11, $0x3;
	s14 =	sshll.u32 @!p1 s14, $0x8  }
0x25: {  	s16 =	sand.u32 @!p1 $0x7, s11;
	s15 =	sadd.s32 @!p1 s3, s15;
	s14 =	sand.u32 @!p1 $0x100, s14  }
0x26: {  	[tilespmem:s14], [sflag:$0x2] =	stream.linear.gather @!p1 [hbm4b:s15+s16], $0x100, $0x38;
	[tilespmem:$0x400] =	vst v63  }
0x27: {  	p1 =	sge.u32 s31, s8  }
.Ltmp2:
0x28: {  	_ = 	snop;
	(pc) =	sbr.rel @p1 .LBB2_5-.Ltmp2, $1  }
0x29: {  	_ =	sdelay $0x3  }
0x2a: {  	s14 =	simm.s32 $0x1  }
0x2b: {  	_ =	swait.ge [sflag:s7], $0x100;
	s14 =	simm.s32 @!p0 $0x0  }
0x2c: {  	[sflag:s7] =	ssyncset.done $0x0;
	s14 =	sshll.u32 s14, $0x8  }
0x2d: {  	[sflag:s7] =	ssyncadd.s32 $0xFFFFFF00;
	(ifvalue) =	ssetifvalue $0x7FFFFFFF;
	v0 =	vld.msk [tilespmem:s14+$0x0 ss:$0x1], $0xffff;
	_ =	sdelay $0x4  }
0x2e: {  	s15 =	sadd.s32 $0x10, s14;
	vm1 =	vgt.s32 v0, $0x0  }
0x2f: {  	v2 =	vld.msk [tilespmem:s15+$0x0 ss:$0x1], $0xffff;
	v1 =	vnsel vm1, $0x0, v0  }
0x30: {  	v1 =	vmin.u32 v1, $0x3FFF;
	_ =	sdelay $0x1  }
0x31: {  	s16 =	sshll.u32 s12, $0x8;
	s18 =	simm.s32 $0x20  }
0x32: {  	s16 =	sand.u32 $0x100, s16;
	s17 =	sadd.s32 $0x10, s15;
	s15 =	sor.u32 $0x200, s14  }
0x33: {  	s14 =	sor.u32 $0x200, s16;
	s16 =	sadd.s32 $0x10, s15;
	v0 =	vld.msk [tilespmem:s17+$0x0 ss:$0x1], $0xffff;
	vm1 =	vgt.s32 v2, $0x0;
	(ifvalue) =	ssetifvalue $0x7FFFFFFF  }
.LBB2_3:
0x34: {  	[tilespmem:s15], [sflag:$0x1] =	stream.indirect_vreg.gather [hbm4b:s2+s10], $0x1, v1, vm0, $0x4038;
	[tilespmem:$0x400] =	vst v63  }
0x35: {  	s18 =	sadd.s32 $0x10, s18  }
0x36: {  	v2 =	vnsel vm1, $0x0, v2;
	p1 =	slt.u32 s18, $0xF0  }
.Ltmp3:
0x37: {  	s15 =	smov.u32 s16;
	v1 =	vmin.u32 v2, $0x3FFF;
	(pc) =	sbr.rel @p1 .LBB2_3-.Ltmp3, $3  }
0x38: {  	_ =	sdelay $0x1  }
0x39: {  	s17 =	sadd.s32 $0x10, s17  }
0x3a: {  	vm1 =	vgt.s32 v0, $0x0;
	s16 =	sadd.s32 $0x10, s16;
	v2 =	vmov v0;
	(ifvalue) =	ssetifvalue $0x7FFFFFFF;
	v0 =	vld.msk [tilespmem:s17+$0x0 ss:$0x1], $0xffff  }
.Ltmp4:
0x3b: {  	_ = 	snop;
	(pc) =	sbr.rel .LBB2_4-.Ltmp4, $1  }
0x3c: {  	_ =	sdelay $0x3  }
.LBB2_6:
0x3d: {  	_ =	sfence.sel $0x180000  }
0x3e: {  	s2 =	simm.s32 $0x2;
	[bflag:$0x0] =	sbarrier.arrive $0xFFFF  }
0x3f: {  	s30 =	simm.s32 $0x3;
	[sflag:s2] =	ssyncpa.u1 $0x1  }
0x40: {  	s31 =	simm.s32 $0x1;
	[sflag:s30] =	ssyncpa.u1 $0x1  }
0x41: {  	[sflag:s31] =	ssyncpa.u1 $0x1  }
0x42: {  	p0 =	sne.s32 s0, $0x0;
	_ =	strace $0x90000047  }
0x43: {  	s0 =	sadd.s32 @!p0 $0x100000, s1;
	[bflag:$0x2] =	sbarrier.arrive $0xFFFF  }
0x44: {  	[sflag:s0] =	ssyncadd.tile.s32 @!p0 $0x1;
	_ =	shalt  }
.Lfunc_end2:
_tile_overlayer_lowered:
.L_overlay_start_2:
0x45: {  	(tag) =	ssettag $0x2  }
0x46: {  	s0 =	rddreg [dreg:$0x0];
	s2 =	stileid.u32  }
0x47: {  	s1 =	rddreg [dreg:$0x1];
	p0 =	sne.s32 s2, $0x0  }
0x48: {  	s3 =	rddreg [dreg:$0x2];
	[bflag:$0x3] =	sbarrier.arrive $0xFFFF;
	s2 =	simm.s32 @!p0 $0x1C01  }
0x49: {  	[timem:s3], [sflag:s2] =	dma.local @!p0 [hbm:s0], s1  }
0x4a: {  	s0 =	simm.s32 @!p0 $0x1  }
0x4b: {  	_ =	swait.ge @!p0 [sflag:s0], s1  }
0x4c: {  	s1 =	ssub.s32 @!p0 $0x0, s1;
	[sflag:s0] =	ssyncset.done @!p0 $0x0  }
0x4d: {  	[sflag:s0] =	ssyncadd.s32 @!p0 s1  }
0x4e: {  	[bflag:$0x3] =	sbarrier.arrive $0xFFFF  }
0x4f: {  	_ =	shalt  }

// kernel: gather_offload_async_start.2
scs
__scs_entry_jumppad:
0x0: {  	(pc) =	sbr.rel $0x88, $3  }
0x1: {  	(tag) =	ssettag $0x0;
	lr =	simm.s32 $0x1  }
0x2: {  	[smem:$0x3F9D] =	sst lr;
	_ =	strace $0xD0000000  }
0x3: {  	_ = 	snop  }
0x4: {  	_ = 	snop  }
0x5: {  	_ = 	snop  }
0x6: {  	_ = 	snop  }
0x7: {  	_ = 	snop  }
__scs_overlays_trampoline_lowered:
0x8: {  	[smem:$0x3FAC] =	sst s0  }
0x9: {  	[smem:$0x3FAD] =	sst s1  }
0xa: {  	[smem:$0x3FAE] =	sst s2  }
0xb: {  	[smem:$0x3FAF] =	sst s3  }
0xc: {  	[smem:$0x3FB0] =	sst s4  }
0xd: {  	[smem:$0x3FB1] =	sst s5  }
0xe: {  	[smem:$0x3FB2] =	sst s6  }
0xf: {  	[smem:$0x3FB3] =	sst s7  }
0x10: {  	[smem:$0x3FB4] =	sst s8  }
0x11: {  	[smem:$0x3FB5] =	sst s9;
	s0 =	simm.s32 @!p0 $0x0  }
0x12: {  	s1 =	sld [smem:$0x3F9B];
	s0 =	simm.s32 @p0 $0x1  }
0x13: {  	[smem:$0x3FB6] =	sst s0;
	s0 =	simm.s32 @!p1 $0x0  }
0x14: {  	s2 =	sld [smem:$0x3F9A];
	s0 =	simm.s32 @p1 $0x1  }
0x15: {  	[smem:$0x3FB7] =	sst s0;
	s0 =	simm.s32 @!p2 $0x0  }
0x16: {  	s3 =	sld [smem:$0x3FDB];
	s0 =	simm.s32 @p2 $0x1  }
0x17: {  	s4 =	simm.s32 $0x1BF5;
	[smem:$0x3FB9] =	sst s0  }
0x18: {  	s0 =	sld [smem:$0x3F9C];
	_ =	swait.ge [sflag:s4], $0x0  }
0x19: {  	s7 =	sld [smem:$0x3F9D]  }
0x1a: {  	s8 =	sadd.s32 $0xFFFFE003, lr  }
0x1b: {  	s9 =	sadd.s32 $0xFFFFFEF7, lr;
	s5 =	simm.s32 $0xFFFFFFFF;
	p2 =	slt.u32 s8, $0xFFFFF086  }
0x1c: {  	p1 =	slt.u32 s9, $0xF7A;
	s5 =	simm.s32 @!p2 $0x0  }
0x1d: {  	s5 =	simm.s32 @p1 $0x1;
	p0 =	seq.s32 s7, s2  }
0x1e: {  	s7 =	smul.u32 @!p0 $0xF7A, s2;
	p2 =	seq.s32 @!p0 s5, $0x0  }
0x1f: {  	s9 =	smul.u32 $0xF7A, s1;
	s8 =	simm.s32 @!p0 $0x1BF5;
	p2 =	por !p2, p0  }
0x20: {  	[sflag:s8] =	ssyncset.s32 @!p0 $0xFFFFF086;
	s6 =	sadd.s32 @!p0 s3, s7;
	s7 =	simm.s32 @!p0 $0x108  }
0x21: {  	s3 =	sadd.s32 s3, s9;
	s6 =	sadd.s32 @!p0 $0x88, s6;
	s7 =	simm.s32 @p2 $0x1082  }
0x22: {  	[simem:s7], [sflag:s8] =	dma.local @!p0 [hbm:s6], $0xF7A  }
0x23: {  	s9 =	sor.u32 $0xD0000000, s2;
	s6 =	simm.s32 $0x108;
	_ =	swait.ge @!p0 [sflag:s8], $0x0  }
0x24: {  	s3 =	sadd.s32 $0x88, s3;
	s6 =	simm.s32 @!p1 $0x1082;
	[sflag:s4] =	ssyncset.s32 $0xFFFFF086  }
0x25: {  	[simem:s6], [sflag:s4] =	dma.local [hbm:s3], $0xF7A  }
0x26: {  	[smem:$0x3F9D] =	sst s1;
	(tag) =	ssettag s2;
	_ =	strace s9  }
0x27: {  	s1 =	sld [smem:$0x3FAD]  }
0x28: {  	s2 =	sld [smem:$0x3FAE]  }
0x29: {  	s4 =	sld [smem:$0x3FB0]  }
0x2a: {  	p0 =	seq.s32 s5, $0x0;
	s5 =	sld [smem:$0x3FB1]  }
0x2b: {  	s6 =	sld [smem:$0x3FB2]  }
0x2c: {  	s7 =	sld [smem:$0x3FB3]  }
0x2d: {  	s3 =	simm.s32 $0x108;
	s8 =	sld [smem:$0x3FB4]  }
0x2e: {  	s3 =	simm.s32 @!p0 $0x1082;
	s9 =	sld [smem:$0x3FB5]  }
0x2f: {  	lr =	sadd.s32 s0, s3;
	s0 =	sld [smem:$0x3FAC]  }
0x30: {  	s3 =	sld [smem:$0x3FAF]  }
0x31: {  	[smem:$0x3FB8] =	sst s10  }
0x32: {  	s10 =	sld [smem:$0x3FB6];
	_ =	sdelay $0x3  }
0x33: {  	p0 =	seq.s32 s10, $0x1;
	s10 =	sld [smem:$0x3FB8];
	_ =	sdelay $0x3  }
0x34: {  	[smem:$0x3FB8] =	sst s10  }
0x35: {  	s10 =	sld [smem:$0x3FB7];
	_ =	sdelay $0x3  }
0x36: {  	p1 =	seq.s32 s10, $0x1;
	s10 =	sld [smem:$0x3FB8];
	_ =	sdelay $0x3  }
0x37: {  	[smem:$0x3FB8] =	sst s10  }
0x38: {  	s10 =	sld [smem:$0x3FB9]  }
0x39: {  	_ = 	snop;
	(pc) =	sbr.ind lr, $3  }
0x3a: {  	_ = 	snop  }
0x3b: {  	_ = 	snop  }
0x3c: {  	p2 =	seq.s32 s10, $0x1;
	s10 =	sld [smem:$0x3FB8]  }
0x3d: {  	_ =	shalt  }
0x3e: {  	_ =	shalt  }
0x3f: {  	_ =	shalt  }
0x40: {  	_ =	shalt  }
0x41: {  	_ =	shalt  }
0x42: {  	_ =	shalt  }
0x43: {  	_ =	shalt  }
0x44: {  	_ =	shalt  }
0x45: {  	_ =	shalt  }
0x46: {  	_ =	shalt  }
0x47: {  	_ =	shalt  }
0x48: {  	_ =	shalt  }
0x49: {  	_ =	shalt  }
0x4a: {  	_ =	shalt  }
0x4b: {  	_ =	shalt  }
0x4c: {  	_ =	shalt  }
0x4d: {  	_ =	shalt  }
0x4e: {  	_ =	shalt  }
0x4f: {  	_ =	shalt  }
0x50: {  	_ =	shalt  }
0x51: {  	_ =	shalt  }
0x52: {  	_ =	shalt  }
0x53: {  	_ =	shalt  }
0x54: {  	_ =	shalt  }
0x55: {  	_ =	shalt  }
0x56: {  	_ =	shalt  }
0x57: {  	_ =	shalt  }
0x58: {  	_ =	shalt  }
0x59: {  	_ =	shalt  }
0x5a: {  	_ =	shalt  }
0x5b: {  	_ =	shalt  }
0x5c: {  	_ =	shalt  }
0x5d: {  	_ =	shalt  }
0x5e: {  	_ =	shalt  }
0x5f: {  	_ =	shalt  }
0x60: {  	_ =	shalt  }
0x61: {  	_ =	shalt  }
0x62: {  	_ =	shalt  }
0x63: {  	_ =	shalt  }
0x64: {  	_ =	shalt  }
0x65: {  	_ =	shalt  }
0x66: {  	_ =	shalt  }
0x67: {  	_ =	shalt  }
0x68: {  	_ =	shalt  }
0x69: {  	_ =	shalt  }
0x6a: {  	_ =	shalt  }
0x6b: {  	_ =	shalt  }
0x6c: {  	_ =	shalt  }
0x6d: {  	_ =	shalt  }
0x6e: {  	_ =	shalt  }
0x6f: {  	_ =	shalt  }
0x70: {  	_ =	shalt  }
0x71: {  	_ =	shalt  }
0x72: {  	_ =	shalt  }
0x73: {  	_ =	shalt  }
0x74: {  	_ =	shalt  }
0x75: {  	_ =	shalt  }
0x76: {  	_ =	shalt  }
0x77: {  	_ =	shalt  }
0x78: {  	_ =	shalt  }
0x79: {  	_ =	shalt  }
0x7a: {  	_ =	shalt  }
0x7b: {  	_ =	shalt  }
0x7c: {  	_ =	shalt  }
0x7d: {  	_ =	shalt  }
0x7e: {  	_ =	shalt  }
0x7f: {  	_ =	shalt  }
0x80: {  	_ =	shalt  }
0x81: {  	_ =	shalt  }
0x82: {  	_ =	shalt  }
0x83: {  	_ =	shalt  }
0x84: {  	_ =	shalt  }
0x85: {  	_ =	shalt  }
0x86: {  	_ =	shalt  }
0x87: {  	_ =	shalt  }
.Lfunc_end0:
.L_simem_size_0:
called_computation.2_lowered:
.L_overlay_start_0:
0x88: {  	s2 =	sld [smem:$0x3FD9]  }
0x89: {  	s3 =	sld [smem:$0x3FFE];
	_ =	sdelay $0x1  }
0x8a: {  	s1 =	srdreg.scid  }
0x8b: {  	s0 =	sand.u32 $0x1, s1  }
0x8c: {  	s17 =	sshll.u32 s0, $0xA;
	s2 =	sadd.s32 s3, s2  }
0x8d: {  	s2 =	sadd.s32 s2, s17  }
0x8e: {  	[smem:$0x3FC4] =	sst s2  }
0x8f: {  	_ = 	snop  }
0x90: {  	s2 =	sld [smem:$0x3FD0];
	(tm) =	ssettm $0x1  }
0x91: {  	s18 =	sld [smem:$0x3FFB];
	_ =	sdelay $0x3  }
0x92: {  	_ =	strace s18  }
0x93: {  	s3 =	sld [smem:$0x3FFC];
	_ =	sdelay $0x3  }
0x94: {  	_ =	strace s3  }
0x95: {  	s3 =	sld [smem:$0x3FFD];
	_ =	sdelay $0x3  }
0x96: {  	_ =	strace s3  }
0x97: {  	_ =	strace $0x8FFFFFFF  }
0x98: {  	s19 =	sld [smem:$0x3FDB];
	_ =	sdelay $0x1  }
0x99: {  	s4 =	simm.s32 $_scs_section_size  }
0x9a: {  	s5 =	simm.s32 $_size__tile_overlayer_lowered;
	s6 =	simm.s32 $_tile_overlayer_lowered  }
0x9b: {  	s22 =	simm.s32 $0x1BFF;
	s21 =	sshll.u32 s6, $0x1;
	s3 =	sadd.s32 s4, s19  }
0x9c: {  	s7 =	simm.s32 $0x0;
	s20 =	sshll.u32 s5, $0x1;
	s5 =	sadd.s32 s21, s3  }
0x9d: {  	[timem:s7], [sflag:s22] =	dma.local [hbm:s5], s20  }
0x9e: {  	_ =	swait.ge [sflag:s22], s20  }
0x9f: {  	s4 =	ssub.s32 $0x0, s20;
	[sflag:s22] =	ssyncset.done $0x0  }
0xa0: {  	[sflag:s22] =	ssyncadd.s32 s4;
	_ =	sdelay $0x1  }
0xa1: {  	s23 =	simm.s32 $0x1B8B  }
0xa2: {  	_ =	swait.ge [sflag:s23], $0x1  }
0xa3: {  	[sflag:s23] =	ssyncset.done $0x0  }
0xa4: {  	s25 =	simm.s32 $0x1B8E;
	s24 =	sld [smem:$0x3FFE];
	[sflag:s23] =	ssyncadd.s32 $0xFFFFFFFF  }
0xa5: {  	s26 =	simm.s32 $execute0_lowered;
	[smem:$0x3FD2] =	sst s25  }
0xa6: {  	s5 =	sshll.u32 s26, $0x1;
	_ =	strace $0x8000004F;
	[dreg:$0x1] =	wrdreg $0xFFFFFFFF  }
0xa7: {  	s28 =	simm.s32 $_size_execute0_lowered;
	s3 =	sadd.s32 s3, s5;
	[dreg:$0x0] =	wrdreg $0x0  }
0xa8: {  	s5 =	sshll.u32 s28, $0x1;
	[dreg:$0x2] =	wrdreg s3  }
0xa9: {  	[dreg:$0x3] =	wrdreg s5  }
0xaa: {  	[dreg:$0x4] =	wrdreg $0xC0  }
0xab: {  	_ =	task [dreg:s7], $0x5FFFF  }
0xac: {  	[dreg:$0x1] =	wrdreg $0xFFFFFFFF  }
0xad: {  	[dreg:$0x0] =	wrdreg $0x60  }
0xae: {  	[dreg:$0x2] =	wrdreg s24  }
0xaf: {  	[dreg:$0x3] =	wrdreg s2  }
0xb0: {  	[dreg:$0x4] =	wrdreg $0x9  }
0xb1: {  	_ =	task.clear_ibuf [dreg:s7], $0x5FFFF;
	_ =	strace $0x9000004F  }
0xb2: {  	s29 =	simm.s32 $0x9;
	_ =	strace $0x80000051  }
0xb3: {  	_ =	swait.ge [sflag:s29], $0x1  }
0xb4: {  	[sflag:s29] =	ssyncadd.s32 $0xFFFFFFFF  }
0xb5: {  	_ =	strace $0x90000051  }
0xb6: {  	_ =	sfence  }
0xb7: {  	s30 =	sld [smem:$0x0];
	_ =	sdelay $0x2  }
0xb8: {  	s31 =	sshll.u32 s1, $0xD;
	s1 =	sshrl.u32 s1, $0x2  }
0xb9: {  	s3 =	sand.u32 $0x4000, s31;
	s1 =	sadd.s32 s1, s30  }
0xba: {  	s0 =	sor.u32 s3, s0;
	s1 =	sshll.u32 s1, $0x11  }
0xbb: {  	s0 =	sor.u32 s1, s0  }
0xbc: {  	s0 =	sadd.s32 $0x8F2B, s0  }
0xbd: {  	[sflag:s0] =	ssyncadd.remote.s32 $0x1  }
0xbe: {  	_ =	sfence.sel $0xFFFF  }
0xbf: {  	[dreg:$0x0] =	wrdreg $0xFFFFFFFF;
	(pc) =	sbr.abs _section_cstart, $3  }
0xc0: {  	[dreg:$0x1] =	wrdreg $0xFFFFFFFF  }
0xc1: {  	_ =	task.clear_ibuf [dreg:s7], $0x2FFFF;
	_ =	strace $0x9FFFFFFF  }
0xc2: {  	(tm) =	ssettm $0x7FFFFFFF  }
0xc3: {  	_ =	shalt  }
tec
execute0_lowered:
.L_overlay_start_1:
0x0: {  	(tag) =	ssettag $0x1  }
0x1: {  	s1 =	srdreg.scid;
	s2 =	rddreg [dreg:$0x0]  }
0x2: {  	s0 =	stileid.u32;
	s3 =	rddreg [dreg:$0x1]  }
0x3: {  	s6 =	simm.s32 $0x1;
	s9 =	simm.s32 $0x1;
	s1 =	sshll.u32 s1, $0x8  }
0x4: {  	s10 =	simm.s32 $0x3;
	s4 =	sshll.u32 s0, $0x9;
	s5 =	sand.u32 $0x100, s1  }
0x5: {  	s13 =	simm.s32 $0x0;
	s12 =	simm.s32 $0x0;
	s4 =	sor.u32 s4, s5  }
0x6: {  	s1 =	rddreg [dreg:$0x2];
	_ =	strace $0x80000050;
	s8 =	ssub.s32 $0x4000, s4  }
.Ltmp0:
0x7: {  	s5 =	sadd.s32 $0x1000, s2;
	s7 =	sand.u32 $0x1F00, s8;
	(pc) =	sbr.rel .LBB2_1-.Ltmp0, $4  }
0x8: {  	[sflag:s6] =	ssyncpa.u1 $0x0;
	s11 =	smov.u32 s4;
	p0 =	sne.s32 s7, $0x0  }
0x9: {  	s8 =	sshrl.u32 s8, $0xD;
	s7 =	simm.s32 $0x2;
	s9 =	simm.s32 @!p0 $0x0  }
0xa: {  	[sflag:s7] =	ssyncpa.u1 $0x0;
	p0 =	por $0x0, $0x0;
	s8 =	sadd.s32 s9, s8  }
0xb: {  	vm0 =	vmmov $0xffff;
	[sflag:s10] =	ssyncpa.u1 $0x0;
	s10 =	simm.s32 $0x0;
	s9 =	sadd.s32 $0x1, s8  }
.LBB2_4:
0xc: {  	v2 =	vnsel vm1, $0x0, v2  }
0xd: {  	vm1 =	vgt.s32 v0, $0x0;
	v2 =	vmin.u32 v2, $0x3FFF  }
0xe: {  	v0 =	vnsel vm1, $0x0, v0  }
0xf: {  	v0 =	vmin.u32 v0, $0x3FFF  }
0x10: {  	[tilespmem:s15], [sflag:$0x1] =	stream.indirect_vreg.gather [hbm4b:s5+s10], $0x1, v1, vm0, $0x4038;
	[tilespmem:$0x400] =	vst v63  }
0x11: {  	(ifvalue) =	ssetifvalue $0x7FFFFFFF  }
0x12: {  	[tilespmem:s16], [sflag:$0x1] =	stream.indirect_vreg.gather [hbm4b:s5+s10], $0x1, v2, vm0, $0x4038;
	[tilespmem:$0x400] =	vst v63  }
0x13: {  	s29 =	sadd.s32 $0x10, s16;
	(ifvalue) =	ssetifvalue $0x7FFFFFFF  }
0x14: {  	[tilespmem:s29], [sflag:$0x1] =	stream.indirect_vreg.gather [hbm4b:s5+s10], $0x1, v0, vm0, $0x4038;
	[tilespmem:$0x400] =	vst v63  }
0x15: {  	_ =	swait.ge [sflag:s6], $0x100  }
0x16: {  	s30 =	sshrl.u32 s13, $0x3;
	[sflag:s6] =	ssyncset.done $0x0  }
0x17: {  	s31 =	sand.u32 $0x7, s13;
	s15 =	sadd.s32 s3, s30;
	[sflag:s6] =	ssyncadd.s32 $0xFFFFFF00  }
0x18: {  	[hbm4b:s15+s31] =	stream.linear.scatter [tilespmem:s14], [sflag:$0x3], $0x100, $0x38;
	[tilespmem:$0x400] =	vst v63  }
.LBB2_5:
0x19: {  	s15 =	sadd.s32 $0x2000, s11  }
0x1a: {  	p2 =	sgt.s32 s15, $0x3FFF  }
0x1b: {  	s15 =	smov.u32 @p2 s4;
	p2 =	sne.s32 s12, s9  }
.Ltmp1:
0x1c: {  	p1 =	slt.u32 s12, $0x2;
	(pc) =	sbr.rel @!p2 .LBB2_6-.Ltmp1, $4  }
0x1d: {  	s14 =	simm.s32 @!p1 $0x3  }
0x1e: {  	s16 =	sadd.s32 $0x1, s12;
	_ =	swait.ge @!p1 [sflag:s14], $0x100  }
0x1f: {  	s13 =	smov.u32 s11;
	p0 =	por !p0, !p0;
	[sflag:s14] =	ssyncset.done @!p1 $0x0  }
0x20: {  	s12 =	smov.u32 s16;
	s11 =	smov.u32 s15;
	[sflag:s14] =	ssyncadd.s32 @!p1 $0xFFFFFF00  }
.LBB2_1:
0x21: {  	p1 =	sge.u32 s12, s8  }
0x22: {  	s14 =	sxor.u32 @!p1 $0xFFFFFFFF, s12  }
0x23: {  	s31 =	sadd.s32 $0xFFFFFFFF, s12;
	s15 =	sshrl.u32 @!p1 s11, $0x3;
	s14 =	sshll.u32 @!p1 s14, $0x8  }
0x24: {  	s16 =	sand.u32 @!p1 $0x7, s11;
	s15 =	sadd.s32 @!p1 s2, s15;
	s14 =	sand.u32 @!p1 $0x100, s14  }
0x25: {  	[tilespmem:s14], [sflag:$0x2] =	stream.linear.gather @!p1 [hbm4b:s15+s16], $0x100, $0x38;
	[tilespmem:$0x400] =	vst v63  }
0x26: {  	p1 =	sge.u32 s31, s8  }
.Ltmp2:
0x27: {  	_ = 	snop;
	(pc) =	sbr.rel @p1 .LBB2_5-.Ltmp2, $1  }
0x28: {  	_ =	sdelay $0x3  }
0x29: {  	s14 =	simm.s32 $0x1  }
0x2a: {  	_ =	swait.ge [sflag:s7], $0x100;
	s14 =	simm.s32 @!p0 $0x0  }
0x2b: {  	[sflag:s7] =	ssyncset.done $0x0;
	s14 =	sshll.u32 s14, $0x8  }
0x2c: {  	[sflag:s7] =	ssyncadd.s32 $0xFFFFFF00;
	(ifvalue) =	ssetifvalue $0x7FFFFFFF;
	v0 =	vld.msk [tilespmem:s14+$0x0 ss:$0x1], $0xffff;
	_ =	sdelay $0x4  }
0x2d: {  	s15 =	sadd.s32 $0x10, s14;
	vm1 =	vgt.s32 v0, $0x0  }
0x2e: {  	v2 =	vld.msk [tilespmem:s15+$0x0 ss:$0x1], $0xffff;
	v1 =	vnsel vm1, $0x0, v0  }
0x2f: {  	v1 =	vmin.u32 v1, $0x3FFF;
	_ =	sdelay $0x1  }
0x30: {  	s16 =	sshll.u32 s12, $0x8;
	s18 =	simm.s32 $0x20  }
0x31: {  	s16 =	sand.u32 $0x100, s16;
	s17 =	sadd.s32 $0x10, s15;
	s15 =	sor.u32 $0x200, s14  }
0x32: {  	s14 =	sor.u32 $0x200, s16;
	s16 =	sadd.s32 $0x10, s15;
	v0 =	vld.msk [tilespmem:s17+$0x0 ss:$0x1], $0xffff;
	vm1 =	vgt.s32 v2, $0x0;
	(ifvalue) =	ssetifvalue $0x7FFFFFFF  }
.LBB2_3:
0x33: {  	[tilespmem:s15], [sflag:$0x1] =	stream.indirect_vreg.gather [hbm4b:s5+s10], $0x1, v1, vm0, $0x4038;
	[tilespmem:$0x400] =	vst v63  }
0x34: {  	s18 =	sadd.s32 $0x10, s18  }
0x35: {  	v2 =	vnsel vm1, $0x0, v2;
	p1 =	slt.u32 s18, $0xF0  }
.Ltmp3:
0x36: {  	s15 =	smov.u32 s16;
	v1 =	vmin.u32 v2, $0x3FFF;
	(pc) =	sbr.rel @p1 .LBB2_3-.Ltmp3, $3  }
0x37: {  	_ =	sdelay $0x1  }
0x38: {  	s17 =	sadd.s32 $0x10, s17  }
0x39: {  	vm1 =	vgt.s32 v0, $0x0;
	s16 =	sadd.s32 $0x10, s16;
	v2 =	vmov v0;
	(ifvalue) =	ssetifvalue $0x7FFFFFFF;
	v0 =	vld.msk [tilespmem:s17+$0x0 ss:$0x1], $0xffff  }
.Ltmp4:
0x3a: {  	_ = 	snop;
	(pc) =	sbr.rel .LBB2_4-.Ltmp4, $1  }
0x3b: {  	_ =	sdelay $0x3  }
.LBB2_6:
0x3c: {  	_ =	sfence.sel $0x180000  }
0x3d: {  	s2 =	simm.s32 $0x2;
	[bflag:$0x0] =	sbarrier.arrive $0xFFFF  }
0x3e: {  	s30 =	simm.s32 $0x3;
	[sflag:s2] =	ssyncpa.u1 $0x1  }
0x3f: {  	s31 =	simm.s32 $0x1;
	[sflag:s30] =	ssyncpa.u1 $0x1  }
0x40: {  	[sflag:s31] =	ssyncpa.u1 $0x1  }
0x41: {  	p0 =	sne.s32 s0, $0x0;
	_ =	strace $0x90000050  }
0x42: {  	s0 =	sadd.s32 @!p0 $0x100000, s1;
	[bflag:$0x2] =	sbarrier.arrive $0xFFFF  }
0x43: {  	[sflag:s0] =	ssyncadd.tile.s32 @!p0 $0x1;
	_ =	shalt  }
.Lfunc_end2:
_tile_overlayer_lowered:
.L_overlay_start_2:
0x44: {  	(tag) =	ssettag $0x2  }
0x45: {  	s0 =	rddreg [dreg:$0x0];
	s2 =	stileid.u32  }
0x46: {  	s1 =	rddreg [dreg:$0x1];
	p0 =	sne.s32 s2, $0x0  }
0x47: {  	s3 =	rddreg [dreg:$0x2];
	[bflag:$0x3] =	sbarrier.arrive $0xFFFF;
	s2 =	simm.s32 @!p0 $0x1C01  }
0x48: {  	[timem:s3], [sflag:s2] =	dma.local @!p0 [hbm:s0], s1  }
0x49: {  	s0 =	simm.s32 @!p0 $0x1  }
0x4a: {  	_ =	swait.ge @!p0 [sflag:s0], s1  }
0x4b: {  	s1 =	ssub.s32 @!p0 $0x0, s1;
	[sflag:s0] =	ssyncset.done @!p0 $0x0  }
0x4c: {  	[sflag:s0] =	ssyncadd.s32 @!p0 s1  }
0x4d: {  	[bflag:$0x3] =	sbarrier.arrive $0xFFFF  }
0x4e: {  	_ =	shalt  }

// kernel: gather_offload_async_start
scs
__scs_entry_jumppad:
0x0: {  	(pc) =	sbr.rel $0x88, $3  }
0x1: {  	(tag) =	ssettag $0x0;
	lr =	simm.s32 $0x1  }
0x2: {  	[smem:$0x3F9D] =	sst lr;
	_ =	strace $0xD0000000  }
0x3: {  	_ = 	snop  }
0x4: {  	_ = 	snop  }
0x5: {  	_ = 	snop  }
0x6: {  	_ = 	snop  }
0x7: {  	_ = 	snop  }
__scs_overlays_trampoline_lowered:
0x8: {  	[smem:$0x3FAC] =	sst s0  }
0x9: {  	[smem:$0x3FAD] =	sst s1  }
0xa: {  	[smem:$0x3FAE] =	sst s2  }
0xb: {  	[smem:$0x3FAF] =	sst s3  }
0xc: {  	[smem:$0x3FB0] =	sst s4  }
0xd: {  	[smem:$0x3FB1] =	sst s5  }
0xe: {  	[smem:$0x3FB2] =	sst s6  }
0xf: {  	[smem:$0x3FB3] =	sst s7  }
0x10: {  	[smem:$0x3FB4] =	sst s8  }
0x11: {  	[smem:$0x3FB5] =	sst s9;
	s0 =	simm.s32 @!p0 $0x0  }
0x12: {  	s1 =	sld [smem:$0x3F9B];
	s0 =	simm.s32 @p0 $0x1  }
0x13: {  	[smem:$0x3FB6] =	sst s0;
	s0 =	simm.s32 @!p1 $0x0  }
0x14: {  	s2 =	sld [smem:$0x3F9A];
	s0 =	simm.s32 @p1 $0x1  }
0x15: {  	[smem:$0x3FB7] =	sst s0;
	s0 =	simm.s32 @!p2 $0x0  }
0x16: {  	s3 =	sld [smem:$0x3FDB];
	s0 =	simm.s32 @p2 $0x1  }
0x17: {  	s4 =	simm.s32 $0x1BF5;
	[smem:$0x3FB9] =	sst s0  }
0x18: {  	s0 =	sld [smem:$0x3F9C];
	_ =	swait.ge [sflag:s4], $0x0  }
0x19: {  	s7 =	sld [smem:$0x3F9D]  }
0x1a: {  	s8 =	sadd.s32 $0xFFFFE003, lr  }
0x1b: {  	s9 =	sadd.s32 $0xFFFFFEF7, lr;
	s5 =	simm.s32 $0xFFFFFFFF;
	p2 =	slt.u32 s8, $0xFFFFF086  }
0x1c: {  	p1 =	slt.u32 s9, $0xF7A;
	s5 =	simm.s32 @!p2 $0x0  }
0x1d: {  	s5 =	simm.s32 @p1 $0x1;
	p0 =	seq.s32 s7, s2  }
0x1e: {  	s7 =	smul.u32 @!p0 $0xF7A, s2;
	p2 =	seq.s32 @!p0 s5, $0x0  }
0x1f: {  	s9 =	smul.u32 $0xF7A, s1;
	s8 =	simm.s32 @!p0 $0x1BF5;
	p2 =	por !p2, p0  }
0x20: {  	[sflag:s8] =	ssyncset.s32 @!p0 $0xFFFFF086;
	s6 =	sadd.s32 @!p0 s3, s7;
	s7 =	simm.s32 @!p0 $0x108  }
0x21: {  	s3 =	sadd.s32 s3, s9;
	s6 =	sadd.s32 @!p0 $0x88, s6;
	s7 =	simm.s32 @p2 $0x1082  }
0x22: {  	[simem:s7], [sflag:s8] =	dma.local @!p0 [hbm:s6], $0xF7A  }
0x23: {  	s9 =	sor.u32 $0xD0000000, s2;
	s6 =	simm.s32 $0x108;
	_ =	swait.ge @!p0 [sflag:s8], $0x0  }
0x24: {  	s3 =	sadd.s32 $0x88, s3;
	s6 =	simm.s32 @!p1 $0x1082;
	[sflag:s4] =	ssyncset.s32 $0xFFFFF086  }
0x25: {  	[simem:s6], [sflag:s4] =	dma.local [hbm:s3], $0xF7A  }
0x26: {  	[smem:$0x3F9D] =	sst s1;
	(tag) =	ssettag s2;
	_ =	strace s9  }
0x27: {  	s1 =	sld [smem:$0x3FAD]  }
0x28: {  	s2 =	sld [smem:$0x3FAE]  }
0x29: {  	s4 =	sld [smem:$0x3FB0]  }
0x2a: {  	p0 =	seq.s32 s5, $0x0;
	s5 =	sld [smem:$0x3FB1]  }
0x2b: {  	s6 =	sld [smem:$0x3FB2]  }
0x2c: {  	s7 =	sld [smem:$0x3FB3]  }
0x2d: {  	s3 =	simm.s32 $0x108;
	s8 =	sld [smem:$0x3FB4]  }
0x2e: {  	s3 =	simm.s32 @!p0 $0x1082;
	s9 =	sld [smem:$0x3FB5]  }
0x2f: {  	lr =	sadd.s32 s0, s3;
	s0 =	sld [smem:$0x3FAC]  }
0x30: {  	s3 =	sld [smem:$0x3FAF]  }
0x31: {  	[smem:$0x3FB8] =	sst s10  }
0x32: {  	s10 =	sld [smem:$0x3FB6];
	_ =	sdelay $0x3  }
0x33: {  	p0 =	seq.s32 s10, $0x1;
	s10 =	sld [smem:$0x3FB8];
	_ =	sdelay $0x3  }
0x34: {  	[smem:$0x3FB8] =	sst s10  }
0x35: {  	s10 =	sld [smem:$0x3FB7];
	_ =	sdelay $0x3  }
0x36: {  	p1 =	seq.s32 s10, $0x1;
	s10 =	sld [smem:$0x3FB8];
	_ =	sdelay $0x3  }
0x37: {  	[smem:$0x3FB8] =	sst s10  }
0x38: {  	s10 =	sld [smem:$0x3FB9]  }
0x39: {  	_ = 	snop;
	(pc) =	sbr.ind lr, $3  }
0x3a: {  	_ = 	snop  }
0x3b: {  	_ = 	snop  }
0x3c: {  	p2 =	seq.s32 s10, $0x1;
	s10 =	sld [smem:$0x3FB8]  }
0x3d: {  	_ =	shalt  }
0x3e: {  	_ =	shalt  }
0x3f: {  	_ =	shalt  }
0x40: {  	_ =	shalt  }
0x41: {  	_ =	shalt  }
0x42: {  	_ =	shalt  }
0x43: {  	_ =	shalt  }
0x44: {  	_ =	shalt  }
0x45: {  	_ =	shalt  }
0x46: {  	_ =	shalt  }
0x47: {  	_ =	shalt  }
0x48: {  	_ =	shalt  }
0x49: {  	_ =	shalt  }
0x4a: {  	_ =	shalt  }
0x4b: {  	_ =	shalt  }
0x4c: {  	_ =	shalt  }
0x4d: {  	_ =	shalt  }
0x4e: {  	_ =	shalt  }
0x4f: {  	_ =	shalt  }
0x50: {  	_ =	shalt  }
0x51: {  	_ =	shalt  }
0x52: {  	_ =	shalt  }
0x53: {  	_ =	shalt  }
0x54: {  	_ =	shalt  }
0x55: {  	_ =	shalt  }
0x56: {  	_ =	shalt  }
0x57: {  	_ =	shalt  }
0x58: {  	_ =	shalt  }
0x59: {  	_ =	shalt  }
0x5a: {  	_ =	shalt  }
0x5b: {  	_ =	shalt  }
0x5c: {  	_ =	shalt  }
0x5d: {  	_ =	shalt  }
0x5e: {  	_ =	shalt  }
0x5f: {  	_ =	shalt  }
0x60: {  	_ =	shalt  }
0x61: {  	_ =	shalt  }
0x62: {  	_ =	shalt  }
0x63: {  	_ =	shalt  }
0x64: {  	_ =	shalt  }
0x65: {  	_ =	shalt  }
0x66: {  	_ =	shalt  }
0x67: {  	_ =	shalt  }
0x68: {  	_ =	shalt  }
0x69: {  	_ =	shalt  }
0x6a: {  	_ =	shalt  }
0x6b: {  	_ =	shalt  }
0x6c: {  	_ =	shalt  }
0x6d: {  	_ =	shalt  }
0x6e: {  	_ =	shalt  }
0x6f: {  	_ =	shalt  }
0x70: {  	_ =	shalt  }
0x71: {  	_ =	shalt  }
0x72: {  	_ =	shalt  }
0x73: {  	_ =	shalt  }
0x74: {  	_ =	shalt  }
0x75: {  	_ =	shalt  }
0x76: {  	_ =	shalt  }
0x77: {  	_ =	shalt  }
0x78: {  	_ =	shalt  }
0x79: {  	_ =	shalt  }
0x7a: {  	_ =	shalt  }
0x7b: {  	_ =	shalt  }
0x7c: {  	_ =	shalt  }
0x7d: {  	_ =	shalt  }
0x7e: {  	_ =	shalt  }
0x7f: {  	_ =	shalt  }
0x80: {  	_ =	shalt  }
0x81: {  	_ =	shalt  }
0x82: {  	_ =	shalt  }
0x83: {  	_ =	shalt  }
0x84: {  	_ =	shalt  }
0x85: {  	_ =	shalt  }
0x86: {  	_ =	shalt  }
0x87: {  	_ =	shalt  }
.Lfunc_end0:
.L_simem_size_0:
called_computation_lowered:
.L_overlay_start_0:
0x88: {  	s2 =	sld [smem:$0x3FD9]  }
0x89: {  	s3 =	sld [smem:$0x3FFE];
	_ =	sdelay $0x1  }
0x8a: {  	s1 =	srdreg.scid  }
0x8b: {  	s0 =	sand.u32 $0x1, s1  }
0x8c: {  	s17 =	sshll.u32 s0, $0xA;
	s2 =	sadd.s32 s3, s2  }
0x8d: {  	s2 =	sadd.s32 s2, s17  }
0x8e: {  	[smem:$0x3FC4] =	sst s2  }
0x8f: {  	_ = 	snop  }
0x90: {  	s18 =	sld [smem:$0x3FC9]  }
0x91: {  	s4 =	sld [smem:$0x3FD0];
	(tm) =	ssettm $0x1  }
0x92: {  	s19 =	sld [smem:$0x3FFB];
	_ =	sdelay $0x3  }
0x93: {  	_ =	strace s19  }
0x94: {  	s2 =	sld [smem:$0x3FFC];
	_ =	sdelay $0x3  }
0x95: {  	_ =	strace s2  }
0x96: {  	s2 =	sld [smem:$0x3FFD];
	_ =	sdelay $0x3  }
0x97: {  	_ =	strace s2  }
0x98: {  	_ =	strace $0x8FFFFFFF  }
0x99: {  	s20 =	sld [smem:$0x3FDB];
	_ =	sdelay $0x1  }
0x9a: {  	s5 =	simm.s32 $_scs_section_size  }
0x9b: {  	s6 =	simm.s32 $_size__tile_overlayer_lowered;
	s7 =	simm.s32 $_tile_overlayer_lowered  }
0x9c: {  	s8 =	simm.s32 $0x1BFF;
	s21 =	sshll.u32 s7, $0x1;
	s5 =	sadd.s32 s5, s20  }
0x9d: {  	s22 =	simm.s32 $0x0;
	s6 =	sshll.u32 s6, $0x1;
	s7 =	sadd.s32 s21, s5  }
0x9e: {  	[timem:s22], [sflag:s8] =	dma.local [hbm:s7], s6  }
0x9f: {  	_ =	swait.ge [sflag:s8], s6  }
0xa0: {  	s6 =	ssub.s32 $0x0, s6;
	[sflag:s8] =	ssyncset.done $0x0  }
0xa1: {  	[sflag:s8] =	ssyncadd.s32 s6;
	_ =	sdelay $0x1  }
0xa2: {  	s23 =	simm.s32 $0x1B8B  }
0xa3: {  	_ =	swait.ge [sflag:s23], $0x1  }
0xa4: {  	[sflag:s23] =	ssyncset.done $0x0  }
0xa5: {  	[sflag:s23] =	ssyncadd.s32 $0xFFFFFFFF  }
0xa6: {  	s6 =	sld [smem:$0x0]  }
0xa7: {  	s7 =	sand.u32 $0xFFFFFFFE, s1  }
0xa8: {  	p0 =	sne.s32 s1, s7  }
0xa9: {  	s7 =	sshll.u32 @p0 s7, $0xE  }
0xaa: {  	s7 =	sadd.s32 @p0 $0x11B8D, s7;
	s8 =	sshll.u32 @p0 s6, $0x11  }
0xab: {  	s7 =	sor.u32 @p0 s8, s7  }
0xac: {  	[sflag:s7] =	ssyncadd.remote.s32 @p0 $0x1;
	_ =	sdelay $0x1  }
0xad: {  	s7 =	simm.s32 @p0 $0x1B8D  }
0xae: {  	_ =	swait.eq @p0 [sflag:s7], $0x1  }
0xaf: {  	[sflag:s7] =	ssyncadd.s32 @p0 $0xFFFFFFFF  }
0xb0: {  	s8 =	sshll.u32 @!p0 s1, $0xE  }
0xb1: {  	s8 =	sor.u32 @!p0 $0x4000, s8;
	s7 =	simm.s32 @!p0 $0x1B8D  }
0xb2: {  	s6 =	sshll.u32 @!p0 s6, $0x11;
	s8 =	sadd.s32 @!p0 $0x11B8D, s8;
	_ =	swait.eq @!p0 [sflag:s7], $0x1  }
0xb3: {  	s6 =	sor.u32 @!p0 s6, s8;
	[sflag:s7] =	ssyncadd.s32 @!p0 $0xFFFFFFFF  }
0xb4: {  	s25 =	simm.s32 $0x1B8E;
	s24 =	sld [smem:$0x3FFE];
	[sflag:s6] =	ssyncadd.remote.s32 @!p0 $0x1  }
0xb5: {  	s26 =	simm.s32 $execute0_lowered;
	[smem:$0x3FD2] =	sst s25  }
0xb6: {  	s7 =	sshll.u32 s26, $0x1;
	_ =	strace $0x80000049;
	[dreg:$0x1] =	wrdreg $0xFFFFFFFF  }
0xb7: {  	s28 =	simm.s32 $_size_execute0_lowered;
	s5 =	sadd.s32 s5, s7;
	[dreg:$0x0] =	wrdreg $0x0  }
0xb8: {  	s7 =	sshll.u32 s28, $0x1;
	[dreg:$0x2] =	wrdreg s5  }
0xb9: {  	[dreg:$0x3] =	wrdreg s7  }
0xba: {  	[dreg:$0x4] =	wrdreg $0xC0  }
0xbb: {  	_ =	task [dreg:s22], $0x5FFFF  }
0xbc: {  	[dreg:$0x1] =	wrdreg $0xFFFFFFFF  }
0xbd: {  	[dreg:$0x0] =	wrdreg $0x60  }
0xbe: {  	[dreg:$0x2] =	wrdreg s18  }
0xbf: {  	[dreg:$0x3] =	wrdreg s4  }
0xc0: {  	[dreg:$0x4] =	wrdreg s24  }
0xc1: {  	[dreg:$0x5] =	wrdreg $0x9  }
0xc2: {  	_ =	task.clear_ibuf [dreg:s22], $0x6FFFF;
	_ =	strace $0x90000049  }
0xc3: {  	s29 =	simm.s32 $0x9;
	_ =	strace $0x8000004B  }
0xc4: {  	_ =	swait.ge [sflag:s29], $0x1  }
0xc5: {  	[sflag:s29] =	ssyncadd.s32 $0xFFFFFFFF  }
0xc6: {  	_ =	strace $0x9000004B  }
0xc7: {  	_ =	sfence  }
0xc8: {  	s30 =	sld [smem:$0x0];
	_ =	sdelay $0x2  }
0xc9: {  	s31 =	sshll.u32 s1, $0xD;
	s1 =	sshrl.u32 s1, $0x2  }
0xca: {  	s4 =	sand.u32 $0x4000, s31;
	s1 =	sadd.s32 s1, s30  }
0xcb: {  	s0 =	sor.u32 s4, s0;
	s1 =	sshll.u32 s1, $0x11  }
0xcc: {  	s0 =	sor.u32 s1, s0  }
0xcd: {  	s0 =	sadd.s32 $0x8F2B, s0  }
0xce: {  	[sflag:s0] =	ssyncadd.remote.s32 $0x1  }
0xcf: {  	_ =	sfence.sel $0xFFFF  }
0xd0: {  	[dreg:$0x0] =	wrdreg $0xFFFFFFFF;
	(pc) =	sbr.abs _section_cstart, $3  }
0xd1: {  	[dreg:$0x1] =	wrdreg $0xFFFFFFFF  }
0xd2: {  	_ =	task.clear_ibuf [dreg:s22], $0x2FFFF;
	_ =	strace $0x9FFFFFFF  }
0xd3: {  	(tm) =	ssettm $0x7FFFFFFF  }
tec
execute0_lowered:
.L_overlay_start_1:
0x0: {  	(tag) =	ssettag $0x1  }
0x1: {  	s2 =	rddreg [dreg:$0x0]  }
0x2: {  	s1 =	srdreg.scid;
	s3 =	rddreg [dreg:$0x1]  }
0x3: {  	s0 =	stileid.u32;
	s5 =	rddreg [dreg:$0x2]  }
0x4: {  	s9 =	simm.s32 $0x1;
	s10 =	simm.s32 $0x3;
	s1 =	sshll.u32 s1, $0x8  }
0x5: {  	s13 =	simm.s32 $0x0;
	s4 =	sshll.u32 s0, $0x9;
	s6 =	sand.u32 $0x100, s1  }
0x6: {  	s12 =	simm.s32 $0x0;
	s5 =	sadd.s32 $0x1000, s5;
	s4 =	sor.u32 s4, s6  }
0x7: {  	s1 =	rddreg [dreg:$0x3];
	_ =	strace $0x8000004A;
	s8 =	ssub.s32 $0x4000, s4  }
.Ltmp0:
0x8: {  	s6 =	simm.s32 $0x1;
	s7 =	sand.u32 $0x1F00, s8;
	(pc) =	sbr.rel .LBB2_1-.Ltmp0, $4  }
0x9: {  	[sflag:s6] =	ssyncpa.u1 $0x0;
	s11 =	smov.u32 s4;
	p0 =	sne.s32 s7, $0x0  }
0xa: {  	s8 =	sshrl.u32 s8, $0xD;
	s7 =	simm.s32 $0x2;
	s9 =	simm.s32 @!p0 $0x0  }
0xb: {  	[sflag:s7] =	ssyncpa.u1 $0x0;
	p0 =	por $0x0, $0x0;
	s8 =	sadd.s32 s9, s8  }
0xc: {  	vm0 =	vmmov $0xffff;
	[sflag:s10] =	ssyncpa.u1 $0x0;
	s10 =	simm.s32 $0x0;
	s9 =	sadd.s32 $0x1, s8  }
.LBB2_4:
0xd: {  	v2 =	vnsel vm1, $0x0, v2  }
0xe: {  	vm1 =	vgt.s32 v0, $0x0;
	v2 =	vmin.u32 v2, $0x3FFF  }
0xf: {  	v0 =	vnsel vm1, $0x0, v0  }
0x10: {  	v0 =	vmin.u32 v0, $0x3FFF  }
0x11: {  	[tilespmem:s15], [sflag:$0x1] =	stream.indirect_vreg.gather [hbm4b:s2+s10], $0x1, v1, vm0, $0x4038;
	[tilespmem:$0x400] =	vst v63  }
0x12: {  	(ifvalue) =	ssetifvalue $0x7FFFFFFF  }
0x13: {  	[tilespmem:s16], [sflag:$0x1] =	stream.indirect_vreg.gather [hbm4b:s2+s10], $0x1, v2, vm0, $0x4038;
	[tilespmem:$0x400] =	vst v63  }
0x14: {  	s29 =	sadd.s32 $0x10, s16;
	(ifvalue) =	ssetifvalue $0x7FFFFFFF  }
0x15: {  	[tilespmem:s29], [sflag:$0x1] =	stream.indirect_vreg.gather [hbm4b:s2+s10], $0x1, v0, vm0, $0x4038;
	[tilespmem:$0x400] =	vst v63  }
0x16: {  	_ =	swait.ge [sflag:s6], $0x100  }
0x17: {  	s30 =	sshrl.u32 s13, $0x3;
	[sflag:s6] =	ssyncset.done $0x0  }
0x18: {  	s31 =	sand.u32 $0x7, s13;
	s15 =	sadd.s32 s5, s30;
	[sflag:s6] =	ssyncadd.s32 $0xFFFFFF00  }
0x19: {  	[hbm4b:s15+s31] =	stream.linear.scatter [tilespmem:s14], [sflag:$0x3], $0x100, $0x38;
	[tilespmem:$0x400] =	vst v63  }
.LBB2_5:
0x1a: {  	s15 =	sadd.s32 $0x2000, s11  }
0x1b: {  	p2 =	sgt.s32 s15, $0x3FFF  }
0x1c: {  	s15 =	smov.u32 @p2 s4;
	p2 =	sne.s32 s12, s9  }
.Ltmp1:
0x1d: {  	p1 =	slt.u32 s12, $0x2;
	(pc) =	sbr.rel @!p2 .LBB2_6-.Ltmp1, $4  }
0x1e: {  	s14 =	simm.s32 @!p1 $0x3  }
0x1f: {  	s16 =	sadd.s32 $0x1, s12;
	_ =	swait.ge @!p1 [sflag:s14], $0x100  }
0x20: {  	s13 =	smov.u32 s11;
	p0 =	por !p0, !p0;
	[sflag:s14] =	ssyncset.done @!p1 $0x0  }
0x21: {  	s12 =	smov.u32 s16;
	s11 =	smov.u32 s15;
	[sflag:s14] =	ssyncadd.s32 @!p1 $0xFFFFFF00  }
.LBB2_1:
0x22: {  	p1 =	sge.u32 s12, s8  }
0x23: {  	s14 =	sxor.u32 @!p1 $0xFFFFFFFF, s12  }
0x24: {  	s31 =	sadd.s32 $0xFFFFFFFF, s12;
	s15 =	sshrl.u32 @!p1 s11, $0x3;
	s14 =	sshll.u32 @!p1 s14, $0x8  }
0x25: {  	s16 =	sand.u32 @!p1 $0x7, s11;
	s15 =	sadd.s32 @!p1 s3, s15;
	s14 =	sand.u32 @!p1 $0x100, s14  }
0x26: {  	[tilespmem:s14], [sflag:$0x2] =	stream.linear.gather @!p1 [hbm4b:s15+s16], $0x100, $0x38;
	[tilespmem:$0x400] =	vst v63  }
0x27: {  	p1 =	sge.u32 s31, s8  }
.Ltmp2:
0x28: {  	_ = 	snop;
	(pc) =	sbr.rel @p1 .LBB2_5-.Ltmp2, $1  }
0x29: {  	_ =	sdelay $0x3  }
0x2a: {  	s14 =	simm.s32 $0x1  }
0x2b: {  	_ =	swait.ge [sflag:s7], $0x100;
	s14 =	simm.s32 @!p0 $0x0  }
0x2c: {  	[sflag:s7] =	ssyncset.done $0x0;
	s14 =	sshll.u32 s14, $0x8  }
0x2d: {  	[sflag:s7] =	ssyncadd.s32 $0xFFFFFF00;
	(ifvalue) =	ssetifvalue $0x7FFFFFFF;
	v0 =	vld.msk [tilespmem:s14+$0x0 ss:$0x1], $0xffff;
	_ =	sdelay $0x4  }
0x2e: {  	s15 =	sadd.s32 $0x10, s14;
	vm1 =	vgt.s32 v0, $0x0  }
0x2f: {  	v2 =	vld.msk [tilespmem:s15+$0x0 ss:$0x1], $0xffff;
	v1 =	vnsel vm1, $0x0, v0  }
0x30: {  	v1 =	vmin.u32 v1, $0x3FFF;
	_ =	sdelay $0x1  }
0x31: {  	s16 =	sshll.u32 s12, $0x8;
	s18 =	simm.s32 $0x20  }
0x32: {  	s16 =	sand.u32 $0x100, s16;
	s17 =	sadd.s32 $0x10, s15;
	s15 =	sor.u32 $0x200, s14  }
0x33: {  	s14 =	sor.u32 $0x200, s16;
	s16 =	sadd.s32 $0x10, s15;
	v0 =	vld.msk [tilespmem:s17+$0x0 ss:$0x1], $0xffff;
	vm1 =	vgt.s32 v2, $0x0;
	(ifvalue) =	ssetifvalue $0x7FFFFFFF  }
.LBB2_3:
0x34: {  	[tilespmem:s15], [sflag:$0x1] =	stream.indirect_vreg.gather [hbm4b:s2+s10], $0x1, v1, vm0, $0x4038;
	[tilespmem:$0x400] =	vst v63  }
0x35: {  	s18 =	sadd.s32 $0x10, s18  }
0x36: {  	v2 =	vnsel vm1, $0x0, v2;
	p1 =	slt.u32 s18, $0xF0  }
.Ltmp3:
0x37: {  	s15 =	smov.u32 s16;
	v1 =	vmin.u32 v2, $0x3FFF;
	(pc) =	sbr.rel @p1 .LBB2_3-.Ltmp3, $3  }
0x38: {  	_ =	sdelay $0x1  }
0x39: {  	s17 =	sadd.s32 $0x10, s17  }
0x3a: {  	vm1 =	vgt.s32 v0, $0x0;
	s16 =	sadd.s32 $0x10, s16;
	v2 =	vmov v0;
	(ifvalue) =	ssetifvalue $0x7FFFFFFF;
	v0 =	vld.msk [tilespmem:s17+$0x0 ss:$0x1], $0xffff  }
.Ltmp4:
0x3b: {  	_ = 	snop;
	(pc) =	sbr.rel .LBB2_4-.Ltmp4, $1  }
0x3c: {  	_ =	sdelay $0x3  }
.LBB2_6:
0x3d: {  	_ =	sfence.sel $0x180000  }
0x3e: {  	s2 =	simm.s32 $0x2;
	[bflag:$0x0] =	sbarrier.arrive $0xFFFF  }
0x3f: {  	s30 =	simm.s32 $0x3;
	[sflag:s2] =	ssyncpa.u1 $0x1  }
0x40: {  	s31 =	simm.s32 $0x1;
	[sflag:s30] =	ssyncpa.u1 $0x1  }
0x41: {  	[sflag:s31] =	ssyncpa.u1 $0x1  }
0x42: {  	p0 =	sne.s32 s0, $0x0;
	_ =	strace $0x9000004A  }
0x43: {  	s0 =	sadd.s32 @!p0 $0x100000, s1;
	[bflag:$0x2] =	sbarrier.arrive $0xFFFF  }
0x44: {  	[sflag:s0] =	ssyncadd.tile.s32 @!p0 $0x1;
	_ =	shalt  }
.Lfunc_end2:
_tile_overlayer_lowered:
.L_overlay_start_2:
0x45: {  	(tag) =	ssettag $0x2  }
0x46: {  	s0 =	rddreg [dreg:$0x0];
	s2 =	stileid.u32  }
0x47: {  	s1 =	rddreg [dreg:$0x1];
	p0 =	sne.s32 s2, $0x0  }
0x48: {  	s3 =	rddreg [dreg:$0x2];
	[bflag:$0x3] =	sbarrier.arrive $0xFFFF;
	s2 =	simm.s32 @!p0 $0x1C01  }
0x49: {  	[timem:s3], [sflag:s2] =	dma.local @!p0 [hbm:s0], s1  }
0x4a: {  	s0 =	simm.s32 @!p0 $0x1  }
0x4b: {  	_ =	swait.ge @!p0 [sflag:s0], s1  }
0x4c: {  	s1 =	ssub.s32 @!p0 $0x0, s1;
	[sflag:s0] =	ssyncset.done @!p0 $0x0  }
0x4d: {  	[sflag:s0] =	ssyncadd.s32 @!p0 s1  }
0x4e: {  	[bflag:$0x3] =	sbarrier.arrive $0xFFFF  }
0x4f: {  	_ =	shalt  }

// kernel: kernel.3.cloned.1.call-start
scs
__scs_entry_jumppad:
0x0: {  	(pc) =	sbr.rel $0x88, $3  }
0x1: {  	(tag) =	ssettag $0x0;
	lr =	simm.s32 $0x1  }
0x2: {  	[smem:$0x3F9D] =	sst lr;
	_ =	strace $0xD0000000  }
0x3: {  	_ = 	snop  }
0x4: {  	_ = 	snop  }
0x5: {  	_ = 	snop  }
0x6: {  	_ = 	snop  }
0x7: {  	_ = 	snop  }
__scs_overlays_trampoline_lowered:
0x8: {  	[smem:$0x3FAC] =	sst s0  }
0x9: {  	[smem:$0x3FAD] =	sst s1  }
0xa: {  	[smem:$0x3FAE] =	sst s2  }
0xb: {  	[smem:$0x3FAF] =	sst s3  }
0xc: {  	[smem:$0x3FB0] =	sst s4  }
0xd: {  	[smem:$0x3FB1] =	sst s5  }
0xe: {  	[smem:$0x3FB2] =	sst s6  }
0xf: {  	[smem:$0x3FB3] =	sst s7  }
0x10: {  	[smem:$0x3FB4] =	sst s8  }
0x11: {  	[smem:$0x3FB5] =	sst s9;
	s0 =	simm.s32 @!p0 $0x0  }
0x12: {  	s1 =	sld [smem:$0x3F9B];
	s0 =	simm.s32 @p0 $0x1  }
0x13: {  	[smem:$0x3FB6] =	sst s0;
	s0 =	simm.s32 @!p1 $0x0  }
0x14: {  	s2 =	sld [smem:$0x3F9A];
	s0 =	simm.s32 @p1 $0x1  }
0x15: {  	[smem:$0x3FB7] =	sst s0;
	s0 =	simm.s32 @!p2 $0x0  }
0x16: {  	s3 =	sld [smem:$0x3FDB];
	s0 =	simm.s32 @p2 $0x1  }
0x17: {  	s4 =	simm.s32 $0x1BF5;
	[smem:$0x3FB9] =	sst s0  }
0x18: {  	s0 =	sld [smem:$0x3F9C];
	_ =	swait.ge [sflag:s4], $0x0  }
0x19: {  	s7 =	sld [smem:$0x3F9D]  }
0x1a: {  	s8 =	sadd.s32 $0xFFFFE003, lr  }
0x1b: {  	s9 =	sadd.s32 $0xFFFFFEF7, lr;
	s5 =	simm.s32 $0xFFFFFFFF;
	p2 =	slt.u32 s8, $0xFFFFF086  }
0x1c: {  	p1 =	slt.u32 s9, $0xF7A;
	s5 =	simm.s32 @!p2 $0x0  }
0x1d: {  	s5 =	simm.s32 @p1 $0x1;
	p0 =	seq.s32 s7, s2  }
0x1e: {  	s7 =	smul.u32 @!p0 $0xF7A, s2;
	p2 =	seq.s32 @!p0 s5, $0x0  }
0x1f: {  	s9 =	smul.u32 $0xF7A, s1;
	s8 =	simm.s32 @!p0 $0x1BF5;
	p2 =	por !p2, p0  }
0x20: {  	[sflag:s8] =	ssyncset.s32 @!p0 $0xFFFFF086;
	s6 =	sadd.s32 @!p0 s3, s7;
	s7 =	simm.s32 @!p0 $0x108  }
0x21: {  	s3 =	sadd.s32 s3, s9;
	s6 =	sadd.s32 @!p0 $0x88, s6;
	s7 =	simm.s32 @p2 $0x1082  }
0x22: {  	[simem:s7], [sflag:s8] =	dma.local @!p0 [hbm:s6], $0xF7A  }
0x23: {  	s9 =	sor.u32 $0xD0000000, s2;
	s6 =	simm.s32 $0x108;
	_ =	swait.ge @!p0 [sflag:s8], $0x0  }
0x24: {  	s3 =	sadd.s32 $0x88, s3;
	s6 =	simm.s32 @!p1 $0x1082;
	[sflag:s4] =	ssyncset.s32 $0xFFFFF086  }
0x25: {  	[simem:s6], [sflag:s4] =	dma.local [hbm:s3], $0xF7A  }
0x26: {  	[smem:$0x3F9D] =	sst s1;
	(tag) =	ssettag s2;
	_ =	strace s9  }
0x27: {  	s1 =	sld [smem:$0x3FAD]  }
0x28: {  	s2 =	sld [smem:$0x3FAE]  }
0x29: {  	s4 =	sld [smem:$0x3FB0]  }
0x2a: {  	p0 =	seq.s32 s5, $0x0;
	s5 =	sld [smem:$0x3FB1]  }
0x2b: {  	s6 =	sld [smem:$0x3FB2]  }
0x2c: {  	s7 =	sld [smem:$0x3FB3]  }
0x2d: {  	s3 =	simm.s32 $0x108;
	s8 =	sld [smem:$0x3FB4]  }
0x2e: {  	s3 =	simm.s32 @!p0 $0x1082;
	s9 =	sld [smem:$0x3FB5]  }
0x2f: {  	lr =	sadd.s32 s0, s3;
	s0 =	sld [smem:$0x3FAC]  }
0x30: {  	s3 =	sld [smem:$0x3FAF]  }
0x31: {  	[smem:$0x3FB8] =	sst s10  }
0x32: {  	s10 =	sld [smem:$0x3FB6];
	_ =	sdelay $0x3  }
0x33: {  	p0 =	seq.s32 s10, $0x1;
	s10 =	sld [smem:$0x3FB8];
	_ =	sdelay $0x3  }
0x34: {  	[smem:$0x3FB8] =	sst s10  }
0x35: {  	s10 =	sld [smem:$0x3FB7];
	_ =	sdelay $0x3  }
0x36: {  	p1 =	seq.s32 s10, $0x1;
	s10 =	sld [smem:$0x3FB8];
	_ =	sdelay $0x3  }
0x37: {  	[smem:$0x3FB8] =	sst s10  }
0x38: {  	s10 =	sld [smem:$0x3FB9]  }
0x39: {  	_ = 	snop;
	(pc) =	sbr.ind lr, $3  }
0x3a: {  	_ = 	snop  }
0x3b: {  	_ = 	snop  }
0x3c: {  	p2 =	seq.s32 s10, $0x1;
	s10 =	sld [smem:$0x3FB8]  }
0x3d: {  	_ =	shalt  }
0x3e: {  	_ =	shalt  }
0x3f: {  	_ =	shalt  }
0x40: {  	_ =	shalt  }
0x41: {  	_ =	shalt  }
0x42: {  	_ =	shalt  }
0x43: {  	_ =	shalt  }
0x44: {  	_ =	shalt  }
0x45: {  	_ =	shalt  }
0x46: {  	_ =	shalt  }
0x47: {  	_ =	shalt  }
0x48: {  	_ =	shalt  }
0x49: {  	_ =	shalt  }
0x4a: {  	_ =	shalt  }
0x4b: {  	_ =	shalt  }
0x4c: {  	_ =	shalt  }
0x4d: {  	_ =	shalt  }
0x4e: {  	_ =	shalt  }
0x4f: {  	_ =	shalt  }
0x50: {  	_ =	shalt  }
0x51: {  	_ =	shalt  }
0x52: {  	_ =	shalt  }
0x53: {  	_ =	shalt  }
0x54: {  	_ =	shalt  }
0x55: {  	_ =	shalt  }
0x56: {  	_ =	shalt  }
0x57: {  	_ =	shalt  }
0x58: {  	_ =	shalt  }
0x59: {  	_ =	shalt  }
0x5a: {  	_ =	shalt  }
0x5b: {  	_ =	shalt  }
0x5c: {  	_ =	shalt  }
0x5d: {  	_ =	shalt  }
0x5e: {  	_ =	shalt  }
0x5f: {  	_ =	shalt  }
0x60: {  	_ =	shalt  }
0x61: {  	_ =	shalt  }
0x62: {  	_ =	shalt  }
0x63: {  	_ =	shalt  }
0x64: {  	_ =	shalt  }
0x65: {  	_ =	shalt  }
0x66: {  	_ =	shalt  }
0x67: {  	_ =	shalt  }
0x68: {  	_ =	shalt  }
0x69: {  	_ =	shalt  }
0x6a: {  	_ =	shalt  }
0x6b: {  	_ =	shalt  }
0x6c: {  	_ =	shalt  }
0x6d: {  	_ =	shalt  }
0x6e: {  	_ =	shalt  }
0x6f: {  	_ =	shalt  }
0x70: {  	_ =	shalt  }
0x71: {  	_ =	shalt  }
0x72: {  	_ =	shalt  }
0x73: {  	_ =	shalt  }
0x74: {  	_ =	shalt  }
0x75: {  	_ =	shalt  }
0x76: {  	_ =	shalt  }
0x77: {  	_ =	shalt  }
0x78: {  	_ =	shalt  }
0x79: {  	_ =	shalt  }
0x7a: {  	_ =	shalt  }
0x7b: {  	_ =	shalt  }
0x7c: {  	_ =	shalt  }
0x7d: {  	_ =	shalt  }
0x7e: {  	_ =	shalt  }
0x7f: {  	_ =	shalt  }
0x80: {  	_ =	shalt  }
0x81: {  	_ =	shalt  }
0x82: {  	_ =	shalt  }
0x83: {  	_ =	shalt  }
0x84: {  	_ =	shalt  }
0x85: {  	_ =	shalt  }
0x86: {  	_ =	shalt  }
0x87: {  	_ =	shalt  }
.Lfunc_end0:
.L_simem_size_0:
called_computation.3_lowered:
.L_overlay_start_0:
0x88: {  	s2 =	sld [smem:$0x3FD9]  }
0x89: {  	s3 =	sld [smem:$0x3FFE];
	_ =	sdelay $0x1  }
0x8a: {  	s1 =	srdreg.scid  }
0x8b: {  	s0 =	sand.u32 $0x1, s1  }
0x8c: {  	s17 =	sshll.u32 s0, $0xA;
	s2 =	sadd.s32 s3, s2  }
0x8d: {  	s2 =	sadd.s32 s2, s17  }
0x8e: {  	[smem:$0x3FC4] =	sst s2  }
0x8f: {  	_ = 	snop  }
0x90: {  	s2 =	sld [smem:$0x3FC7]  }
0x91: {  	s18 =	sld [smem:$0x3FC6]  }
0x92: {  	s4 =	sld [smem:$0x3FD0];
	(tm) =	ssettm $0x1  }
0x93: {  	s5 =	sld [smem:$0x3FFB];
	_ =	sdelay $0x3  }
0x94: {  	_ =	strace s5  }
0x95: {  	s5 =	sld [smem:$0x3FFC];
	_ =	sdelay $0x3  }
0x96: {  	_ =	strace s5  }
0x97: {  	s5 =	sld [smem:$0x3FFD];
	_ =	sdelay $0x3  }
0x98: {  	_ =	strace s5  }
0x99: {  	_ =	strace $0x8FFFFFFF  }
0x9a: {  	s19 =	sld [smem:$0x3FDB];
	_ =	sdelay $0x1  }
0x9b: {  	s6 =	simm.s32 $_scs_section_size  }
0x9c: {  	s7 =	simm.s32 $_size__tile_overlayer_lowered;
	s8 =	simm.s32 $_tile_overlayer_lowered  }
0x9d: {  	s22 =	simm.s32 $0x1BFF;
	s21 =	sshll.u32 s8, $0x1;
	s5 =	sadd.s32 s6, s19  }
0x9e: {  	s9 =	simm.s32 $0x0;
	s20 =	sshll.u32 s7, $0x1;
	s7 =	sadd.s32 s21, s5  }
0x9f: {  	[timem:s9], [sflag:s22] =	dma.local [hbm:s7], s20  }
0xa0: {  	_ =	swait.ge [sflag:s22], s20  }
0xa1: {  	s6 =	ssub.s32 $0x0, s20;
	[sflag:s22] =	ssyncset.done $0x0  }
0xa2: {  	[sflag:s22] =	ssyncadd.s32 s6;
	_ =	sdelay $0x1  }
0xa3: {  	s23 =	simm.s32 $0x1B8B  }
0xa4: {  	_ =	swait.ge [sflag:s23], $0x1  }
0xa5: {  	[sflag:s23] =	ssyncset.done $0x0  }
0xa6: {  	s25 =	simm.s32 $0x1B8E;
	s24 =	sld [smem:$0x3FFE];
	[sflag:s23] =	ssyncadd.s32 $0xFFFFFFFF  }
0xa7: {  	s26 =	simm.s32 $execute0_lowered;
	[smem:$0x3FD2] =	sst s25  }
0xa8: {  	s7 =	sshll.u32 s26, $0x1;
	_ =	strace $0x8000004C;
	[dreg:$0x1] =	wrdreg $0xFFFFFFFF  }
0xa9: {  	s28 =	simm.s32 $_size_execute0_lowered;
	s5 =	sadd.s32 s5, s7;
	[dreg:$0x0] =	wrdreg $0x0  }
0xaa: {  	s7 =	sshll.u32 s28, $0x1;
	[dreg:$0x2] =	wrdreg s5  }
0xab: {  	[dreg:$0x3] =	wrdreg s7  }
0xac: {  	[dreg:$0x4] =	wrdreg $0xC0  }
0xad: {  	_ =	task [dreg:s9], $0x5FFFF  }
0xae: {  	[dreg:$0x1] =	wrdreg $0xFFFFFFFF  }
0xaf: {  	[dreg:$0x0] =	wrdreg $0x60  }
0xb0: {  	[dreg:$0x2] =	wrdreg s4  }
0xb1: {  	[dreg:$0x3] =	wrdreg s24  }
0xb2: {  	[dreg:$0x4] =	wrdreg s2  }
0xb3: {  	[dreg:$0x5] =	wrdreg s18  }
0xb4: {  	[dreg:$0x6] =	wrdreg $0x9  }
0xb5: {  	_ =	task.clear_ibuf [dreg:s9], $0x7FFFF;
	_ =	strace $0x9000004C  }
0xb6: {  	s29 =	simm.s32 $0x9;
	_ =	strace $0x8000004E  }
0xb7: {  	_ =	swait.ge [sflag:s29], $0x1  }
0xb8: {  	[sflag:s29] =	ssyncadd.s32 $0xFFFFFFFF  }
0xb9: {  	_ =	strace $0x9000004E  }
0xba: {  	_ =	sfence  }
0xbb: {  	s30 =	sld [smem:$0x0];
	_ =	sdelay $0x2  }
0xbc: {  	s31 =	sshll.u32 s1, $0xD;
	s1 =	sshrl.u32 s1, $0x2  }
0xbd: {  	s3 =	sand.u32 $0x4000, s31;
	s1 =	sadd.s32 s1, s30  }
0xbe: {  	s0 =	sor.u32 s3, s0;
	s1 =	sshll.u32 s1, $0x11  }
0xbf: {  	s0 =	sor.u32 s1, s0  }
0xc0: {  	s0 =	sadd.s32 $0x8F2B, s0  }
0xc1: {  	[sflag:s0] =	ssyncadd.remote.s32 $0x1  }
0xc2: {  	_ =	sfence.sel $0xFFFF  }
0xc3: {  	[dreg:$0x0] =	wrdreg $0xFFFFFFFF;
	(pc) =	sbr.abs _section_cstart, $3  }
0xc4: {  	[dreg:$0x1] =	wrdreg $0xFFFFFFFF  }
0xc5: {  	_ =	task.clear_ibuf [dreg:s9], $0x2FFFF;
	_ =	strace $0x9FFFFFFF  }
0xc6: {  	(tm) =	ssettm $0x7FFFFFFF  }
0xc7: {  	_ =	shalt  }
tec
execute0_lowered:
.L_overlay_start_1:
0x0: {  	(tag) =	ssettag $0x1  }
0x1: {  	v0 =	vimm.s32 $0x1380;
	vm14 =	vcmask $0x300;
	vm13 =	vcmask $0x704  }
0x2: {  	vm12 =	vcmask $0xB08;
	vm11 =	vcmask $0xF0C;
	vm10 =	vcmask $0x1310  }
0x3: {  	vm9 =	vcmask $0x1714;
	vm8 =	vcmask $0x1B18;
	vm7 =	vcmask $0x1F1C  }
0x4: {  	vm6 =	vcmask $0x2320;
	vm5 =	vcmask $0x2724;
	vm4 =	vcmask $0x2B28  }
0x5: {  	vm2 =	vcmask $0x2F2C;
	v1 =	vlaneseq.u32;
	vm3 =	vcmask $0x3330  }
0x6: {  	vm1 =	vcmask $0x3734;
	vm0 =	vcmask $0x3B38;
	v3 =	vimm.s32 $0x3380  }
0x7: {  	v4 =	vimm.s32 $0x5380;
	v5 =	vimm.s32 $0x7380;
	v0 =	vsel vm14, $0x0, v0  }
0x8: {  	v3 =	vsel vm14, $0x2000, v3;
	v4 =	vsel vm14, $0x4000, v4;
	v5 =	vsel vm14, $0x6000, v5  }
0x9: {  	v0 =	vsel vm13, $0x80, v0;
	v3 =	vsel vm13, $0x2080, v3;
	v4 =	vsel vm13, $0x4080, v4  }
0xa: {  	v5 =	vsel vm13, $0x6080, v5;
	v0 =	vsel vm12, $0x100, v0;
	v3 =	vsel vm12, $0x2100, v3  }
0xb: {  	v4 =	vsel vm12, $0x4100, v4;
	v5 =	vsel vm12, $0x6100, v5;
	v0 =	vsel vm11, $0x180, v0  }
0xc: {  	s2 =	rddreg [dreg:$0x0];
	v3 =	vsel vm11, $0x2180, v3;
	v4 =	vsel vm11, $0x4180, v4;
	v5 =	vsel vm11, $0x6180, v5  }
0xd: {  	s3 =	rddreg [dreg:$0x1];
	v0 =	vsel vm10, $0x200, v0;
	v3 =	vsel vm10, $0x2200, v3;
	v4 =	vsel vm10, $0x4200, v4  }
0xe: {  	s0 =	rddreg [dreg:$0x2];
	v5 =	vsel vm10, $0x6200, v5;
	v0 =	vsel vm9, $0x280, v0;
	v3 =	vsel vm9, $0x2280, v3  }
0xf: {  	s1 =	rddreg [dreg:$0x3];
	v4 =	vsel vm9, $0x4280, v4;
	v5 =	vsel vm9, $0x6280, v5;
	v0 =	vsel vm8, $0x300, v0  }
0x10: {  	s4 =	srdreg.scid;
	s6 =	stileid.u32;
	s15 =	simm.s32 $0x3;
	v3 =	vsel vm8, $0x2300, v3;
	v4 =	vsel vm8, $0x4300, v4;
	v5 =	vsel vm8, $0x6300, v5  }
0x11: {  	s31 =	simm.s32 $0x2;
	s12 =	simm.s32 $0x0;
	s5 =	sand.u32 $0x1, s4;
	v0 =	vsel vm7, $0x380, v0;
	v3 =	vsel vm7, $0x2380, v3;
	v4 =	vsel vm7, $0x4380, v4  }
0x12: {  	s23 =	sshll.u32 s6, $0x5;
	s6 =	sshll.u32 s6, $0x7;
	s4 =	simm.s32 $0x0;
	v5 =	vsel vm7, $0x6380, v5;
	v0 =	vsel vm6, $0x1000, v0;
	v3 =	vsel vm6, $0x3000, v3  }
0x13: {  	s7 =	sshll.u32 s5, $0x4;
	s8 =	sand.u32 $0x60, s23;
	s6 =	sand.u32 $0x600, s6;
	v4 =	vsel vm6, $0x5000, v4;
	v5 =	vsel vm6, $0x7000, v5;
	v0 =	vsel vm5, $0x1080, v0  }
0x14: {  	[smem:$0x7FF] =	sst s4;
	s5 =	ssub.s32 $0x2, s5;
	s23 =	simm.s32 $0x7A1400;
	v3 =	vsel vm5, $0x3080, v3;
	v4 =	vsel vm5, $0x5080, v4;
	v5 =	vsel vm5, $0x7080, v5  }
0x15: {  	s7 =	sor.u32 s7, s8;
	_ =	strace $0x8000004D;
	s24 =	sshrl.u32 s5, $0x1;
	v0 =	vsel vm4, $0x1100, v0;
	v3 =	vsel vm4, $0x3100, v3;
	v4 =	vsel vm4, $0x5100, v4  }
0x16: {  	s8 =	simm.s32 $0x80;
	s6 =	sor.u32 s6, s7;
	s25 =	ssub.s32 s5, s24;
	v5 =	vsel vm4, $0x7100, v5;
	v2 =	vsel vm2, $0x1180, v0;
	v0 =	vmul.u32 $0x80, v1  }
0x17: {  	s24 =	simm.s32 $0x400;
	s3 =	sadd.s32 s6, s3;
	s28 =	smax.u32 s25, $0x1;
	v3 =	vsel vm2, $0x3180, v3;
	v4 =	vsel vm2, $0x5180, v4;
	v5 =	vsel vm2, $0x7180, v5  }
0x18: {  	s5 =	sadd.s32 s2, s6;
	s26 =	sadd.s32 $0x800, s3;
	[dreg:$0x6] =	wrdreg s28;
	v1 =	vsel vm3, $0x1200, v2;
	v3 =	vsel vm3, $0x3200, v3;
	v6 =	vsel vm3, $0x5200, v4  }
0x19: {  	s25 =	simm.s32 $0x8400;
	s29 =	sadd.s32 $0x80, s5;
	[dreg:$0x5] =	wrdreg s26;
	v5 =	vsel vm3, $0x7200, v5;
	v1 =	vsel vm1, $0x1280, v1;
	v2 =	vor.u32 $0x800, v0  }
0x1a: {  	s6 =	sadd.s32 $0x1800, s3;
	s30 =	sadd.s32 $0x100, s5;
	[dreg:$0x7] =	wrdreg s29;
	v3 =	vsel vm1, $0x3280, v3;
	v4 =	vor.u32 $0x1000, v0;
	v6 =	vsel vm1, $0x5280, v6  }
0x1b: {  	s11 =	sadd.s32 $0x180, s5;
	s3 =	simm.s32 $0x14400;
	[dreg:$0x8] =	wrdreg s30;
	v7 =	vsel vm1, $0x7280, v5;
	v1 =	vsel vm0, $0x1300, v1;
	v3 =	vsel vm0, $0x3300, v3  }
0x1c: {  	s17 =	sadd.s32 $0x80, s6;
	s20 =	sadd.s32 $0x180, s6;
	s22 =	sadd.s32 $0x100, s6;
	v5 =	vsel vm0, $0x5300, v6;
	v6 =	vor.u32 $0x1800, v0;
	v7 =	vsel vm0, $0x7300, v7  }
.LBB2_1:
0x1d: {  	[tilespmem:s4], [sflag:$0x3] =	stream.linear.gather [hbm4b:s5+s4], $0x80, $0x38;
	[tilespmem:$0x1C600] =	vst v63  }
0x1e: {  	s2 =	rddreg [dreg:$0x7];
	s7 =	simm.s32 $0x100  }
0x1f: {  	[tilespmem:s7], [sflag:$0x3] =	stream.linear.gather [hbm4b:s2+s4], $0x80, $0x38;
	[tilespmem:$0x1C600] =	vst v63  }
0x20: {  	s29 =	rddreg [dreg:$0x8];
	s30 =	simm.s32 $0x200  }
0x21: {  	[tilespmem:s30], [sflag:$0x3] =	stream.linear.gather [hbm4b:s29+s4], $0x80, $0x38;
	[tilespmem:$0x1C600] =	vst v63  }
0x22: {  	s7 =	simm.s32 $0x300  }
0x23: {  	[tilespmem:s7], [sflag:$0x3] =	stream.linear.gather [hbm4b:s11+s4], $0x80, $0x38;
	[tilespmem:$0x1C600] =	vst v63  }
0x24: {  	_ =	swait.ge [sflag:s15], $0x200  }
0x25: {  	[sflag:s15] =	ssyncset.done $0x0  }
0x26: {  	[sflag:s15] =	ssyncadd.s32 $0xFFFFFE00  }
0x27: {  	[tilespmem:s8], [sflag:$0x3] =	stream.linear.gather [hbm4b:s6+s4], $0x80, $0x38;
	[tilespmem:$0x1C600] =	vst v63  }
0x28: {  	s9 =	simm.s32 $0x180  }
0x29: {  	[tilespmem:s9], [sflag:$0x3] =	stream.linear.gather [hbm4b:s17+s4], $0x80, $0x38;
	[tilespmem:$0x1C600] =	vst v63  }
0x2a: {  	s10 =	simm.s32 $0x280  }
0x2b: {  	[tilespmem:s10], [sflag:$0x3] =	stream.linear.gather [hbm4b:s22+s4], $0x80, $0x38;
	[tilespmem:$0x1C600] =	vst v63  }
0x2c: {  	s13 =	simm.s32 $0x380  }
0x2d: {  	[tilespmem:s13], [sflag:$0x3] =	stream.linear.gather [hbm4b:s20+s4], $0x80, $0x38;
	[tilespmem:$0x1C600] =	vst v63  }
0x2e: {  	_ =	swait.ge [sflag:s15], $0x200  }
0x2f: {  	s14 =	sand.u32 $0x70, s4;
	s13 =	sand.u32 $0x300, s4;
	[sflag:s15] =	ssyncset.done $0x0  }
0x30: {  	s2 =	sor.u32 s14, s13;
	[sflag:s15] =	ssyncadd.s32 $0xFFFFFE00  }
0x31: {  	v10 =	vld [tilespmem:s2+$0x0];
	_ =	sdelay $0x1  }
0x32: {  	v11 =	vld [tilespmem:s2+$0x80];
	_ =	sdelay $0x2  }
0x33: {  	(v2sf) =	vpush v10, $0x0;
	_ =	sdelay $0x1  }
0x34: {  	(v2sf) =	vpush v11, $0x0  }
0x35: {  	(v2sf) =	vpush v10, $0x1  }
0x36: {  	(v2sf) =	vpush v11, $0x1  }
0x37: {  	(v2sf) =	vpush v10, $0x2  }
0x38: {  	(v2sf) =	vpush v11, $0x2  }
0x39: {  	(v2sf) =	vpush v10, $0x3  }
0x3a: {  	(v2sf) =	vpush v11, $0x3  }
0x3b: {  	(v2sf) =	vpush v10, $0x4  }
0x3c: {  	(v2sf) =	vpush v11, $0x4  }
0x3d: {  	(v2sf) =	vpush v10, $0x5  }
0x3e: {  	(v2sf) =	vpush v11, $0x5  }
0x3f: {  	(v2sf) =	vpush v10, $0x6  }
0x40: {  	(v2sf) =	vpush v11, $0x6  }
0x41: {  	(v2sf) =	vpush v10, $0x7;
	s16 =	spop (v2sf)  }
0x42: {  	(v2sf) =	vpush v11, $0x7;
	[smem:$0x0] =	sst s16  }
0x43: {  	s2 =	spop (v2sf)  }
0x44: {  	(v2sf) =	vpush v10, $0x8;
	[smem:$0x200] =	sst s2  }
0x45: {  	s2 =	spop (v2sf)  }
0x46: {  	(v2sf) =	vpush v11, $0x8;
	[smem:$0x1] =	sst s2  }
0x47: {  	s2 =	spop (v2sf)  }
0x48: {  	(v2sf) =	vpush v10, $0x9;
	[smem:$0x201] =	sst s2  }
0x49: {  	s2 =	spop (v2sf)  }
0x4a: {  	(v2sf) =	vpush v11, $0x9;
	[smem:$0x2] =	sst s2  }
0x4b: {  	s2 =	spop (v2sf)  }
0x4c: {  	(v2sf) =	vpush v10, $0xA;
	[smem:$0x202] =	sst s2  }
0x4d: {  	s2 =	spop (v2sf)  }
0x4e: {  	(v2sf) =	vpush v11, $0xA;
	[smem:$0x3] =	sst s2  }
0x4f: {  	s2 =	spop (v2sf)  }
0x50: {  	(v2sf) =	vpush v10, $0xB;
	[smem:$0x203] =	sst s2  }
0x51: {  	s2 =	spop (v2sf)  }
0x52: {  	(v2sf) =	vpush v11, $0xB;
	[smem:$0x4] =	sst s2  }
0x53: {  	s2 =	spop (v2sf)  }
0x54: {  	(v2sf) =	vpush v10, $0xC;
	[smem:$0x204] =	sst s2  }
0x55: {  	s2 =	spop (v2sf)  }
0x56: {  	(v2sf) =	vpush v11, $0xC;
	[smem:$0x5] =	sst s2  }
0x57: {  	s18 =	simm.s32 $0x10;
	s14 =	simm.s32 $0x20;
	s16 =	spop (v2sf)  }
0x58: {  	s19 =	sand.u32 $0x70, s18;
	s21 =	sand.u32 $0x300, s14;
	(v2sf) =	vpush v10, $0xD;
	[smem:$0x205] =	sst s16  }
0x59: {  	s2 =	sor.u32 s19, s21;
	s26 =	spop (v2sf)  }
0x5a: {  	(v2sf) =	vpush v11, $0xD;
	v8 =	vld [tilespmem:s2+$0x0];
	[smem:$0x6] =	sst s26  }
0x5b: {  	s13 =	spop (v2sf)  }
0x5c: {  	(v2sf) =	vpush v10, $0xE;
	v9 =	vld [tilespmem:s2+$0x80];
	[smem:$0x206] =	sst s13  }
0x5d: {  	s28 =	spop (v2sf)  }
0x5e: {  	(v2sf) =	vpush v11, $0xE;
	[smem:$0x7] =	sst s28  }
0x5f: {  	s2 =	spop (v2sf)  }
0x60: {  	(v2sf) =	vpush v10, $0xF;
	[smem:$0x207] =	sst s2  }
0x61: {  	s18 =	simm.s32 $0x8;
	s2 =	spop (v2sf)  }
0x62: {  	s19 =	simm.s32 $0x208;
	(v2sf) =	vpush v11, $0xF;
	[smem:s18] =	sst s2;
	s29 =	spop (v2sf)  }
0x63: {  	(v2sf) =	vpush v8, $0x0;
	[smem:s19] =	sst s29;
	s30 =	spop (v2sf)  }
0x64: {  	(v2sf) =	vpush v9, $0x0;
	[smem:$0x9] =	sst s30  }
0x65: {  	s2 =	spop (v2sf)  }
0x66: {  	(v2sf) =	vpush v8, $0x1;
	[smem:$0x209] =	sst s2  }
0x67: {  	s2 =	spop (v2sf)  }
0x68: {  	(v2sf) =	vpush v9, $0x1;
	[smem:$0xA] =	sst s2  }
0x69: {  	s2 =	spop (v2sf)  }
0x6a: {  	(v2sf) =	vpush v8, $0x2;
	[smem:$0x20A] =	sst s2  }
0x6b: {  	s2 =	spop (v2sf)  }
0x6c: {  	(v2sf) =	vpush v9, $0x2;
	[smem:$0xB] =	sst s2  }
0x6d: {  	s2 =	spop (v2sf)  }
0x6e: {  	(v2sf) =	vpush v8, $0x3;
	[smem:$0x20B] =	sst s2  }
0x6f: {  	s2 =	spop (v2sf)  }
0x70: {  	(v2sf) =	vpush v9, $0x3;
	[smem:$0xC] =	sst s2  }
0x71: {  	s2 =	spop (v2sf)  }
0x72: {  	(v2sf) =	vpush v8, $0x4;
	[smem:$0x20C] =	sst s2  }
0x73: {  	s2 =	spop (v2sf)  }
0x74: {  	(v2sf) =	vpush v9, $0x4;
	[smem:$0xD] =	sst s2  }
0x75: {  	s2 =	spop (v2sf)  }
0x76: {  	(v2sf) =	vpush v8, $0x5;
	[smem:$0x20D] =	sst s2  }
0x77: {  	s2 =	spop (v2sf)  }
0x78: {  	(v2sf) =	vpush v9, $0x5;
	[smem:$0xE] =	sst s2  }
0x79: {  	s2 =	spop (v2sf)  }
0x7a: {  	(v2sf) =	vpush v8, $0x6;
	[smem:$0x20E] =	sst s2  }
0x7b: {  	s2 =	spop (v2sf)  }
0x7c: {  	(v2sf) =	vpush v9, $0x6;
	[smem:$0xF] =	sst s2  }
0x7d: {  	s13 =	simm.s32 $0x218;
	s2 =	simm.s32 $0x20;
	s16 =	spop (v2sf)  }
.LBB2_2:
0x7e: {  	[smem:s19+$0x7] =	sst s16;
	s18 =	sadd.s32 $0x10, s18  }
0x7f: {  	(v2sf) =	vpush v8, $0x7;
	s16 =	smov.u32 s2;
	s21 =	sadd.s32 $0x10, s2;
	s19 =	smov.u32 s13  }
0x80: {  	p0 =	sne.s32 s2, $0x1F0;
	s2 =	spop (v2sf);
	(v2sf) =	vpush v9, $0x7  }
0x81: {  	[smem:s18+$0xFFFFFFF8] =	sst s2;
	s2 =	spop (v2sf);
	(v2sf) =	vpush v8, $0x8  }
0x82: {  	[smem:s13+$0xFFFFFFF8] =	sst s2;
	s2 =	spop (v2sf);
	(v2sf) =	vpush v9, $0x8  }
0x83: {  	[smem:s18+$0xFFFFFFF9] =	sst s2;
	s2 =	spop (v2sf);
	(v2sf) =	vpush v8, $0x9  }
0x84: {  	[smem:s13+$0xFFFFFFF9] =	sst s2;
	s2 =	spop (v2sf);
	(v2sf) =	vpush v9, $0x9  }
0x85: {  	[smem:s18+$0xFFFFFFFA] =	sst s2;
	s2 =	spop (v2sf);
	(v2sf) =	vpush v8, $0xA  }
0x86: {  	[smem:s13+$0xFFFFFFFA] =	sst s2;
	s2 =	spop (v2sf);
	(v2sf) =	vpush v9, $0xA  }
0x87: {  	[smem:s18+$0xFFFFFFFB] =	sst s2;
	s2 =	spop (v2sf);
	(v2sf) =	vpush v8, $0xB  }
0x88: {  	[smem:s13+$0xFFFFFFFB] =	sst s2;
	s2 =	spop (v2sf);
	(v2sf) =	vpush v9, $0xB  }
0x89: {  	s14 =	sadd.s32 $0x20, s14;
	[smem:s18+$0xFFFFFFFC] =	sst s2;
	s2 =	spop (v2sf);
	(v2sf) =	vpush v8, $0xC  }
0x8a: {  	s16 =	sand.u32 $0x70, s16;
	[smem:s13+$0xFFFFFFFC] =	sst s2;
	s2 =	spop (v2sf);
	(v2sf) =	vpush v9, $0xC  }
0x8b: {  	s26 =	sand.u32 $0x300, s14;
	[smem:s18+$0xFFFFFFFD] =	sst s2;
	s2 =	spop (v2sf);
	(v2sf) =	vpush v8, $0xD  }
0x8c: {  	s16 =	sor.u32 s16, s26;
	[smem:s13+$0xFFFFFFFD] =	sst s2;
	s2 =	spop (v2sf);
	(v2sf) =	vpush v9, $0xD  }
0x8d: {  	v10 =	vld [tilespmem:s16+$0x0];
	[smem:s18+$0xFFFFFFFE] =	sst s2;
	s2 =	spop (v2sf);
	(v2sf) =	vpush v8, $0xE  }
0x8e: {  	v11 =	vld [tilespmem:s16+$0x80];
	[smem:s13+$0xFFFFFFFE] =	sst s2;
	s2 =	spop (v2sf);
	(v2sf) =	vpush v9, $0xE  }
0x8f: {  	[smem:s18+$0xFFFFFFFF] =	sst s2;
	s2 =	spop (v2sf);
	(v2sf) =	vpush v8, $0xF  }
0x90: {  	[smem:s13+$0xFFFFFFFF] =	sst s2;
	s2 =	spop (v2sf);
	(v2sf) =	vpush v9, $0xF  }
0x91: {  	[smem:s18] =	sst s2;
	s2 =	spop (v2sf)  }
0x92: {  	(v2sf) =	vpush v10, $0x0;
	[smem:s13] =	sst s2;
	s2 =	spop (v2sf);
	v8 =	vmov v10  }
0x93: {  	(v2sf) =	vpush v11, $0x0;
	[smem:s18+$0x1] =	sst s2;
	s2 =	spop (v2sf);
	v9 =	vmov v11  }
0x94: {  	(v2sf) =	vpush v8, $0x1;
	[smem:s13+$0x1] =	sst s2;
	s2 =	spop (v2sf)  }
0x95: {  	(v2sf) =	vpush v9, $0x1;
	[smem:s18+$0x2] =	sst s2;
	s2 =	spop (v2sf)  }
0x96: {  	(v2sf) =	vpush v8, $0x2;
	[smem:s13+$0x2] =	sst s2;
	s2 =	spop (v2sf)  }
0x97: {  	(v2sf) =	vpush v9, $0x2;
	[smem:s18+$0x3] =	sst s2;
	s2 =	spop (v2sf)  }
0x98: {  	(v2sf) =	vpush v8, $0x3;
	[smem:s13+$0x3] =	sst s2;
	s2 =	spop (v2sf)  }
0x99: {  	(v2sf) =	vpush v9, $0x3;
	[smem:s18+$0x4] =	sst s2;
	s2 =	spop (v2sf)  }
0x9a: {  	(v2sf) =	vpush v8, $0x4;
	[smem:s13+$0x4] =	sst s2;
	s2 =	spop (v2sf)  }
0x9b: {  	[smem:s18+$0x5] =	sst s2  }
.Ltmp0:
0x9c: {  	(v2sf) =	vpush v9, $0x4;
	s2 =	spop (v2sf);
	(pc) =	sbr.rel @p0 .LBB2_2-.Ltmp0, $4  }
0x9d: {  	(v2sf) =	vpush v8, $0x5;
	[smem:s13+$0x5] =	sst s2;
	s2 =	spop (v2sf)  }
0x9e: {  	(v2sf) =	vpush v9, $0x5;
	[smem:s18+$0x6] =	sst s2;
	s2 =	spop (v2sf)  }
0x9f: {  	(v2sf) =	vpush v8, $0x6;
	[smem:s13+$0x6] =	sst s2;
	s2 =	spop (v2sf);
	s13 =	sadd.s32 $0x10, s13  }
0xa0: {  	(v2sf) =	vpush v9, $0x6;
	[smem:s18+$0x7] =	sst s2;
	s16 =	spop (v2sf);
	s2 =	smov.u32 s21  }
0xa1: {  	(v2sf) =	vpush v8, $0x7  }
0xa2: {  	[smem:s19+$0x7] =	sst s16;
	s2 =	sadd.s32 $0x10, s18;
	s14 =	spop (v2sf);
	(v2sf) =	vpush v9, $0x7  }
0xa3: {  	[smem:s2+$0xFFFFFFF8] =	sst s14;
	s10 =	spop (v2sf);
	(v2sf) =	vpush v8, $0x8  }
0xa4: {  	[smem:s13+$0xFFFFFFF8] =	sst s10;
	s16 =	spop (v2sf);
	(v2sf) =	vpush v9, $0x8  }
0xa5: {  	[smem:s2+$0xFFFFFFF9] =	sst s16;
	s18 =	spop (v2sf);
	(v2sf) =	vpush v8, $0x9  }
0xa6: {  	[smem:s13+$0xFFFFFFF9] =	sst s18;
	s19 =	spop (v2sf);
	(v2sf) =	vpush v9, $0x9  }
0xa7: {  	[smem:s2+$0xFFFFFFFA] =	sst s19;
	s21 =	spop (v2sf);
	(v2sf) =	vpush v8, $0xA  }
0xa8: {  	[smem:s13+$0xFFFFFFFA] =	sst s21;
	s26 =	spop (v2sf);
	(v2sf) =	vpush v9, $0xA  }
0xa9: {  	[smem:s2+$0xFFFFFFFB] =	sst s26;
	s28 =	spop (v2sf);
	(v2sf) =	vpush v8, $0xB  }
0xaa: {  	[smem:s13+$0xFFFFFFFB] =	sst s28;
	s29 =	spop (v2sf);
	(v2sf) =	vpush v9, $0xB  }
0xab: {  	[smem:s2+$0xFFFFFFFC] =	sst s29;
	s30 =	spop (v2sf);
	(v2sf) =	vpush v8, $0xC  }
0xac: {  	[smem:s13+$0xFFFFFFFC] =	sst s30;
	s7 =	spop (v2sf);
	(v2sf) =	vpush v9, $0xC  }
0xad: {  	[smem:s2+$0xFFFFFFFD] =	sst s7;
	s8 =	spop (v2sf);
	(v2sf) =	vpush v8, $0xD  }
0xae: {  	[smem:s13+$0xFFFFFFFD] =	sst s8;
	s9 =	spop (v2sf);
	(v2sf) =	vpush v9, $0xD  }
0xaf: {  	[smem:s2+$0xFFFFFFFE] =	sst s9;
	s10 =	spop (v2sf);
	(v2sf) =	vpush v8, $0xE  }
0xb0: {  	[smem:s13+$0xFFFFFFFE] =	sst s10;
	s16 =	spop (v2sf);
	(v2sf) =	vpush v9, $0xE  }
0xb1: {  	[smem:s2+$0xFFFFFFFF] =	sst s16;
	s18 =	spop (v2sf);
	(v2sf) =	vpush v8, $0xF  }
0xb2: {  	[smem:s13+$0xFFFFFFFF] =	sst s18;
	s19 =	spop (v2sf);
	(v2sf) =	vpush v9, $0xF  }
0xb3: {  	[smem:s2] =	sst s19;
	s21 =	spop (v2sf)  }
0xb4: {  	[smem:s13] =	sst s21;
	s26 =	spop (v2sf)  }
0xb5: {  	[smem:s2+$0x1] =	sst s26;
	s28 =	spop (v2sf)  }
0xb6: {  	[smem:s13+$0x1] =	sst s28;
	s29 =	spop (v2sf)  }
0xb7: {  	[smem:s2+$0x2] =	sst s29;
	s30 =	spop (v2sf)  }
0xb8: {  	[smem:s13+$0x2] =	sst s30;
	s7 =	spop (v2sf)  }
0xb9: {  	[smem:s2+$0x3] =	sst s7;
	s8 =	spop (v2sf)  }
0xba: {  	[smem:s13+$0x3] =	sst s8;
	s9 =	spop (v2sf)  }
0xbb: {  	[smem:s2+$0x4] =	sst s9;
	s10 =	spop (v2sf)  }
0xbc: {  	[smem:s13+$0x4] =	sst s10;
	s16 =	spop (v2sf)  }
0xbd: {  	[smem:s2+$0x5] =	sst s16;
	s18 =	spop (v2sf)  }
0xbe: {  	[smem:s13+$0x5] =	sst s18;
	s19 =	spop (v2sf)  }
0xbf: {  	[smem:s2+$0x6] =	sst s19;
	s21 =	spop (v2sf)  }
0xc0: {  	[smem:s13+$0x6] =	sst s21;
	s26 =	spop (v2sf)  }
0xc1: {  	[smem:s2+$0x7] =	sst s26;
	s28 =	spop (v2sf)  }
0xc2: {  	[smem:s13+$0x7] =	sst s28  }
0xc3: {  	s2 =	sld [smem:$0x0]  }
0xc4: {  	s14 =	sld [smem:$0x1];
	_ =	sdelay $0x1  }
0xc5: {  	s30 =	sld [smem:$0x200]  }
0xc6: {  	s8 =	sld [smem:$0x201];
	s29 =	sand.u32 $0xFFFFF80, s2;
	s2 =	sxor.u32 s2, s14  }
0xc7: {  	s10 =	sld [smem:$0x202];
	s13 =	sadd.s32 s0, s29;
	p0 =	slt.u32 s2, $0x80  }
0xc8: {  	[tilespmem:s24], [sflag:$0x1] =	stream.strided.gather [hbm4b:s13+s24], $0x2000, s23, s24, $0x38;
	[tilespmem:$0x1C600] =	vst v63  }
0xc9: {  	s2 =	sand.u32 @!p0 $0xFFFFF80, s14;
	s13 =	sld [smem:$0x2];
	s16 =	simm.s32 @!p0 $0x400  }
0xca: {  	s18 =	simm.s32 @!p0 $0x7A1400;
	s19 =	simm.s32 @!p0 $0x2400;
	s2 =	sadd.s32 @!p0 s0, s2  }
0xcb: {  	[tilespmem:s19], [sflag:$0x1] =	stream.strided.gather @!p0 [hbm4b:s2+s16], $0x2000, s18, s16, $0x38;
	[tilespmem:$0x1C600] =	vst v63  }
0xcc: {  	s26 =	sld [smem:$0x204];
	s2 =	simm.s32 @!p0 $0x2;
	s14 =	sxor.u32 s14, s13  }
0xcd: {  	s7 =	sand.u32 $0xFFFFF80, s30;
	s2 =	simm.s32 @p0 $0x1;
	p0 =	slt.u32 s14, $0x80  }
0xce: {  	s16 =	sshll.u32 @!p0 s2, $0xD;
	s13 =	sand.u32 @!p0 $0xFFFFF80, s13;
	s19 =	simm.s32 @!p0 $0x400  }
0xcf: {  	s21 =	simm.s32 @!p0 $0x7A1400;
	s16 =	sor.u32 @!p0 $0x400, s16;
	s13 =	sadd.s32 @!p0 s0, s13  }
0xd0: {  	[tilespmem:s16], [sflag:$0x1] =	stream.strided.gather @!p0 [hbm4b:s13+s19], $0x2000, s21, s19, $0x38;
	[tilespmem:$0x1C600] =	vst v63  }
0xd1: {  	s9 =	sand.u32 $0xFFFFF80, s8;
	s18 =	sld [smem:$0x203];
	s13 =	sadd.s32 s1, s7  }
0xd2: {  	[tilespmem:s25], [sflag:$0x2] =	stream.strided.gather [hbm4b:s13+s24], $0x2000, s23, s24, $0x38;
	[tilespmem:$0x1C600] =	vst v63  }
0xd3: {  	s7 =	simm.s32 $0xA400;
	s16 =	sand.u32 $0xFFFFF80, s10;
	s13 =	sadd.s32 s1, s9  }
0xd4: {  	[tilespmem:s7], [sflag:$0x2] =	stream.strided.gather [hbm4b:s13+s24], $0x2000, s23, s24, $0x38;
	[tilespmem:$0x1C600] =	vst v63  }
0xd5: {  	s19 =	simm.s32 $0xC400;
	s21 =	sand.u32 $0xFFFFF80, s18;
	s13 =	sadd.s32 s1, s16  }
0xd6: {  	[tilespmem:s19], [sflag:$0x2] =	stream.strided.gather [hbm4b:s13+s24], $0x2000, s23, s24, $0x38;
	[tilespmem:$0x1C600] =	vst v63  }
0xd7: {  	s28 =	simm.s32 $0xE400;
	s30 =	simm.s32 $0x10400;
	s13 =	sadd.s32 s1, s21  }
0xd8: {  	[tilespmem:s28], [sflag:$0x2] =	stream.strided.gather [hbm4b:s13+s24], $0x2000, s23, s24, $0x38;
	[tilespmem:$0x1C600] =	vst v63  }
.Ltmp1:
0xd9: {  	s29 =	sand.u32 $0xFFFFF80, s26;
	p0 =	sgt.u32 s14, $0x7F;
	(pc) =	sbr.rel .LBB2_4-.Ltmp1, $4  }
0xda: {  	s14 =	sadd.s32 s1, s29;
	s18 =	simm.s32 $0x2;
	s13 =	simm.s32 $0x1  }
0xdb: {  	s16 =	simm.s32 $0x0;
	s19 =	simm.s32 $0x0;
	s13 =	simm.s32 @!p0 $0x0  }
0xdc: {  	[tilespmem:s30], [sflag:$0x2] =	stream.strided.gather [hbm4b:s14+s24], $0x2000, s23, s24, $0x38;
	[tilespmem:$0x1C600] =	vst v63  }
0xdd: {  	s26 =	sadd.s32 s13, s2;
	s13 =	simm.s32 $0x0;
	s14 =	simm.s32 $0x205  }
.LBB2_10:
0xde: {  	s7 =	sshll.u32 s26, $0xD  }
0xdf: {  	s8 =	sand.u32 $0xFFFFF80, s16;
	s7 =	sand.u32 $0x6000, s7  }
0xe0: {  	s26 =	sadd.s32 $0x1, s26;
	s8 =	sadd.s32 s0, s8;
	s7 =	sor.u32 $0x400, s7  }
0xe1: {  	[tilespmem:s7], [sflag:$0x1] =	stream.strided.gather [hbm4b:s8+s24], $0x2000, s23, s24, $0x38;
	[tilespmem:$0x1C600] =	vst v63  }
.LBB2_12:
0xe2: {  	s7 =	sadd.s32 $0x7, s13  }
0xe3: {  	s8 =	smul.u32 $0xAAAB, s7;
	_ =	sdelay $0x1  }
0xe4: {  	s8 =	sshrl.u32 s8, $0x12  }
0xe5: {  	s8 =	smul.u32 $0x6, s8  }
0xe6: {  	s9 =	sld [smem:s14+$0x2]  }
0xe7: {  	s7 =	ssub.s32 s7, s8  }
0xe8: {  	s7 =	sand.u32 $0xFFFF, s7  }
0xe9: {  	s29 =	sand.u32 $0xFFFFF80, s9;
	s7 =	sshll.u32 s7, $0xD  }
0xea: {  	s8 =	sadd.s32 s1, s29;
	s7 =	sadd.s32 $0x8400, s7  }
0xeb: {  	[tilespmem:s7], [sflag:$0x2] =	stream.strided.gather [hbm4b:s8+s24], $0x2000, s23, s24, $0x38;
	[tilespmem:$0x1C600] =	vst v63  }
.LBB2_13:
0xec: {  	s7 =	sld [smem:s18+$0x0]  }
0xed: {  	s8 =	sld [smem:s18+$0xFFFFFFFF];
	_ =	sdelay $0x2  }
0xee: {  	s8 =	sxor.u32 s7, s8  }
0xef: {  	p1 =	slt.u32 s8, $0x80  }
0xf0: {  	s9 =	simm.s32 @!p1 $0x1  }
0xf1: {  	_ =	swait.ge @!p1 [sflag:s9], $0x2000  }
0xf2: {  	s10 =	sadd.s32 $0x2, s13;
	[sflag:s9] =	ssyncset.done @!p1 $0x0  }
0xf3: {  	s16 =	smul.u32 $0xAAAB, s10;
	[sflag:s9] =	ssyncadd.s32 @!p1 $0xFFFFE000  }
0xf4: {  	p1 =	sgt.u32 s8, $0x7F;
	s8 =	simm.s32 $0x1;
	_ =	swait.ge [sflag:s31], $0x2000  }
0xf5: {  	s9 =	sshrl.u32 s16, $0x12;
	s8 =	simm.s32 @!p1 $0x0;
	[sflag:s31] =	ssyncset.done $0x0  }
0xf6: {  	s2 =	sadd.s32 s8, s2;
	s8 =	smul.u32 $0x6, s9;
	[sflag:s31] =	ssyncadd.s32 $0xFFFFE000  }
0xf7: {  	s29 =	sadd.s32 $0xFFFFFFFF, s2;
	s16 =	sld [smem:s14+$0xFFFFFFFD]  }
0xf8: {  	s9 =	sand.u32 $0x3, s29;
	s8 =	ssub.s32 s10, s8  }
0xf9: {  	s7 =	sand.u32 $0x7F, s7;
	s8 =	sand.u32 $0xFFFF, s8;
	s9 =	sshll.u32 s9, $0xD  }
0xfa: {  	s7 =	sor.u32 s7, s9;
	s8 =	sshll.u32 s8, $0xD;
	s16 =	sand.u32 $0x7F, s16  }
0xfb: {  	v8 =	vor.u32 s7, v0;
	s8 =	sor.u32 s8, s16  }
0xfc: {  	v9 =	vor.u32 s8, v0;
	_ =	sdelay $0x2  }
0xfd: {  	v10 =	vmov s10  }
0xfe: {  	v11 =	vshll.u32 v10, $0x3;
	v8 =	vld.idx.msk [tilespmem:v8+s24+$0x0], $0xffff  }
0xff: {  	v10 =	vand.u32 $0x7E, v10;
	v11 =	vand.u32 $0xC00, v11;
	v9 =	vld.idx.msk [tilespmem:v9+s25+$0x0], $0xffff  }
0x100: {  	v10 =	vor.u32 v10, v11  }
0x101: {  	v11 =	vor.u32 v1, v10  }
0x102: {  	v12 =	vor.u32 s7, v2  }
0x103: {  	v13 =	vor.u32 s8, v2  }
0x104: {  	v8 =	vmul.f32 v9, v8;
	_ =	sdelay $0x1  }
0x105: {  	[tilespmem:v11+s3+$0x0] =	vst.idx.msk $0xffff, v8  }
0x106: {  	v8 =	vld.idx.msk [tilespmem:v12+s24+$0x0], $0xffff  }
0x107: {  	v41 =	vld.idx.msk [tilespmem:v13+s25+$0x0], $0xffff;
	_ =	sdelay $0x1  }
0x108: {  	v42 =	vor.u32 v3, v10  }
0x109: {  	v43 =	vor.u32 s7, v4  }
0x10a: {  	v44 =	vor.u32 s8, v4  }
0x10b: {  	v8 =	vmul.f32 v41, v8;
	_ =	sdelay $0x1  }
0x10c: {  	[tilespmem:v42+s3+$0x0] =	vst.idx.msk $0xffff, v8  }
0x10d: {  	v8 =	vld.idx.msk [tilespmem:v43+s24+$0x0], $0xffff  }
0x10e: {  	v45 =	vld.idx.msk [tilespmem:v44+s25+$0x0], $0xffff;
	_ =	sdelay $0x1  }
0x10f: {  	v46 =	vor.u32 v5, v10  }
0x110: {  	v47 =	vor.u32 s7, v6  }
0x111: {  	s30 =	smin.u32 s30, $0x1FF;
	v48 =	vor.u32 s8, v6  }
0x112: {  	s7 =	sld [smem:s30+$0xFFFFFFFF];
	v8 =	vmul.f32 v45, v8  }
0x113: {  	s8 =	sld [smem:s30+$0x0]  }
0x114: {  	[tilespmem:v46+s3+$0x0] =	vst.idx.msk $0xffff, v8  }
0x115: {  	v8 =	vld.idx.msk [tilespmem:v47+s24+$0x0], $0xffff  }
0x116: {  	s7 =	sxor.u32 s8, s7;
	v49 =	vld.idx.msk [tilespmem:v48+s25+$0x0], $0xffff  }
0x117: {  	p6 =	sne.s32 s13, $0x1FC;
	p2 =	sgt.u32 s7, $0x7F  }
0x118: {  	v10 =	vor.u32 v7, v10;
	p1 =	por !p6, !p2;
	p2 =	sgt.u32 s19, $0x7D  }
0x119: {  	s7 =	sadd.s32 @!p2 $0x8, s13  }
0x11a: {  	p1 =	por !p1, !p1;
	s10 =	smul.u32 @!p2 $0xAAAB, s7  }
0x11b: {  	s9 =	sshll.u32 @p1 s26, $0xD;
	s8 =	sand.u32 @p1 $0xFFFFF80, s8;
	s16 =	simm.s32 @p1 $0x400;
	v8 =	vmul.f32 v49, v8  }
0x11c: {  	s29 =	simm.s32 @p1 $0x7A1400;
	s9 =	sand.u32 @p1 $0x6000, s9;
	s10 =	sshrl.u32 @!p2 s10, $0x12  }
0x11d: {  	s8 =	sadd.s32 @p1 s0, s8;
	s9 =	sor.u32 @p1 $0x400, s9;
	s10 =	smul.u32 @!p2 $0x6, s10;
	[tilespmem:v10+s3+$0x0] =	vst.idx.msk $0xffff, v8  }
0x11e: {  	[tilespmem:s9], [sflag:$0x1] =	stream.strided.gather @p1 [hbm4b:s8+s16], $0x2000, s29, s16, $0x38;
	[tilespmem:$0x1C600] =	vst v63  }
0x11f: {  	s8 =	sld @!p2 [smem:s14+$0x3]  }
0x120: {  	s7 =	ssub.s32 @!p2 s7, s10  }
0x121: {  	s10 =	simm.s32 @!p2 $0x7A1400;
	s7 =	sand.u32 @!p2 $0xFFFF, s7  }
0x122: {  	s7 =	sshll.u32 @!p2 s7, $0xD;
	s8 =	sand.u32 @!p2 $0xFFFFF80, s8  }
0x123: {  	s7 =	sadd.s32 @!p2 $0x8400, s7;
	s9 =	simm.s32 @!p2 $0x400;
	s8 =	sadd.s32 @!p2 s1, s8  }
0x124: {  	[tilespmem:s7], [sflag:$0x2] =	stream.strided.gather @!p2 [hbm4b:s8+s9], $0x2000, s10, s9, $0x38;
	[tilespmem:$0x1C600] =	vst v63  }
0x125: {  	s7 =	simm.s32 @!p0 $0x1  }
0x126: {  	_ =	swait.ge @!p0 [sflag:s7], $0x2000  }
0x127: {  	s8 =	sadd.s32 $0x3, s13;
	[sflag:s7] =	ssyncset.done @!p0 $0x0  }
0x128: {  	s9 =	smul.u32 $0xAAAB, s8;
	[sflag:s7] =	ssyncadd.s32 @!p0 $0xFFFFE000  }
0x129: {  	_ =	swait.ge [sflag:s31], $0x2000  }
0x12a: {  	s7 =	sshrl.u32 s9, $0x12;
	[sflag:s31] =	ssyncset.done $0x0  }
0x12b: {  	s16 =	sadd.s32 s28, s2;
	s10 =	smul.u32 $0x6, s7;
	[sflag:s31] =	ssyncadd.s32 $0xFFFFE000  }
0x12c: {  	s28 =	sadd.s32 $0xFFFFFFFF, s16;
	s29 =	sld [smem:s14+$0xFFFFFFFE]  }
0x12d: {  	s7 =	sand.u32 $0x3, s28;
	s2 =	ssub.s32 s8, s10  }
0x12e: {  	s30 =	sand.u32 $0x7F, s21;
	s7 =	sshll.u32 s7, $0xD;
	s2 =	sand.u32 $0xFFFF, s2  }
0x12f: {  	s7 =	sor.u32 s30, s7;
	s2 =	sshll.u32 s2, $0xD;
	s9 =	sand.u32 $0x7F, s29  }
0x130: {  	v8 =	vor.u32 s7, v0;
	s2 =	sor.u32 s2, s9  }
0x131: {  	v50 =	vor.u32 s2, v0;
	_ =	sdelay $0x2  }
0x132: {  	v51 =	vmov s8  }
0x133: {  	v52 =	vshll.u32 v51, $0x3;
	v8 =	vld.idx.msk [tilespmem:v8+s24+$0x0], $0xffff  }
0x134: {  	v10 =	vand.u32 $0x7F, v51;
	v11 =	vand.u32 $0xC00, v52;
	v9 =	vld.idx.msk [tilespmem:v50+s25+$0x0], $0xffff  }
0x135: {  	v10 =	vor.u32 v10, v11  }
0x136: {  	v11 =	vor.u32 v1, v10  }
0x137: {  	v53 =	vor.u32 s7, v2  }
0x138: {  	v54 =	vor.u32 s2, v2  }
0x139: {  	v8 =	vmul.f32 v9, v8;
	_ =	sdelay $0x1  }
0x13a: {  	[tilespmem:v11+s3+$0x0] =	vst.idx.msk $0xffff, v8  }
0x13b: {  	v8 =	vld.idx.msk [tilespmem:v53+s24+$0x0], $0xffff  }
0x13c: {  	v55 =	vld.idx.msk [tilespmem:v54+s25+$0x0], $0xffff;
	_ =	sdelay $0x1  }
0x13d: {  	v56 =	vor.u32 v3, v10  }
0x13e: {  	v57 =	vor.u32 s7, v4  }
0x13f: {  	v58 =	vor.u32 s2, v4  }
0x140: {  	v8 =	vmul.f32 v55, v8;
	_ =	sdelay $0x1  }
0x141: {  	[tilespmem:v56+s3+$0x0] =	vst.idx.msk $0xffff, v8  }
0x142: {  	v8 =	vld.idx.msk [tilespmem:v57+s24+$0x0], $0xffff  }
0x143: {  	v59 =	vld.idx.msk [tilespmem:v58+s25+$0x0], $0xffff;
	_ =	sdelay $0x1  }
0x144: {  	v60 =	vor.u32 v5, v10  }
0x145: {  	v61 =	vor.u32 s7, v6  }
0x146: {  	v62 =	vor.u32 s2, v6  }
0x147: {  	v8 =	vmul.f32 v59, v8;
	_ =	sdelay $0x1  }
0x148: {  	[tilespmem:v60+s3+$0x0] =	vst.idx.msk $0xffff, v8  }
0x149: {  	v8 =	vld.idx.msk [tilespmem:v61+s24+$0x0], $0xffff  }
0x14a: {  	v63 =	vld.idx.msk [tilespmem:v62+s25+$0x0], $0xffff  }
0x14b: {  	s13 =	sadd.s32 $0x4, s13  }
0x14c: {  	p0 =	sne.s32 s13, $0x200;
	v10 =	vor.u32 v7, v10  }
.Ltmp2:
0x14d: {  	_ = 	snop;
	(pc) =	sbr.rel @!p0 .LBB2_14-.Ltmp2, $4  }
0x14e: {  	_ = 	snop  }
0x14f: {  	s2 =	simm.s32 $0x1;
	v8 =	vmul.f32 v63, v8  }
0x150: {  	s18 =	sadd.s32 $0x4, s18;
	s2 =	simm.s32 @!p1 $0x0  }
0x151: {  	s19 =	sadd.s32 $0x1, s19;
	s14 =	sadd.s32 $0x4, s14;
	s26 =	sadd.s32 s2, s26;
	[tilespmem:v10+s3+$0x0] =	vst.idx.msk $0xffff, v8  }
.LBB2_4:
0x152: {  	s21 =	sld [smem:s18+$0x1]  }
0x153: {  	s2 =	sld [smem:s18+$0x0]  }
0x154: {  	s29 =	sadd.s32 $0x5, s13;
	p1 =	seq.s32 s13, $0x1FC  }
0x155: {  	s30 =	smul.u32 @!p1 $0xAAAB, s29  }
0x156: {  	s28 =	sxor.u32 s21, s2  }
0x157: {  	s30 =	sshrl.u32 @!p1 s30, $0x12;
	p0 =	slt.u32 s28, $0x80  }
0x158: {  	s30 =	smul.u32 @!p1 $0x6, s30;
	s2 =	sshll.u32 @!p0 s26, $0xD  }
0x159: {  	s7 =	sand.u32 @!p0 $0xFFFFF80, s21;
	s8 =	simm.s32 @!p0 $0x400;
	s2 =	sand.u32 @!p0 $0x6000, s2  }
0x15a: {  	s9 =	simm.s32 @!p0 $0x7A1400;
	s7 =	sadd.s32 @!p0 s0, s7;
	s2 =	sor.u32 @!p0 $0x400, s2  }
0x15b: {  	[tilespmem:s2], [sflag:$0x1] =	stream.strided.gather @!p0 [hbm4b:s7+s8], $0x2000, s9, s8, $0x38;
	[tilespmem:$0x1C600] =	vst v63  }
0x15c: {  	s7 =	sld @!p1 [smem:s14+$0x0]  }
0x15d: {  	s10 =	smax.u32 s13, $0x1;
	s2 =	ssub.s32 @!p1 s29, s30  }
0x15e: {  	s9 =	sld [smem:s10+$0xFFFFFFFF];
	s30 =	simm.s32 @!p1 $0x400;
	s2 =	sand.u32 @!p1 $0xFFFF, s2  }
0x15f: {  	s8 =	sshll.u32 @!p1 s2, $0xD;
	s2 =	sld [smem:s18+$0xFFFFFFFE];
	s7 =	sand.u32 @!p1 $0xFFFFF80, s7  }
0x160: {  	s10 =	simm.s32 @!p1 $0x7A1400;
	s8 =	sadd.s32 @!p1 $0x8400, s8;
	s7 =	sadd.s32 @!p1 s1, s7  }
0x161: {  	[tilespmem:s8], [sflag:$0x2] =	stream.strided.gather @!p1 [hbm4b:s7+s30], $0x2000, s10, s30, $0x38;
	[tilespmem:$0x1C600] =	vst v63  }
0x162: {  	s8 =	sxor.u32 s2, s9  }
0x163: {  	p2 =	seq.s32 s13, $0x0;
	p3 =	sgt.u32 s8, $0x7F  }
0x164: {  	p2 =	por p2, p3  }
0x165: {  	s7 =	simm.s32 @p2 $0x1  }
0x166: {  	_ =	swait.ge @p2 [sflag:s7], $0x2000  }
0x167: {  	[sflag:s7] =	ssyncset.done @p2 $0x0  }
0x168: {  	s9 =	smul.u32 $0xAAAB, s13;
	[sflag:s7] =	ssyncadd.s32 @p2 $0xFFFFE000  }
0x169: {  	s8 =	simm.s32 $0x1;
	_ =	swait.ge [sflag:s31], $0x2000  }
0x16a: {  	s8 =	simm.s32 @!p2 $0x0;
	s7 =	sshrl.u32 s9, $0x12;
	[sflag:s31] =	ssyncset.done $0x0  }
0x16b: {  	s16 =	sadd.s32 s8, s16;
	s7 =	smul.u32 $0x6, s7;
	[sflag:s31] =	ssyncadd.s32 $0xFFFFE000  }
0x16c: {  	s8 =	sadd.s32 $0xFFFFFFFF, s16;
	s9 =	sld [smem:s14+$0xFFFFFFFB]  }
0x16d: {  	s8 =	sand.u32 $0x3, s8;
	s7 =	ssub.s32 s13, s7  }
0x16e: {  	s10 =	sand.u32 $0x7F, s2;
	s8 =	sshll.u32 s8, $0xD;
	s7 =	sand.u32 $0xFFFF, s7  }
0x16f: {  	s8 =	sor.u32 s10, s8;
	s7 =	sshll.u32 s7, $0xD;
	s9 =	sand.u32 $0x7F, s9  }
0x170: {  	v8 =	vor.u32 s8, v0;
	s7 =	sor.u32 s7, s9  }
0x171: {  	v9 =	vor.u32 s7, v0;
	_ =	sdelay $0x2  }
0x172: {  	v10 =	vmov s13  }
0x173: {  	v11 =	vshll.u32 v10, $0x3;
	v8 =	vld.idx.msk [tilespmem:v8+s24+$0x0], $0xffff  }
0x174: {  	v10 =	vand.u32 $0x7C, v10;
	v11 =	vand.u32 $0xC00, v11;
	v9 =	vld.idx.msk [tilespmem:v9+s25+$0x0], $0xffff  }
0x175: {  	v10 =	vor.u32 v10, v11  }
0x176: {  	v11 =	vor.u32 v1, v10  }
0x177: {  	v12 =	vor.u32 s8, v2  }
0x178: {  	v13 =	vor.u32 s7, v2  }
0x179: {  	v8 =	vmul.f32 v9, v8;
	_ =	sdelay $0x1  }
0x17a: {  	[tilespmem:v11+s3+$0x0] =	vst.idx.msk $0xffff, v8  }
0x17b: {  	v8 =	vld.idx.msk [tilespmem:v12+s24+$0x0], $0xffff  }
0x17c: {  	v55 =	vld.idx.msk [tilespmem:v13+s25+$0x0], $0xffff;
	_ =	sdelay $0x1  }
0x17d: {  	v56 =	vor.u32 v3, v10  }
0x17e: {  	v57 =	vor.u32 s8, v4  }
0x17f: {  	v58 =	vor.u32 s7, v4  }
0x180: {  	v8 =	vmul.f32 v55, v8;
	_ =	sdelay $0x1  }
0x181: {  	[tilespmem:v56+s3+$0x0] =	vst.idx.msk $0xffff, v8  }
0x182: {  	v8 =	vld.idx.msk [tilespmem:v57+s24+$0x0], $0xffff  }
0x183: {  	v59 =	vld.idx.msk [tilespmem:v58+s25+$0x0], $0xffff;
	_ =	sdelay $0x1  }
0x184: {  	v60 =	vor.u32 v5, v10  }
0x185: {  	v61 =	vor.u32 s8, v6  }
0x186: {  	s10 =	smin.u32 s13, $0x1FB;
	v62 =	vor.u32 s7, v6  }
0x187: {  	s30 =	sld [smem:s10+$0x4];
	v8 =	vmul.f32 v59, v8  }
0x188: {  	s7 =	sld [smem:s10+$0x3]  }
0x189: {  	[tilespmem:v60+s3+$0x0] =	vst.idx.msk $0xffff, v8  }
0x18a: {  	v8 =	vld.idx.msk [tilespmem:v61+s24+$0x0], $0xffff  }
0x18b: {  	s7 =	sxor.u32 s30, s7;
	v63 =	vld.idx.msk [tilespmem:v62+s25+$0x0], $0xffff  }
0x18c: {  	p2 =	sgt.u32 s28, $0x7F;
	s28 =	simm.s32 $0x1;
	p3 =	slt.u32 @!p1 s7, $0x80  }
0x18d: {  	v10 =	vor.u32 v7, v10;
	s28 =	simm.s32 @!p2 $0x0;
	p2 =	por p1, p3  }
.Ltmp3:
0x18e: {  	_ = 	snop;
	(pc) =	sbr.rel @p2 .LBB2_7-.Ltmp3, $3  }
0x18f: {  	_ = 	snop  }
0x190: {  	v8 =	vmul.f32 v63, v8;
	_ =	sdelay $0x1  }
0x191: {  	s26 =	sadd.s32 s28, s26;
	[tilespmem:v10+s3+$0x0] =	vst.idx.msk $0xffff, v8  }
0x192: {  	s7 =	sshll.u32 s26, $0xD  }
0x193: {  	s8 =	sand.u32 $0xFFFFF80, s30;
	s7 =	sand.u32 $0x6000, s7  }
0x194: {  	s26 =	sadd.s32 $0x1, s26;
	s8 =	sadd.s32 s0, s8;
	s7 =	sor.u32 $0x400, s7  }
0x195: {  	[tilespmem:s7], [sflag:$0x1] =	stream.strided.gather [hbm4b:s8+s24], $0x2000, s23, s24, $0x38;
	[tilespmem:$0x1C600] =	vst v63  }
.LBB2_6:
0x196: {  	s30 =	sadd.s32 $0x6, s13  }
0x197: {  	s7 =	sand.u32 $0xFFFF, s30  }
0x198: {  	s7 =	smul.u32 $0xAAAB, s7;
	_ =	sdelay $0x1  }
0x199: {  	s7 =	sshrl.u32 s7, $0x12  }
0x19a: {  	s7 =	smul.u32 $0x6, s7  }
0x19b: {  	s8 =	sld [smem:s14+$0x1]  }
0x19c: {  	s7 =	ssub.s32 s30, s7  }
0x19d: {  	s7 =	sand.u32 $0xFFFF, s7  }
0x19e: {  	s8 =	sand.u32 $0xFFFFF80, s8;
	s7 =	sshll.u32 s7, $0xD  }
0x19f: {  	s8 =	sadd.s32 s1, s8;
	s7 =	sadd.s32 $0x8400, s7  }
0x1a0: {  	[tilespmem:s7], [sflag:$0x2] =	stream.strided.gather [hbm4b:s8+s24], $0x2000, s23, s24, $0x38;
	[tilespmem:$0x1C600] =	vst v63  }
.LBB2_9:
0x1a1: {  	s7 =	sld [smem:s18+$0xFFFFFFFF];
	_ =	sdelay $0x2  }
0x1a2: {  	s2 =	sxor.u32 s2, s7  }
0x1a3: {  	p2 =	slt.u32 s2, $0x80  }
0x1a4: {  	s8 =	simm.s32 @!p2 $0x1  }
0x1a5: {  	_ =	swait.ge @!p2 [sflag:s8], $0x2000  }
0x1a6: {  	s9 =	sadd.s32 $0x1, s13;
	[sflag:s8] =	ssyncset.done @!p2 $0x0  }
0x1a7: {  	s10 =	smul.u32 $0xAAAB, s9;
	[sflag:s8] =	ssyncadd.s32 @!p2 $0xFFFFE000  }
0x1a8: {  	p2 =	sgt.u32 s2, $0x7F;
	s2 =	simm.s32 $0x1;
	_ =	swait.ge [sflag:s31], $0x2000  }
0x1a9: {  	s8 =	sshrl.u32 s10, $0x12;
	s2 =	simm.s32 @!p2 $0x0;
	[sflag:s31] =	ssyncset.done $0x0  }
0x1aa: {  	s8 =	smul.u32 $0x6, s8;
	s2 =	sadd.s32 s2, s16;
	[sflag:s31] =	ssyncadd.s32 $0xFFFFE000  }
0x1ab: {  	s10 =	sadd.s32 $0xFFFFFFFF, s2;
	s16 =	sld [smem:s14+$0xFFFFFFFC]  }
0x1ac: {  	s8 =	ssub.s32 s9, s8;
	s10 =	sand.u32 $0x3, s10  }
0x1ad: {  	s7 =	sand.u32 $0x7F, s7;
	s8 =	sand.u32 $0xFFFF, s8;
	s10 =	sshll.u32 s10, $0xD  }
0x1ae: {  	s8 =	sshll.u32 s8, $0xD;
	s7 =	sor.u32 s7, s10;
	s16 =	sand.u32 $0x7F, s16  }
0x1af: {  	v8 =	vor.u32 s7, v0;
	s8 =	sor.u32 s8, s16  }
0x1b0: {  	v9 =	vor.u32 s8, v0;
	_ =	sdelay $0x2  }
0x1b1: {  	v10 =	vmov s9  }
0x1b2: {  	v11 =	vshll.u32 v10, $0x3;
	v8 =	vld.idx.msk [tilespmem:v8+s24+$0x0], $0xffff  }
0x1b3: {  	v10 =	vand.u32 $0x7D, v10;
	v11 =	vand.u32 $0xC00, v11;
	v9 =	vld.idx.msk [tilespmem:v9+s25+$0x0], $0xffff  }
0x1b4: {  	v10 =	vor.u32 v10, v11  }
0x1b5: {  	v11 =	vor.u32 v1, v10  }
0x1b6: {  	v12 =	vor.u32 s7, v2  }
0x1b7: {  	v13 =	vor.u32 s8, v2  }
0x1b8: {  	v8 =	vmul.f32 v9, v8;
	_ =	sdelay $0x1  }
0x1b9: {  	[tilespmem:v11+s3+$0x0] =	vst.idx.msk $0xffff, v8  }
0x1ba: {  	v8 =	vld.idx.msk [tilespmem:v12+s24+$0x0], $0xffff  }
0x1bb: {  	v55 =	vld.idx.msk [tilespmem:v13+s25+$0x0], $0xffff;
	_ =	sdelay $0x1  }
0x1bc: {  	v56 =	vor.u32 v3, v10  }
0x1bd: {  	v57 =	vor.u32 s7, v4  }
0x1be: {  	v58 =	vor.u32 s8, v4  }
0x1bf: {  	v8 =	vmul.f32 v55, v8;
	_ =	sdelay $0x1  }
0x1c0: {  	[tilespmem:v56+s3+$0x0] =	vst.idx.msk $0xffff, v8  }
0x1c1: {  	v8 =	vld.idx.msk [tilespmem:v57+s24+$0x0], $0xffff  }
0x1c2: {  	v59 =	vld.idx.msk [tilespmem:v58+s25+$0x0], $0xffff;
	_ =	sdelay $0x1  }
0x1c3: {  	v60 =	vor.u32 v5, v10  }
0x1c4: {  	s9 =	smin.u32 s29, $0x1FF;
	v61 =	vor.u32 s7, v6  }
0x1c5: {  	s10 =	sadd.s32 $0xFFFFFFFF, s9;
	v62 =	vor.u32 s8, v6  }
0x1c6: {  	s29 =	sand.u32 $0x1FE, s10;
	s16 =	sld [smem:s9+$0x0];
	v8 =	vmul.f32 v59, v8  }
0x1c7: {  	s7 =	sld [smem:s29+$0x0]  }
0x1c8: {  	[tilespmem:v60+s3+$0x0] =	vst.idx.msk $0xffff, v8  }
0x1c9: {  	v8 =	vld.idx.msk [tilespmem:v61+s24+$0x0], $0xffff  }
0x1ca: {  	s7 =	sxor.u32 s16, s7;
	v63 =	vld.idx.msk [tilespmem:v62+s25+$0x0], $0xffff  }
0x1cb: {  	p2 =	slt.u32 @!p1 s7, $0x80  }
0x1cc: {  	v10 =	vor.u32 v7, v10;
	p2 =	por p1, p2  }
.Ltmp4:
0x1cd: {  	_ = 	snop;
	(pc) =	sbr.rel @!p2 .LBB2_10-.Ltmp4, $3  }
0x1ce: {  	_ = 	snop  }
0x1cf: {  	v8 =	vmul.f32 v63, v8;
	_ =	sdelay $0x1  }
0x1d0: {  	[tilespmem:v10+s3+$0x0] =	vst.idx.msk $0xffff, v8  }
.Ltmp5:
0x1d1: {  	(pc) =	sbr.rel @p1 .LBB2_13-.Ltmp5, $4  }
.Ltmp6:
0x1d2: {  	(pc) =	sbr.rel @!p1 .LBB2_12-.Ltmp6, $4  }
0x1d3: {  	_ = 	snop  }
0x1d4: {  	_ = 	snop  }
0x1d5: {  	_ = 	snop  }
0x1d6: {  	_ = 	snop  }
.LBB2_7:
.Ltmp7:
0x1d7: {  	(pc) =	sbr.rel @!p1 .LBB2_6-.Ltmp7, $1  }
0x1d8: {  	_ =	sdelay $0x3  }
.Ltmp8:
0x1d9: {  	(pc) =	sbr.rel .LBB2_9-.Ltmp8, $3  }
0x1da: {  	_ =	sdelay $0x1  }
0x1db: {  	s7 =	sshll.u32 s19, $0x2  }
0x1dc: {  	s30 =	sadd.s32 $0x6, s7  }
.LBB2_14:
0x1dd: {  	s2 =	simm.s32 $0x0  }
0x1de: {  	s7 =	sand.u32 $0x70, s2;
	s2 =	sand.u32 $0xC00, s2  }
0x1df: {  	s13 =	sor.u32 s7, s2  }
0x1e0: {  	v8 =	vld [tilespmem:s13+$0x14400]  }
0x1e1: {  	s2 =	sadd.s32 $0x14400, s13  }
0x1e2: {  	v9 =	vld [tilespmem:s2+$0x80];
	_ =	sdelay $0x1  }
0x1e3: {  	v10 =	vld [tilespmem:s2+$0x100]  }
0x1e4: {  	v8 =	vadd.f32 $0.0e+00, v8  }
0x1e5: {  	v11 =	vld [tilespmem:s2+$0x180]  }
0x1e6: {  	v8 =	vadd.f32 v9, v8  }
0x1e7: {  	v9 =	vld [tilespmem:s2+$0x200]  }
0x1e8: {  	v8 =	vadd.f32 v10, v8  }
0x1e9: {  	v10 =	vld [tilespmem:s2+$0x280]  }
0x1ea: {  	v8 =	vadd.f32 v11, v8  }
0x1eb: {  	v11 =	vld [tilespmem:s2+$0x300]  }
0x1ec: {  	v8 =	vadd.f32 v9, v8  }
0x1ed: {  	v9 =	vld [tilespmem:s2+$0x380]  }
0x1ee: {  	v8 =	vadd.f32 v10, v8  }
0x1ef: {  	v10 =	vld [tilespmem:s13+$0x15400]  }
0x1f0: {  	v8 =	vadd.f32 v11, v8  }
0x1f1: {  	v11 =	vld [tilespmem:s13+$0x15480]  }
0x1f2: {  	v8 =	vadd.f32 v9, v8  }
0x1f3: {  	v9 =	vld [tilespmem:s13+$0x15500]  }
0x1f4: {  	v8 =	vadd.f32 v10, v8  }
0x1f5: {  	v10 =	vld [tilespmem:s13+$0x15580]  }
0x1f6: {  	v8 =	vadd.f32 v11, v8  }
0x1f7: {  	v11 =	vld [tilespmem:s13+$0x15600]  }
0x1f8: {  	v8 =	vadd.f32 v9, v8  }
0x1f9: {  	v9 =	vld [tilespmem:s13+$0x15680]  }
0x1fa: {  	v8 =	vadd.f32 v10, v8  }
0x1fb: {  	v10 =	vld [tilespmem:s13+$0x15700]  }
0x1fc: {  	v8 =	vadd.f32 v11, v8  }
0x1fd: {  	v11 =	vld [tilespmem:s13+$0x15780]  }
0x1fe: {  	v8 =	vadd.f32 v9, v8  }
0x1ff: {  	v9 =	vld [tilespmem:s13+$0x16400]  }
0x200: {  	v8 =	vadd.f32 v10, v8  }
0x201: {  	v10 =	vld [tilespmem:s13+$0x16480]  }
0x202: {  	v8 =	vadd.f32 v11, v8  }
0x203: {  	v11 =	vld [tilespmem:s13+$0x16500]  }
0x204: {  	v8 =	vadd.f32 v9, v8  }
0x205: {  	v9 =	vld [tilespmem:s13+$0x16580]  }
0x206: {  	v8 =	vadd.f32 v10, v8  }
0x207: {  	v10 =	vld [tilespmem:s13+$0x16600]  }
0x208: {  	v8 =	vadd.f32 v11, v8  }
0x209: {  	v11 =	vld [tilespmem:s13+$0x16680]  }
0x20a: {  	v8 =	vadd.f32 v9, v8  }
0x20b: {  	v9 =	vld [tilespmem:s13+$0x16700]  }
0x20c: {  	v8 =	vadd.f32 v10, v8  }
0x20d: {  	v10 =	vld [tilespmem:s13+$0x16780]  }
0x20e: {  	v8 =	vadd.f32 v11, v8  }
0x20f: {  	v11 =	vld [tilespmem:s13+$0x17400]  }
0x210: {  	v8 =	vadd.f32 v9, v8  }
0x211: {  	v9 =	vld [tilespmem:s13+$0x17480]  }
0x212: {  	v8 =	vadd.f32 v10, v8  }
0x213: {  	v10 =	vld [tilespmem:s13+$0x17500]  }
0x214: {  	v8 =	vadd.f32 v11, v8  }
0x215: {  	v11 =	vld [tilespmem:s13+$0x17580]  }
0x216: {  	v8 =	vadd.f32 v9, v8  }
0x217: {  	v9 =	vld [tilespmem:s13+$0x17600]  }
0x218: {  	v8 =	vadd.f32 v10, v8  }
0x219: {  	v10 =	vld [tilespmem:s13+$0x17680]  }
0x21a: {  	v8 =	vadd.f32 v11, v8  }
0x21b: {  	v11 =	vld [tilespmem:s13+$0x17700]  }
0x21c: {  	v8 =	vadd.f32 v9, v8  }
0x21d: {  	v9 =	vld [tilespmem:s13+$0x17780]  }
0x21e: {  	v8 =	vadd.f32 v10, v8  }
0x21f: {  	v10 =	vld [tilespmem:s13+$0x18400]  }
0x220: {  	v8 =	vadd.f32 v11, v8  }
0x221: {  	v11 =	vld [tilespmem:s13+$0x18480]  }
0x222: {  	v8 =	vadd.f32 v9, v8  }
0x223: {  	v9 =	vld [tilespmem:s13+$0x18500]  }
0x224: {  	v8 =	vadd.f32 v10, v8  }
0x225: {  	v10 =	vld [tilespmem:s13+$0x18580]  }
0x226: {  	v8 =	vadd.f32 v11, v8  }
0x227: {  	v11 =	vld [tilespmem:s13+$0x18600]  }
0x228: {  	v8 =	vadd.f32 v9, v8  }
0x229: {  	v9 =	vld [tilespmem:s13+$0x18680]  }
0x22a: {  	v8 =	vadd.f32 v10, v8  }
0x22b: {  	v10 =	vld [tilespmem:s13+$0x18700]  }
0x22c: {  	v8 =	vadd.f32 v11, v8  }
0x22d: {  	v11 =	vld [tilespmem:s13+$0x18780]  }
0x22e: {  	v8 =	vadd.f32 v9, v8  }
0x22f: {  	v9 =	vld [tilespmem:s13+$0x19400]  }
0x230: {  	v8 =	vadd.f32 v10, v8  }
0x231: {  	v10 =	vld [tilespmem:s13+$0x19480]  }
0x232: {  	v8 =	vadd.f32 v11, v8  }
0x233: {  	v11 =	vld [tilespmem:s13+$0x19500]  }
0x234: {  	v8 =	vadd.f32 v9, v8  }
0x235: {  	v9 =	vld [tilespmem:s13+$0x19580]  }
0x236: {  	v8 =	vadd.f32 v10, v8  }
0x237: {  	v10 =	vld [tilespmem:s13+$0x19600]  }
0x238: {  	v8 =	vadd.f32 v11, v8  }
0x239: {  	v11 =	vld [tilespmem:s13+$0x19680]  }
0x23a: {  	v8 =	vadd.f32 v9, v8  }
0x23b: {  	v9 =	vld [tilespmem:s13+$0x19700]  }
0x23c: {  	v8 =	vadd.f32 v10, v8  }
0x23d: {  	v10 =	vld [tilespmem:s13+$0x19780]  }
0x23e: {  	v8 =	vadd.f32 v11, v8  }
0x23f: {  	v11 =	vld [tilespmem:s13+$0x1A400]  }
0x240: {  	v8 =	vadd.f32 v9, v8  }
0x241: {  	v9 =	vld [tilespmem:s13+$0x1A480]  }
0x242: {  	v8 =	vadd.f32 v10, v8  }
0x243: {  	v10 =	vld [tilespmem:s13+$0x1A500]  }
0x244: {  	v8 =	vadd.f32 v11, v8  }
0x245: {  	v11 =	vld [tilespmem:s13+$0x1A580]  }
0x246: {  	v8 =	vadd.f32 v9, v8  }
0x247: {  	v9 =	vld [tilespmem:s13+$0x1A600]  }
0x248: {  	v8 =	vadd.f32 v10, v8  }
0x249: {  	v10 =	vld [tilespmem:s13+$0x1A680]  }
0x24a: {  	v8 =	vadd.f32 v11, v8  }
0x24b: {  	v11 =	vld [tilespmem:s13+$0x1A700]  }
0x24c: {  	v8 =	vadd.f32 v9, v8  }
0x24d: {  	v9 =	vld [tilespmem:s13+$0x1A780]  }
0x24e: {  	v8 =	vadd.f32 v10, v8  }
0x24f: {  	v10 =	vld [tilespmem:s13+$0x1B400]  }
0x250: {  	v8 =	vadd.f32 v11, v8  }
0x251: {  	v11 =	vld [tilespmem:s13+$0x1B480]  }
0x252: {  	v8 =	vadd.f32 v9, v8  }
0x253: {  	v9 =	vld [tilespmem:s13+$0x1B500]  }
0x254: {  	v8 =	vadd.f32 v10, v8  }
0x255: {  	v10 =	vld [tilespmem:s13+$0x1B580]  }
0x256: {  	v8 =	vadd.f32 v11, v8  }
0x257: {  	v11 =	vld [tilespmem:s13+$0x1B600]  }
0x258: {  	v8 =	vadd.f32 v9, v8  }
0x259: {  	v9 =	vld [tilespmem:s13+$0x1B680]  }
0x25a: {  	v8 =	vadd.f32 v10, v8  }
0x25b: {  	v10 =	vld [tilespmem:s13+$0x1B700]  }
0x25c: {  	v8 =	vadd.f32 v11, v8  }
0x25d: {  	v11 =	vld [tilespmem:s13+$0x1B780]  }
0x25e: {  	v8 =	vadd.f32 v9, v8;
	_ =	sdelay $0x1  }
0x25f: {  	v8 =	vadd.f32 v10, v8;
	_ =	sdelay $0x1  }
0x260: {  	v8 =	vadd.f32 v11, v8;
	_ =	sdelay $0x1  }
0x261: {  	v8 =	vsub.f32 $0.0e+00, v8;
	_ =	sdelay $0x1  }
0x262: {  	v8 =	vmul.f32 $1.442695020e+00, v8;
	_ =	sdelay $0x1  }
0x263: {  	(erf) = vpow2.f32 v8;
	_ =	sdelay $0x8  }
0x264: {  	v8 =	vpop (erf)  }
0x265: {  	v8 =	vadd.f32 $1.000000000e+00, v8;
	_ =	sdelay $0x1  }
0x266: {  	(erf) = vrcp.f32 v8;
	_ =	sdelay $0x7  }
0x267: {  	s30 =	simm.s32 $0x10;
	s14 =	simm.s32 $0x80;
	s18 =	simm.s32 $0x20  }
0x268: {  	s16 =	sand.u32 $0xC00, s14;
	s2 =	sand.u32 $0x70, s30;
	s13 =	simm.s32 $0x1C400;
	v8 =	vpop (erf)  }
.LBB2_15:
0x269: {  	p0 =	sne.s32 s18, $0x1F0;
	s19 =	sor.u32 s2, s16;
	[tilespmem:s13+$0x0] =	vst v8  }
0x26a: {  	v8 =	vld [tilespmem:s19+$0x14400]  }
0x26b: {  	s2 =	sadd.s32 $0x14400, s19  }
0x26c: {  	v9 =	vld [tilespmem:s2+$0x80];
	_ =	sdelay $0x1  }
0x26d: {  	v10 =	vld [tilespmem:s2+$0x100]  }
0x26e: {  	v8 =	vadd.f32 $0.0e+00, v8  }
0x26f: {  	v11 =	vld [tilespmem:s2+$0x180]  }
0x270: {  	v8 =	vadd.f32 v9, v8  }
0x271: {  	v9 =	vld [tilespmem:s2+$0x200]  }
0x272: {  	v8 =	vadd.f32 v10, v8  }
0x273: {  	v10 =	vld [tilespmem:s2+$0x280]  }
0x274: {  	v8 =	vadd.f32 v11, v8  }
0x275: {  	v11 =	vld [tilespmem:s2+$0x300]  }
0x276: {  	v8 =	vadd.f32 v9, v8  }
0x277: {  	v9 =	vld [tilespmem:s2+$0x380]  }
0x278: {  	v8 =	vadd.f32 v10, v8  }
0x279: {  	v10 =	vld [tilespmem:s19+$0x15400]  }
0x27a: {  	v8 =	vadd.f32 v11, v8  }
0x27b: {  	v11 =	vld [tilespmem:s19+$0x15480]  }
0x27c: {  	v8 =	vadd.f32 v9, v8  }
0x27d: {  	v9 =	vld [tilespmem:s19+$0x15500]  }
0x27e: {  	v8 =	vadd.f32 v10, v8  }
0x27f: {  	v10 =	vld [tilespmem:s19+$0x15580]  }
0x280: {  	v8 =	vadd.f32 v11, v8  }
0x281: {  	v11 =	vld [tilespmem:s19+$0x15600]  }
0x282: {  	v8 =	vadd.f32 v9, v8  }
0x283: {  	v9 =	vld [tilespmem:s19+$0x15680]  }
0x284: {  	v8 =	vadd.f32 v10, v8  }
0x285: {  	v10 =	vld [tilespmem:s19+$0x15700]  }
0x286: {  	v8 =	vadd.f32 v11, v8  }
0x287: {  	v11 =	vld [tilespmem:s19+$0x15780]  }
0x288: {  	v8 =	vadd.f32 v9, v8  }
0x289: {  	v9 =	vld [tilespmem:s19+$0x16400]  }
0x28a: {  	v8 =	vadd.f32 v10, v8  }
0x28b: {  	v10 =	vld [tilespmem:s19+$0x16480]  }
0x28c: {  	v8 =	vadd.f32 v11, v8  }
0x28d: {  	v11 =	vld [tilespmem:s19+$0x16500]  }
0x28e: {  	v8 =	vadd.f32 v9, v8  }
0x28f: {  	v9 =	vld [tilespmem:s19+$0x16580]  }
0x290: {  	v8 =	vadd.f32 v10, v8  }
0x291: {  	v10 =	vld [tilespmem:s19+$0x16600]  }
0x292: {  	v8 =	vadd.f32 v11, v8  }
0x293: {  	v11 =	vld [tilespmem:s19+$0x16680]  }
0x294: {  	v8 =	vadd.f32 v9, v8  }
0x295: {  	v9 =	vld [tilespmem:s19+$0x16700]  }
0x296: {  	v8 =	vadd.f32 v10, v8  }
0x297: {  	v10 =	vld [tilespmem:s19+$0x16780]  }
0x298: {  	v8 =	vadd.f32 v11, v8  }
0x299: {  	v11 =	vld [tilespmem:s19+$0x17400]  }
0x29a: {  	v8 =	vadd.f32 v9, v8  }
0x29b: {  	v9 =	vld [tilespmem:s19+$0x17480]  }
0x29c: {  	v8 =	vadd.f32 v10, v8  }
0x29d: {  	v10 =	vld [tilespmem:s19+$0x17500]  }
0x29e: {  	v8 =	vadd.f32 v11, v8  }
0x29f: {  	v11 =	vld [tilespmem:s19+$0x17580]  }
0x2a0: {  	v8 =	vadd.f32 v9, v8  }
0x2a1: {  	v9 =	vld [tilespmem:s19+$0x17600]  }
0x2a2: {  	v8 =	vadd.f32 v10, v8  }
0x2a3: {  	v10 =	vld [tilespmem:s19+$0x17680]  }
0x2a4: {  	v8 =	vadd.f32 v11, v8  }
0x2a5: {  	v11 =	vld [tilespmem:s19+$0x17700]  }
0x2a6: {  	v8 =	vadd.f32 v9, v8  }
0x2a7: {  	v9 =	vld [tilespmem:s19+$0x17780]  }
0x2a8: {  	v8 =	vadd.f32 v10, v8  }
0x2a9: {  	v10 =	vld [tilespmem:s19+$0x18400]  }
0x2aa: {  	v8 =	vadd.f32 v11, v8  }
0x2ab: {  	v11 =	vld [tilespmem:s19+$0x18480]  }
0x2ac: {  	v8 =	vadd.f32 v9, v8  }
0x2ad: {  	v9 =	vld [tilespmem:s19+$0x18500]  }
0x2ae: {  	v8 =	vadd.f32 v10, v8  }
0x2af: {  	v10 =	vld [tilespmem:s19+$0x18580]  }
0x2b0: {  	v8 =	vadd.f32 v11, v8  }
0x2b1: {  	v11 =	vld [tilespmem:s19+$0x18600]  }
0x2b2: {  	v8 =	vadd.f32 v9, v8  }
0x2b3: {  	v9 =	vld [tilespmem:s19+$0x18680]  }
0x2b4: {  	v8 =	vadd.f32 v10, v8  }
0x2b5: {  	v10 =	vld [tilespmem:s19+$0x18700]  }
0x2b6: {  	v8 =	vadd.f32 v11, v8  }
0x2b7: {  	v11 =	vld [tilespmem:s19+$0x18780]  }
0x2b8: {  	v8 =	vadd.f32 v9, v8  }
0x2b9: {  	v9 =	vld [tilespmem:s19+$0x19400]  }
0x2ba: {  	v8 =	vadd.f32 v10, v8  }
0x2bb: {  	v10 =	vld [tilespmem:s19+$0x19480]  }
0x2bc: {  	v8 =	vadd.f32 v11, v8  }
0x2bd: {  	v11 =	vld [tilespmem:s19+$0x19500]  }
0x2be: {  	v8 =	vadd.f32 v9, v8  }
0x2bf: {  	v9 =	vld [tilespmem:s19+$0x19580]  }
0x2c0: {  	v8 =	vadd.f32 v10, v8  }
0x2c1: {  	v10 =	vld [tilespmem:s19+$0x19600]  }
0x2c2: {  	v8 =	vadd.f32 v11, v8  }
0x2c3: {  	v11 =	vld [tilespmem:s19+$0x19680]  }
0x2c4: {  	v8 =	vadd.f32 v9, v8  }
0x2c5: {  	v9 =	vld [tilespmem:s19+$0x19700]  }
0x2c6: {  	v8 =	vadd.f32 v10, v8  }
0x2c7: {  	v10 =	vld [tilespmem:s19+$0x19780]  }
0x2c8: {  	v8 =	vadd.f32 v11, v8  }
0x2c9: {  	v11 =	vld [tilespmem:s19+$0x1A400]  }
0x2ca: {  	v8 =	vadd.f32 v9, v8  }
0x2cb: {  	v9 =	vld [tilespmem:s19+$0x1A480]  }
0x2cc: {  	v8 =	vadd.f32 v10, v8  }
0x2cd: {  	v10 =	vld [tilespmem:s19+$0x1A500]  }
0x2ce: {  	v8 =	vadd.f32 v11, v8  }
0x2cf: {  	v11 =	vld [tilespmem:s19+$0x1A580]  }
0x2d0: {  	v8 =	vadd.f32 v9, v8  }
0x2d1: {  	v9 =	vld [tilespmem:s19+$0x1A600]  }
0x2d2: {  	v8 =	vadd.f32 v10, v8  }
0x2d3: {  	v10 =	vld [tilespmem:s19+$0x1A680]  }
0x2d4: {  	v8 =	vadd.f32 v11, v8  }
0x2d5: {  	v11 =	vld [tilespmem:s19+$0x1A700]  }
0x2d6: {  	v8 =	vadd.f32 v9, v8  }
0x2d7: {  	v9 =	vld [tilespmem:s19+$0x1A780]  }
0x2d8: {  	v8 =	vadd.f32 v10, v8  }
0x2d9: {  	v10 =	vld [tilespmem:s19+$0x1B400]  }
0x2da: {  	v8 =	vadd.f32 v11, v8  }
0x2db: {  	v11 =	vld [tilespmem:s19+$0x1B480]  }
0x2dc: {  	v8 =	vadd.f32 v9, v8  }
0x2dd: {  	v9 =	vld [tilespmem:s19+$0x1B500]  }
0x2de: {  	v8 =	vadd.f32 v10, v8  }
0x2df: {  	v10 =	vld [tilespmem:s19+$0x1B580]  }
0x2e0: {  	v8 =	vadd.f32 v11, v8  }
0x2e1: {  	v11 =	vld [tilespmem:s19+$0x1B600]  }
0x2e2: {  	v8 =	vadd.f32 v9, v8  }
0x2e3: {  	v9 =	vld [tilespmem:s19+$0x1B680]  }
0x2e4: {  	v8 =	vadd.f32 v10, v8  }
0x2e5: {  	v10 =	vld [tilespmem:s19+$0x1B700]  }
0x2e6: {  	v8 =	vadd.f32 v11, v8  }
0x2e7: {  	v11 =	vld [tilespmem:s19+$0x1B780]  }
0x2e8: {  	v8 =	vadd.f32 v9, v8;
	_ =	sdelay $0x1  }
0x2e9: {  	v8 =	vadd.f32 v10, v8;
	_ =	sdelay $0x1  }
0x2ea: {  	v8 =	vadd.f32 v11, v8;
	_ =	sdelay $0x1  }
0x2eb: {  	v8 =	vsub.f32 $0.0e+00, v8;
	_ =	sdelay $0x1  }
0x2ec: {  	v8 =	vmul.f32 $1.442695020e+00, v8;
	_ =	sdelay $0x1  }
0x2ed: {  	(erf) = vpow2.f32 v8;
	_ =	sdelay $0x8  }
0x2ee: {  	v8 =	vpop (erf)  }
0x2ef: {  	v8 =	vadd.f32 $1.000000000e+00, v8;
	_ =	sdelay $0x1  }
0x2f0: {  	(erf) = vrcp.f32 v8;
	_ =	sdelay $0x4  }
.Ltmp9:
0x2f1: {  	(pc) =	sbr.rel @p0 .LBB2_15-.Ltmp9, $3  }
0x2f2: {  	_ =	sdelay $0x1  }
0x2f3: {  	s14 =	sadd.s32 $0x80, s14;
	s13 =	sadd.s32 $0x10, s13  }
0x2f4: {  	s16 =	sand.u32 $0xC00, s14;
	s2 =	sand.u32 $0x70, s18;
	s18 =	sadd.s32 $0x10, s18;
	v8 =	vpop (erf)  }
0x2f5: {  	s14 =	sor.u32 s2, s16;
	[tilespmem:s13+$0x0] =	vst v8  }
0x2f6: {  	v8 =	vld [tilespmem:s14+$0x14400]  }
0x2f7: {  	s2 =	sadd.s32 $0x14400, s14  }
0x2f8: {  	v9 =	vld [tilespmem:s2+$0x80];
	_ =	sdelay $0x1  }
0x2f9: {  	v10 =	vld [tilespmem:s2+$0x100]  }
0x2fa: {  	v8 =	vadd.f32 $0.0e+00, v8  }
0x2fb: {  	v11 =	vld [tilespmem:s2+$0x180]  }
0x2fc: {  	v8 =	vadd.f32 v9, v8  }
0x2fd: {  	v56 =	vld [tilespmem:s2+$0x200]  }
0x2fe: {  	v8 =	vadd.f32 v10, v8  }
0x2ff: {  	v57 =	vld [tilespmem:s2+$0x280]  }
0x300: {  	v8 =	vadd.f32 v11, v8  }
0x301: {  	v58 =	vld [tilespmem:s2+$0x300]  }
0x302: {  	v8 =	vadd.f32 v56, v8  }
0x303: {  	v59 =	vld [tilespmem:s2+$0x380]  }
0x304: {  	v8 =	vadd.f32 v57, v8  }
0x305: {  	v60 =	vld [tilespmem:s14+$0x15400]  }
0x306: {  	v8 =	vadd.f32 v58, v8  }
0x307: {  	v61 =	vld [tilespmem:s14+$0x15480]  }
0x308: {  	v8 =	vadd.f32 v59, v8  }
0x309: {  	v62 =	vld [tilespmem:s14+$0x15500]  }
0x30a: {  	v8 =	vadd.f32 v60, v8  }
0x30b: {  	v63 =	vld [tilespmem:s14+$0x15580]  }
0x30c: {  	v8 =	vadd.f32 v61, v8  }
0x30d: {  	v12 =	vld [tilespmem:s14+$0x15600]  }
0x30e: {  	v8 =	vadd.f32 v62, v8  }
0x30f: {  	v13 =	vld [tilespmem:s14+$0x15680]  }
0x310: {  	v8 =	vadd.f32 v63, v8  }
0x311: {  	v14 =	vld [tilespmem:s14+$0x15700]  }
0x312: {  	v8 =	vadd.f32 v12, v8  }
0x313: {  	v15 =	vld [tilespmem:s14+$0x15780]  }
0x314: {  	v8 =	vadd.f32 v13, v8  }
0x315: {  	v16 =	vld [tilespmem:s14+$0x16400]  }
0x316: {  	v8 =	vadd.f32 v14, v8  }
0x317: {  	v17 =	vld [tilespmem:s14+$0x16480]  }
0x318: {  	v8 =	vadd.f32 v15, v8  }
0x319: {  	v18 =	vld [tilespmem:s14+$0x16500]  }
0x31a: {  	v8 =	vadd.f32 v16, v8  }
0x31b: {  	v19 =	vld [tilespmem:s14+$0x16580]  }
0x31c: {  	v8 =	vadd.f32 v17, v8  }
0x31d: {  	v20 =	vld [tilespmem:s14+$0x16600]  }
0x31e: {  	v8 =	vadd.f32 v18, v8  }
0x31f: {  	v21 =	vld [tilespmem:s14+$0x16680]  }
0x320: {  	v8 =	vadd.f32 v19, v8  }
0x321: {  	v22 =	vld [tilespmem:s14+$0x16700]  }
0x322: {  	v8 =	vadd.f32 v20, v8  }
0x323: {  	v23 =	vld [tilespmem:s14+$0x16780]  }
0x324: {  	v8 =	vadd.f32 v21, v8  }
0x325: {  	v24 =	vld [tilespmem:s14+$0x17400]  }
0x326: {  	v8 =	vadd.f32 v22, v8  }
0x327: {  	v25 =	vld [tilespmem:s14+$0x17480]  }
0x328: {  	v8 =	vadd.f32 v23, v8  }
0x329: {  	v26 =	vld [tilespmem:s14+$0x17500]  }
0x32a: {  	v8 =	vadd.f32 v24, v8  }
0x32b: {  	v27 =	vld [tilespmem:s14+$0x17580]  }
0x32c: {  	v8 =	vadd.f32 v25, v8  }
0x32d: {  	v28 =	vld [tilespmem:s14+$0x17600]  }
0x32e: {  	v8 =	vadd.f32 v26, v8  }
0x32f: {  	v29 =	vld [tilespmem:s14+$0x17680]  }
0x330: {  	v8 =	vadd.f32 v27, v8  }
0x331: {  	v30 =	vld [tilespmem:s14+$0x17700]  }
0x332: {  	v8 =	vadd.f32 v28, v8  }
0x333: {  	v31 =	vld [tilespmem:s14+$0x17780]  }
0x334: {  	v8 =	vadd.f32 v29, v8  }
0x335: {  	v32 =	vld [tilespmem:s14+$0x18400]  }
0x336: {  	v8 =	vadd.f32 v30, v8  }
0x337: {  	v33 =	vld [tilespmem:s14+$0x18480]  }
0x338: {  	v8 =	vadd.f32 v31, v8  }
0x339: {  	v34 =	vld [tilespmem:s14+$0x18500]  }
0x33a: {  	v8 =	vadd.f32 v32, v8  }
0x33b: {  	v35 =	vld [tilespmem:s14+$0x18580]  }
0x33c: {  	v8 =	vadd.f32 v33, v8  }
0x33d: {  	v36 =	vld [tilespmem:s14+$0x18600]  }
0x33e: {  	v8 =	vadd.f32 v34, v8  }
0x33f: {  	v37 =	vld [tilespmem:s14+$0x18680]  }
0x340: {  	v8 =	vadd.f32 v35, v8  }
0x341: {  	v38 =	vld [tilespmem:s14+$0x18700]  }
0x342: {  	v8 =	vadd.f32 v36, v8  }
0x343: {  	v39 =	vld [tilespmem:s14+$0x18780]  }
0x344: {  	v8 =	vadd.f32 v37, v8  }
0x345: {  	v40 =	vld [tilespmem:s14+$0x19400]  }
0x346: {  	v8 =	vadd.f32 v38, v8  }
0x347: {  	v41 =	vld [tilespmem:s14+$0x19480]  }
0x348: {  	v8 =	vadd.f32 v39, v8  }
0x349: {  	v42 =	vld [tilespmem:s14+$0x19500]  }
0x34a: {  	v8 =	vadd.f32 v40, v8  }
0x34b: {  	v43 =	vld [tilespmem:s14+$0x19580]  }
0x34c: {  	v8 =	vadd.f32 v41, v8  }
0x34d: {  	v44 =	vld [tilespmem:s14+$0x19600]  }
0x34e: {  	v8 =	vadd.f32 v42, v8  }
0x34f: {  	v45 =	vld [tilespmem:s14+$0x19680]  }
0x350: {  	v8 =	vadd.f32 v43, v8  }
0x351: {  	v46 =	vld [tilespmem:s14+$0x19700]  }
0x352: {  	v8 =	vadd.f32 v44, v8  }
0x353: {  	v47 =	vld [tilespmem:s14+$0x19780]  }
0x354: {  	v8 =	vadd.f32 v45, v8  }
0x355: {  	v48 =	vld [tilespmem:s14+$0x1A400]  }
0x356: {  	v8 =	vadd.f32 v46, v8  }
0x357: {  	v49 =	vld [tilespmem:s14+$0x1A480]  }
0x358: {  	v8 =	vadd.f32 v47, v8  }
0x359: {  	v50 =	vld [tilespmem:s14+$0x1A500]  }
0x35a: {  	v8 =	vadd.f32 v48, v8  }
0x35b: {  	v51 =	vld [tilespmem:s14+$0x1A580]  }
0x35c: {  	v8 =	vadd.f32 v49, v8  }
0x35d: {  	v52 =	vld [tilespmem:s14+$0x1A600]  }
0x35e: {  	v8 =	vadd.f32 v50, v8  }
0x35f: {  	v53 =	vld [tilespmem:s14+$0x1A680]  }
0x360: {  	v8 =	vadd.f32 v51, v8  }
0x361: {  	v54 =	vld [tilespmem:s14+$0x1A700]  }
0x362: {  	v8 =	vadd.f32 v52, v8  }
0x363: {  	v55 =	vld [tilespmem:s14+$0x1A780]  }
0x364: {  	v8 =	vadd.f32 v53, v8  }
0x365: {  	v56 =	vld [tilespmem:s14+$0x1B400]  }
0x366: {  	v8 =	vadd.f32 v54, v8  }
0x367: {  	v57 =	vld [tilespmem:s14+$0x1B480]  }
0x368: {  	v8 =	vadd.f32 v55, v8  }
0x369: {  	v58 =	vld [tilespmem:s14+$0x1B500]  }
0x36a: {  	v8 =	vadd.f32 v56, v8  }
0x36b: {  	v59 =	vld [tilespmem:s14+$0x1B580]  }
0x36c: {  	v8 =	vadd.f32 v57, v8  }
0x36d: {  	v60 =	vld [tilespmem:s14+$0x1B600]  }
0x36e: {  	v8 =	vadd.f32 v58, v8  }
0x36f: {  	v61 =	vld [tilespmem:s14+$0x1B680]  }
0x370: {  	v8 =	vadd.f32 v59, v8  }
0x371: {  	v62 =	vld [tilespmem:s14+$0x1B700]  }
0x372: {  	v8 =	vadd.f32 v60, v8  }
0x373: {  	v63 =	vld [tilespmem:s14+$0x1B780]  }
0x374: {  	v8 =	vadd.f32 v61, v8;
	_ =	sdelay $0x1  }
0x375: {  	v8 =	vadd.f32 v62, v8;
	_ =	sdelay $0x1  }
0x376: {  	v8 =	vadd.f32 v63, v8;
	_ =	sdelay $0x1  }
0x377: {  	v8 =	vsub.f32 $0.0e+00, v8;
	_ =	sdelay $0x1  }
0x378: {  	v8 =	vmul.f32 $1.442695020e+00, v8;
	_ =	sdelay $0x1  }
0x379: {  	(erf) = vpow2.f32 v8;
	_ =	sdelay $0x8  }
0x37a: {  	v8 =	vpop (erf)  }
0x37b: {  	v8 =	vadd.f32 $1.000000000e+00, v8;
	_ =	sdelay $0x1  }
0x37c: {  	(erf) = vrcp.f32 v8;
	_ =	sdelay $0x8  }
0x37d: {  	s28 =	sadd.s32 $0x10, s13;
	v8 =	vpop (erf)  }
0x37e: {  	s29 =	rddreg [dreg:$0x5];
	s8 =	simm.s32 $0x80;
	s7 =	simm.s32 $0x1C400;
	[tilespmem:s28+$0x0] =	vst v8  }
0x37f: {  	[hbm4b:s29+s8] =	stream.strided.scatter [tilespmem:s7], [sflag:$0x3], $0x200, s24, s8, $0x38;
	[tilespmem:$0x1C600] =	vst v63  }
0x380: {  	_ =	swait.ge [sflag:s15], $0x200  }
0x381: {  	s12 =	sadd.s32 $0x1, s12;
	s30 =	rddreg [dreg:$0x6]  }
0x382: {  	p0 =	sne.s32 s12, s30  }
.Ltmp10:
0x383: {  	_ = 	snop;
	(pc) =	sbr.rel @p0 .LBB2_1-.Ltmp10, $3  }
0x384: {  	_ =	sdelay $0x1  }
0x385: {  	[sflag:s15] =	ssyncset.done $0x0  }
0x386: {  	[sflag:s15] =	ssyncadd.s32 $0xFFFFFE00  }
0x387: {  	_ =	sfence.sel $0x180000  }
0x388: {  	[bflag:$0x0] =	sbarrier.arrive $0xFFFF  }
0x389: {  	_ =	strace $0x9000004D  }
0x38a: {  	s0 =	stileid.u32;
	[bflag:$0x2] =	sbarrier.arrive $0xFFFF  }
0x38b: {  	p0 =	sne.s32 s0, $0x0;
	s0 =	rddreg [dreg:$0x4]  }
0x38c: {  	s0 =	sadd.s32 @!p0 $0x100000, s0  }
0x38d: {  	[sflag:s0] =	ssyncadd.tile.s32 @!p0 $0x1;
	_ =	shalt  }
.Lfunc_end2:
_tile_overlayer_lowered:
.L_overlay_start_2:
0x38e: {  	(tag) =	ssettag $0x2  }
0x38f: {  	s0 =	rddreg [dreg:$0x0];
	s2 =	stileid.u32  }
0x390: {  	s1 =	rddreg [dreg:$0x1];
	p0 =	sne.s32 s2, $0x0  }
0x391: {  	s3 =	rddreg [dreg:$0x2];
	[bflag:$0x3] =	sbarrier.arrive $0xFFFF;
	s2 =	simm.s32 @!p0 $0x1C03  }
0x392: {  	[timem:s3], [sflag:s2] =	dma.local @!p0 [hbm:s0], s1  }
0x393: {  	s0 =	simm.s32 @!p0 $0x3  }
0x394: {  	_ =	swait.ge @!p0 [sflag:s0], s1  }
0x395: {  	s1 =	ssub.s32 @!p0 $0x0, s1;
	[sflag:s0] =	ssyncset.done @!p0 $0x0  }
0x396: {  	[sflag:s0] =	ssyncadd.s32 @!p0 s1  }
0x397: {  	[bflag:$0x3] =	sbarrier.arrive $0xFFFF  }
0x398: {  	_ =	shalt  }

</sc_bundles>
